<compile_context>
chip_gen: v7x
topology: tpu7x:2x2x1
jax: 0.10.2.dev20260603
libtpu: 0.0.44.dev20260713+nightly
codegen_flags: <defaults>
</compile_context>

<pallas_src>
import jax
import jax.numpy as jnp
from jax import lax
from jax.experimental import pallas as pl
from jax.experimental.pallas import tpu as pltpu
from jax.experimental.pallas import tpu_sc as plsc

NC = 2
NS = 16
NW = NC * NS
L = 16

N = 10000
E = 320000
G = 64
HP = 16

NPAD = 10240
RZ = NPAD // NS
EW = E // NW
EB = 2000
NCH = EW // EB
RG = NPAD * HP // 128


def _sc_mesh():
  return plsc.VectorSubcoreMesh(
      core_axis_name="c", subcore_axis_name="s", num_cores=NC,
      num_subcores=NS)


def _deg_kernel(ei_hbm, out_hbm, dacc, idx_v, ones_v, dvm, zrows):
  c = lax.axis_index("c")
  s = lax.axis_index("s")
  w = c * NS + s

  def _fillz(i, carry):
    dvm[pl.ds(i * L, L)] = jnp.zeros((L,), jnp.float32)
    return carry

  def _fill1(i, carry):
    ones_v[pl.ds(i * L, L)] = jnp.full((L,), 1.0, jnp.float32)
    return carry

  lax.fori_loop(0, RZ // L, _fillz, 0)
  lax.fori_loop(0, EB // L, _fill1, 0)
  pltpu.sync_copy(dvm, dacc.at[pl.ds(s * RZ, RZ)])
  plsc.subcore_barrier()

  for i in range(NCH):
    off = w * EW + i * EB
    pltpu.sync_copy(ei_hbm.at[1, pl.ds(off, EB)], idx_v)
    pltpu.sync_copy(ones_v, dacc.at[idx_v], add=True)

  plsc.subcore_barrier()
  pltpu.sync_copy(dacc.at[pl.ds(s * RZ, RZ)], dvm)

  def _expand(g, carry):
    d16 = dvm[pl.ds(g * L, L)]
    for j in range(L):
      zrows[g * L + j, :] = jnp.full((L,), d16[j], jnp.float32)
    return carry

  lax.fori_loop(0, RZ // L, _expand, 0)
  pltpu.sync_copy(zrows, out_hbm.at[c, pl.ds(s * RZ, RZ)])


def _degrees(ei):
  kern = pl.kernel(
      _deg_kernel,
      out_type=jax.ShapeDtypeStruct((NC, NPAD, HP), jnp.float32),
      mesh=_sc_mesh(),
      scratch_types=[
          pltpu.VMEM_SHARED((NPAD,), jnp.float32),
          pltpu.VMEM((EB,), jnp.int32),
          pltpu.VMEM((EB,), jnp.float32),
          pltpu.VMEM((RZ,), jnp.float32),
          pltpu.VMEM((RZ, HP), jnp.float32),
      ],
      compiler_params=pltpu.CompilerParams(use_tc_tiling_on_sc=False),
  )
  return kern(ei)


def _agg_kernel(y_hbm, ei_hbm, out_hbm, ytab, acc, sidx0, sidx1, didx0,
                didx1, rows0, rows1, yrows, semd0, semd1, semg0, semg1,
                sems0, sems1, semi0, semi1):
  c = lax.axis_index("c")
  s = lax.axis_index("s")
  w = c * NS + s
  r0 = s * RZ
  sidx = [sidx0, sidx1]
  didx = [didx0, didx1]
  rows = [rows0, rows1]
  semd = [semd0, semd1]
  semg = [semg0, semg1]
  sems = [sems0, sems1]
  semi = [semi0, semi1]

  pltpu.sync_copy(ei_hbm.at[0, pl.ds(w * EW, EB)], sidx0)
  pltpu.sync_copy(ei_hbm.at[1, pl.ds(w * EW, EB)], didx0)
  pltpu.sync_copy(y_hbm.at[pl.ds(r0, RZ)], yrows)
  pltpu.sync_copy(yrows, ytab.at[pl.ds(r0, RZ)])

  @pl.when(c == 0)
  def _():
    pltpu.sync_copy(yrows, acc.at[pl.ds(r0, RZ)])

  @pl.when(c != 0)
  def _():
    def _fill(i, carry):
      rows0[i, :] = jnp.zeros((L,), jnp.float32)
      return carry

    lax.fori_loop(0, RZ, _fill, 0)
    pltpu.sync_copy(rows0.at[pl.ds(0, RZ)], acc.at[pl.ds(r0, RZ)])

  plsc.subcore_barrier()

  gather_cp = [None] * NCH
  scatter_cp = [None] * NCH
  didx_cp = [None] * NCH
  sidx_cp = [None] * NCH
  gather_cp[0] = pltpu.async_copy(ytab.at[sidx0], rows[0], semg[0])
  for i in range(NCH):
    b = i % 2
    nb = (i + 1) % 2
    if i + 1 < NCH:
      if i > 0:
        scatter_cp[i - 1].wait()
      didx_cp[i + 1] = pltpu.async_copy(
          ei_hbm.at[1, pl.ds(w * EW + (i + 1) * EB, EB)], didx[nb], semd[nb])
      sidx_cp[i + 1] = pltpu.async_copy(
          ei_hbm.at[0, pl.ds(w * EW + (i + 1) * EB, EB)], sidx[nb], semi[nb])
    elif i > 0:
      scatter_cp[i - 1].wait()
    gather_cp[i].wait()
    if i > 0:
      didx_cp[i].wait()
    scatter_cp[i] = pltpu.async_copy(
        rows[b], acc.at[didx[b]], sems[b], add=True)
    if i + 1 < NCH:
      sidx_cp[i + 1].wait()
      gather_cp[i + 1] = pltpu.async_copy(
          ytab.at[sidx[nb]], rows[nb], semg[nb])
  scatter_cp[NCH - 1].wait()

  plsc.subcore_barrier()
  pltpu.sync_copy(acc.at[pl.ds(r0, RZ)], yrows)
  pltpu.sync_copy(yrows, out_hbm.at[c, pl.ds(r0, RZ)])


def _aggregate(y, ei):
  kern = pl.kernel(
      _agg_kernel,
      out_type=jax.ShapeDtypeStruct((NC, NPAD, HP), jnp.float32),
      mesh=_sc_mesh(),
      scratch_types=[
          pltpu.VMEM_SHARED((NPAD, HP), jnp.float32),
          pltpu.VMEM_SHARED((NPAD, HP), jnp.float32),
          pltpu.VMEM((EB,), jnp.int32),
          pltpu.VMEM((EB,), jnp.int32),
          pltpu.VMEM((EB,), jnp.int32),
          pltpu.VMEM((EB,), jnp.int32),
          pltpu.VMEM((EB, HP), jnp.float32),
          pltpu.VMEM((EB, HP), jnp.float32),
          pltpu.VMEM((RZ, HP), jnp.float32),
          pltpu.SemaphoreType.DMA,
          pltpu.SemaphoreType.DMA,
          pltpu.SemaphoreType.DMA,
          pltpu.SemaphoreType.DMA,
          pltpu.SemaphoreType.DMA,
          pltpu.SemaphoreType.DMA,
          pltpu.SemaphoreType.DMA,
          pltpu.SemaphoreType.DMA,
      ],
      compiler_params=pltpu.CompilerParams(use_tc_tiling_on_sc=False),
  )
  return kern(y, ei)


def _tc1a_body(x_ref, w1_ref, xw_ref):
  xv = x_ref[:].reshape(N // 8, 8, 128)
  parts = [
      jnp.dot(xv[:, j, :], w1_ref[:], preferred_element_type=jnp.float32)
      for j in range(8)
  ]
  xw_ref[0:N // 8, :] = jnp.concatenate(parts, axis=1)
  xw_ref[N // 8:, :] = jnp.zeros((RG - N // 8, 128), jnp.float32)


def _tc1b_body(degr_ref, xw_ref, y1_ref, dinv_ref):
  dinv = lax.rsqrt(degr_ref[0:RG] + degr_ref[RG:2 * RG] + 1.0)
  dinv_ref[:] = dinv
  y1_ref[:] = xw_ref[:] * dinv


def _tc2_body(dinv_ref, agg1r_ref, w2bd_ref, b1g_ref, y2_ref):
  dinv = dinv_ref[:]
  sfull = agg1r_ref[0:RG] + agg1r_ref[RG:2 * RG]
  h1 = jax.nn.relu(dinv * sfull + b1g_ref[:])
  y2_ref[:] = jnp.dot(h1, w2bd_ref[:],
                      preferred_element_type=jnp.float32) * dinv


def _tc3_body(dinv_ref, agg2r_ref, b2g_ref, bt_ref, wlin_ref, blin_ref,
              out_ref):
  h2 = jax.nn.relu(
      dinv_ref[:] * (agg2r_ref[0:RG] + agg2r_ref[RG:2 * RG]) + b2g_ref[:])
  bt = bt_ref[:]
  gid = lax.broadcasted_iota(jnp.int32, (G, 1), 0)
  pooled = jnp.zeros((G, HP), jnp.float32)
  cnt = jnp.zeros((G, 1), jnp.float32)
  for j in range(8):
    mj = (bt[j:j + 1, :] == gid).astype(jnp.float32)
    pj = jnp.dot(mj, h2, preferred_element_type=jnp.float32)
    pooled = pooled + pj[:, HP * j:HP * (j + 1)]
    cnt = cnt + jnp.sum(mj, axis=1, keepdims=True)
  pooled = pooled / jnp.maximum(cnt, 1.0)
  out_ref[:] = jnp.dot(pooled, wlin_ref[:],
                       preferred_element_type=jnp.float32) + blin_ref[:]


def kernel(x, edge_index, batch, W1, b1, W2, b2, Wlin, blin):
  C = Wlin.shape[1]
  H2 = W2.shape[1]

  degp = _degrees(edge_index)

  xwg = pl.pallas_call(
      _tc1a_body,
      out_shape=jax.ShapeDtypeStruct((RG, 128), jnp.float32),
  )(x, W1)

  y1g, dinvg = pl.pallas_call(
      _tc1b_body,
      out_shape=[
          jax.ShapeDtypeStruct((RG, 128), jnp.float32),
          jax.ShapeDtypeStruct((RG, 128), jnp.float32),
      ],
  )(jnp.reshape(degp, (NC * RG, 128)), xwg)

  agg1 = _aggregate(jnp.reshape(y1g, (NPAD, HP)), edge_index)

  w2bd = jnp.kron(jnp.eye(8, dtype=jnp.float32),
                  jnp.pad(W2, ((0, 0), (0, HP - H2))))
  b1g = jnp.tile(b1, 8).reshape(1, 128)
  y2g = pl.pallas_call(
      _tc2_body,
      out_shape=jax.ShapeDtypeStruct((RG, 128), jnp.float32),
  )(dinvg, jnp.reshape(agg1, (NC * RG, 128)), w2bd, b1g)

  agg2 = _aggregate(jnp.reshape(y2g, (NPAD, HP)), edge_index)

  b2g = jnp.tile(jnp.pad(b2, (0, HP - H2)), 8).reshape(1, 128)
  bt = jnp.concatenate(
      [batch, jnp.full((NPAD - N,), -1, jnp.int32)]).reshape(RG, 8).T
  wlinp = jnp.pad(Wlin, ((0, HP - H2), (0, 0)))
  out = pl.pallas_call(
      _tc3_body,
      out_shape=jax.ShapeDtypeStruct((G, C), jnp.float32),
  )(dinvg, jnp.reshape(agg2, (NC * RG, 128)), b2g, bt, wlinp,
    blin.reshape(1, C))
  return out

# --- scband reference (transcript-rebuilt; emitter-appended) ---
"""Pipeline reference for scband-player-performance-gnn-60026462929065 (READ-ONLY COPY).

The authoritative reference and input builder live on the scoring server;
editing this copy changes nothing except your own understanding.
"""

import jax, jax.numpy as jnp
import numpy as np

N = 10000
E = 320000
F = 128
H1 = 16
H2 = 8
C = 10
G = 64


def setup_inputs(seed: int = 0) -> dict:
    key = jax.random.key(seed)
    ks = jax.random.split(key, 10)
    x = jax.random.normal(ks[0], (N, F), dtype=jnp.float32)
    edge_index = jax.random.randint(ks[1], (2, E), 0, N, dtype=jnp.int32)
    batch = jnp.sort(jax.random.randint(ks[2], (N,), 0, G, dtype=jnp.int32))
    W1 = jax.random.normal(ks[3], (F, H1), dtype=jnp.float32) * (1.0 / np.sqrt(F))
    b1 = jnp.zeros((H1,), dtype=jnp.float32)
    W2 = jax.random.normal(ks[4], (H1, H2), dtype=jnp.float32) * (1.0 / np.sqrt(H1))
    b2 = jnp.zeros((H2,), dtype=jnp.float32)
    Wlin = jax.random.normal(ks[5], (H2, C), dtype=jnp.float32) * (1.0 / np.sqrt(H2))
    blin = jnp.zeros((C,), dtype=jnp.float32)
    return {"x": x, "edge_index": edge_index, "batch": batch,
            "W1": W1, "b1": b1, "W2": W2, "b2": b2, "Wlin": Wlin, "blin": blin}


def _gcn_conv(x, edge_index, W, b):
    # GCNConv: add self-loops, symmetric D^{-1/2}(A+I)D^{-1/2} normalization
    loop = jnp.arange(N, dtype=edge_index.dtype)
    src = jnp.concatenate([edge_index[0], loop])
    dst = jnp.concatenate([edge_index[1], loop])
    xw = x @ W
    deg = jnp.zeros((N,), dtype=x.dtype).at[dst].add(1.0)
    dinv = jnp.where(deg > 0, 1.0 / jnp.sqrt(deg), 0.0)
    norm = dinv[src] * dinv[dst]
    msg = jnp.take(xw, src, axis=0) * norm[:, None]
    out = jnp.zeros((N, W.shape[1]), dtype=x.dtype).at[dst].add(msg)
    return out + b


def reference(x, edge_index, batch, W1, b1, W2, b2, Wlin, blin):
    h = jax.nn.relu(_gcn_conv(x, edge_index, W1, b1))
    h = jax.nn.relu(_gcn_conv(h, edge_index, W2, b2))
    s = jax.ops.segment_sum(h, batch, num_segments=G)
    cnt = jax.ops.segment_sum(jnp.ones((N, 1), dtype=h.dtype), batch, num_segments=G)
    pooled = s / jnp.maximum(cnt, 1.0)
    return pooled @ Wlin + blin

if __name__ == "__main__":
    import jax
    _d = setup_inputs()
    print(jax.jit(kernel)(*tuple(_d.values())))

</pallas_src>

<mosaic_0001>
#map = affine_map<(d0, d1) -> (0, 0)>
#map1 = affine_map<(d0, d1) -> (0, 0, 0)>
module attributes {stable_mosaic.version = 14 : i64} {
  func.func @_agg_kernel(%arg0: i32, %arg1: i32, %arg2: memref<10240x16xf32, #tpu.memory_space<hbm>>, %arg3: memref<2x320000xi32, #tpu.memory_space<hbm>>, %arg4: memref<2x10240x16xf32, #tpu.memory_space<hbm>>, %arg5: memref<10240x16xf32, #tpu.memory_space<vmem_shared>>, %arg6: memref<10240x16xf32, #tpu.memory_space<vmem_shared>>, %arg7: memref<2000xi32, #tpu.memory_space<vmem>>, %arg8: memref<2000xi32, #tpu.memory_space<vmem>>, %arg9: memref<2000xi32, #tpu.memory_space<vmem>>, %arg10: memref<2000xi32, #tpu.memory_space<vmem>>, %arg11: memref<2000x16xf32, #tpu.memory_space<vmem>>, %arg12: memref<2000x16xf32, #tpu.memory_space<vmem>>, %arg13: memref<640x16xf32, #tpu.memory_space<vmem>>, %arg14: memref<!tpu.dma_semaphore, #tpu.memory_space<semaphore_mem>>, %arg15: memref<!tpu.dma_semaphore, #tpu.memory_space<semaphore_mem>>, %arg16: memref<!tpu.dma_semaphore, #tpu.memory_space<semaphore_mem>>, %arg17: memref<!tpu.dma_semaphore, #tpu.memory_space<semaphore_mem>>, %arg18: memref<!tpu.dma_semaphore, #tpu.memory_space<semaphore_mem>>, %arg19: memref<!tpu.dma_semaphore, #tpu.memory_space<semaphore_mem>>, %arg20: memref<!tpu.dma_semaphore, #tpu.memory_space<semaphore_mem>>, %arg21: memref<!tpu.dma_semaphore, #tpu.memory_space<semaphore_mem>>) attributes {dimension_semantics = [#tpu.dimension_semantics<core_parallel>, #tpu.dimension_semantics<subcore_parallel>], iteration_bounds = array<i64: 2, 16>, scalar_prefetch = 0 : i64, scratch_operands = 17 : i64, tpu.core_type = #tpu.core_type<sc_vector_subcore>, window_params = [{transform_indices = #map}, {transform_indices = #map}, {transform_indices = #map1}]} {
    %mul3A = arith.constant 16 : i32
    %mul3A_0 = arith.muli %arg0, %mul3A : i32
    %add3A = arith.addi %mul3A_0, %arg1 : i32
    %mul3A_1 = arith.constant 640 : i32
    %mul3A_2 = arith.muli %arg1, %mul3A_1 : i32
    %mul3A_3 = arith.constant 10000 : i32
    %mul3A_4 = arith.muli %add3A, %mul3A_3 : i32
    %run_scoped3A = arith.constant 0 : i32
    "tpu.region"() ({
      %run_scoped3A_185 = tpu.sem_alloc : memref<!tpu.dma_semaphore, #tpu.memory_space<semaphore_mem>>
      %dma_start3A_186 = tpu.memref_slice %arg3[%run_scoped3A, %mul3A_4] : memref<2x320000xi32, #tpu.memory_space<hbm>> -> memref<1x2000xi32, #tpu.memory_space<hbm>>
      %dma_start3A_187 = tpu.memref_squeeze %dma_start3A_186 : memref<1x2000xi32, #tpu.memory_space<hbm>> -> memref<2000xi32, #tpu.memory_space<hbm>>
      %dma_start3A_188 = tpu.memref_slice %arg3[%run_scoped3A, %mul3A_4] : memref<2x320000xi32, #tpu.memory_space<hbm>> -> memref<1x2000xi32, #tpu.memory_space<hbm>>
      %dma_start3A_189 = tpu.memref_squeeze %dma_start3A_188 : memref<1x2000xi32, #tpu.memory_space<hbm>> -> memref<2000xi32, #tpu.memory_space<hbm>>
      tpu.enqueue_dma source(%dma_start3A_189 : memref<2000xi32, #tpu.memory_space<hbm>>) target(%arg7 : memref<2000xi32, #tpu.memory_space<vmem>>) target_semaphore(%run_scoped3A_185 : memref<!tpu.dma_semaphore, #tpu.memory_space<semaphore_mem>>)
      %dma_wait3A_190 = tpu.memref_slice %arg3[%run_scoped3A, %mul3A_4] : memref<2x320000xi32, #tpu.memory_space<hbm>> -> memref<1x2000xi32, #tpu.memory_space<hbm>>
      %dma_wait3A_191 = tpu.memref_squeeze %dma_wait3A_190 : memref<1x2000xi32, #tpu.memory_space<hbm>> -> memref<2000xi32, #tpu.memory_space<hbm>>
      %dma_wait3A_192 = tpu.memref_slice %arg3[%run_scoped3A, %mul3A_4] : memref<2x320000xi32, #tpu.memory_space<hbm>> -> memref<1x2000xi32, #tpu.memory_space<hbm>>
      %dma_wait3A_193 = tpu.memref_squeeze %dma_wait3A_192 : memref<1x2000xi32, #tpu.memory_space<hbm>> -> memref<2000xi32, #tpu.memory_space<hbm>>
      tpu.wait_dma2 semaphore(%run_scoped3A_185 : memref<!tpu.dma_semaphore, #tpu.memory_space<semaphore_mem>>) src(%dma_wait3A_193 : memref<2000xi32, #tpu.memory_space<hbm>>) dst(%arg7 : memref<2000xi32, #tpu.memory_space<vmem>>)
      tpu.yield
    }) : () -> ()
    %mul3A_5 = arith.constant 10000 : i32
    %mul3A_6 = arith.muli %add3A, %mul3A_5 : i32
    %run_scoped3A_7 = arith.constant 1 : i32
    "tpu.region"() ({
      %run_scoped3A_185 = tpu.sem_alloc : memref<!tpu.dma_semaphore, #tpu.memory_space<semaphore_mem>>
      %dma_start3A_186 = tpu.memref_slice %arg3[%run_scoped3A_7, %mul3A_6] : memref<2x320000xi32, #tpu.memory_space<hbm>> -> memref<1x2000xi32, #tpu.memory_space<hbm>>
      %dma_start3A_187 = tpu.memref_squeeze %dma_start3A_186 : memref<1x2000xi32, #tpu.memory_space<hbm>> -> memref<2000xi32, #tpu.memory_space<hbm>>
      %dma_start3A_188 = tpu.memref_slice %arg3[%run_scoped3A_7, %mul3A_6] : memref<2x320000xi32, #tpu.memory_space<hbm>> -> memref<1x2000xi32, #tpu.memory_space<hbm>>
      %dma_start3A_189 = tpu.memref_squeeze %dma_start3A_188 : memref<1x2000xi32, #tpu.memory_space<hbm>> -> memref<2000xi32, #tpu.memory_space<hbm>>
      tpu.enqueue_dma source(%dma_start3A_189 : memref<2000xi32, #tpu.memory_space<hbm>>) target(%arg9 : memref<2000xi32, #tpu.memory_space<vmem>>) target_semaphore(%run_scoped3A_185 : memref<!tpu.dma_semaphore, #tpu.memory_space<semaphore_mem>>)
      %dma_wait3A_190 = tpu.memref_slice %arg3[%run_scoped3A_7, %mul3A_6] : memref<2x320000xi32, #tpu.memory_space<hbm>> -> memref<1x2000xi32, #tpu.memory_space<hbm>>
      %dma_wait3A_191 = tpu.memref_squeeze %dma_wait3A_190 : memref<1x2000xi32, #tpu.memory_space<hbm>> -> memref<2000xi32, #tpu.memory_space<hbm>>
      %dma_wait3A_192 = tpu.memref_slice %arg3[%run_scoped3A_7, %mul3A_6] : memref<2x320000xi32, #tpu.memory_space<hbm>> -> memref<1x2000xi32, #tpu.memory_space<hbm>>
      %dma_wait3A_193 = tpu.memref_squeeze %dma_wait3A_192 : memref<1x2000xi32, #tpu.memory_space<hbm>> -> memref<2000xi32, #tpu.memory_space<hbm>>
      tpu.wait_dma2 semaphore(%run_scoped3A_185 : memref<!tpu.dma_semaphore, #tpu.memory_space<semaphore_mem>>) src(%dma_wait3A_193 : memref<2000xi32, #tpu.memory_space<hbm>>) dst(%arg9 : memref<2000xi32, #tpu.memory_space<vmem>>)
      tpu.yield
    }) : () -> ()
    "tpu.region"() ({
      %run_scoped3A_185 = tpu.sem_alloc : memref<!tpu.dma_semaphore, #tpu.memory_space<semaphore_mem>>
      %dma_start3A_186 = arith.constant 0 : i32
      %dma_start3A_187 = tpu.memref_slice %arg2[%mul3A_2, %dma_start3A_186] : memref<10240x16xf32, #tpu.memory_space<hbm>> -> memref<640x16xf32, #tpu.memory_space<hbm>>
      %dma_start3A_188 = arith.constant 0 : i32
      %dma_start3A_189 = tpu.memref_slice %arg2[%mul3A_2, %dma_start3A_188] : memref<10240x16xf32, #tpu.memory_space<hbm>> -> memref<640x16xf32, #tpu.memory_space<hbm>>
      tpu.enqueue_dma source(%dma_start3A_189 : memref<640x16xf32, #tpu.memory_space<hbm>>) target(%arg13 : memref<640x16xf32, #tpu.memory_space<vmem>>) target_semaphore(%run_scoped3A_185 : memref<!tpu.dma_semaphore, #tpu.memory_space<semaphore_mem>>)
      %dma_wait3A_190 = arith.constant 0 : i32
      %dma_wait3A_191 = tpu.memref_slice %arg2[%mul3A_2, %dma_wait3A_190] : memref<10240x16xf32, #tpu.memory_space<hbm>> -> memref<640x16xf32, #tpu.memory_space<hbm>>
      %dma_wait3A_192 = arith.constant 0 : i32
      %dma_wait3A_193 = tpu.memref_slice %arg2[%mul3A_2, %dma_wait3A_192] : memref<10240x16xf32, #tpu.memory_space<hbm>> -> memref<640x16xf32, #tpu.memory_space<hbm>>
      tpu.wait_dma2 semaphore(%run_scoped3A_185 : memref<!tpu.dma_semaphore, #tpu.memory_space<semaphore_mem>>) src(%dma_wait3A_193 : memref<640x16xf32, #tpu.memory_space<hbm>>) dst(%arg13 : memref<640x16xf32, #tpu.memory_space<vmem>>)
      tpu.yield
    }) : () -> ()
    "tpu.region"() ({
      %run_scoped3A_185 = tpu.sem_alloc : memref<!tpu.dma_semaphore, #tpu.memory_space<semaphore_mem>>
      %dma_start3A_186 = arith.constant 0 : i32
      %dma_start3A_187 = tpu.memref_slice %arg5[%mul3A_2, %dma_start3A_186] : memref<10240x16xf32, #tpu.memory_space<vmem_shared>> -> memref<640x16xf32, #tpu.memory_space<vmem_shared>>
      %dma_start3A_188 = arith.constant 0 : i32
      %dma_start3A_189 = tpu.memref_slice %arg5[%mul3A_2, %dma_start3A_188] : memref<10240x16xf32, #tpu.memory_space<vmem_shared>> -> memref<640x16xf32, #tpu.memory_space<vmem_shared>>
      tpu.enqueue_dma source(%arg13 : memref<640x16xf32, #tpu.memory_space<vmem>>) target(%dma_start3A_189 : memref<640x16xf32, #tpu.memory_space<vmem_shared>>) target_semaphore(%run_scoped3A_185 : memref<!tpu.dma_semaphore, #tpu.memory_space<semaphore_mem>>)
      %dma_wait3A_190 = arith.constant 0 : i32
      %dma_wait3A_191 = tpu.memref_slice %arg5[%mul3A_2, %dma_wait3A_190] : memref<10240x16xf32, #tpu.memory_space<vmem_shared>> -> memref<640x16xf32, #tpu.memory_space<vmem_shared>>
      %dma_wait3A_192 = arith.constant 0 : i32
      %dma_wait3A_193 = tpu.memref_slice %arg5[%mul3A_2, %dma_wait3A_192] : memref<10240x16xf32, #tpu.memory_space<vmem_shared>> -> memref<640x16xf32, #tpu.memory_space<vmem_shared>>
      tpu.wait_dma2 semaphore(%run_scoped3A_185 : memref<!tpu.dma_semaphore, #tpu.memory_space<semaphore_mem>>) src(%arg13 : memref<640x16xf32, #tpu.memory_space<vmem>>) dst(%dma_wait3A_193 : memref<640x16xf32, #tpu.memory_space<vmem_shared>>)
      tpu.yield
    }) : () -> ()
    %eq3A = arith.constant 0 : i32
    %eq3A_8 = arith.cmpi eq, %arg0, %eq3A : i32
    %convert_element_type3A = arith.extui %eq3A_8 : i1 to i32
    %cond3A = arith.constant 0 : i32
    %cond3A_9 = arith.cmpi ne, %convert_element_type3A, %cond3A : i32
    scf.if %cond3A_9 {
      "tpu.region"() ({
        %run_scoped3A_185 = tpu.sem_alloc : memref<!tpu.dma_semaphore, #tpu.memory_space<semaphore_mem>>
        %dma_start3A_186 = arith.constant 0 : i32
        %dma_start3A_187 = tpu.memref_slice %arg6[%mul3A_2, %dma_start3A_186] : memref<10240x16xf32, #tpu.memory_space<vmem_shared>> -> memref<640x16xf32, #tpu.memory_space<vmem_shared>>
        %dma_start3A_188 = arith.constant 0 : i32
        %dma_start3A_189 = tpu.memref_slice %arg6[%mul3A_2, %dma_start3A_188] : memref<10240x16xf32, #tpu.memory_space<vmem_shared>> -> memref<640x16xf32, #tpu.memory_space<vmem_shared>>
        tpu.enqueue_dma source(%arg13 : memref<640x16xf32, #tpu.memory_space<vmem>>) target(%dma_start3A_189 : memref<640x16xf32, #tpu.memory_space<vmem_shared>>) target_semaphore(%run_scoped3A_185 : memref<!tpu.dma_semaphore, #tpu.memory_space<semaphore_mem>>)
        %dma_wait3A_190 = arith.constant 0 : i32
        %dma_wait3A_191 = tpu.memref_slice %arg6[%mul3A_2, %dma_wait3A_190] : memref<10240x16xf32, #tpu.memory_space<vmem_shared>> -> memref<640x16xf32, #tpu.memory_space<vmem_shared>>
        %dma_wait3A_192 = arith.constant 0 : i32
        %dma_wait3A_193 = tpu.memref_slice %arg6[%mul3A_2, %dma_wait3A_192] : memref<10240x16xf32, #tpu.memory_space<vmem_shared>> -> memref<640x16xf32, #tpu.memory_space<vmem_shared>>
        tpu.wait_dma2 semaphore(%run_scoped3A_185 : memref<!tpu.dma_semaphore, #tpu.memory_space<semaphore_mem>>) src(%arg13 : memref<640x16xf32, #tpu.memory_space<vmem>>) dst(%dma_wait3A_193 : memref<640x16xf32, #tpu.memory_space<vmem_shared>>)
        tpu.yield
      }) : () -> ()
    } else {
    }
    %ne3A = arith.constant 0 : i32
    %ne3A_10 = arith.cmpi ne, %arg0, %ne3A : i32
    %convert_element_type3A_11 = arith.extui %ne3A_10 : i1 to i32
    %cond3A_12 = arith.constant 0 : i32
    %cond3A_13 = arith.cmpi ne, %convert_element_type3A_11, %cond3A_12 : i32
    scf.if %cond3A_13 {
      %scan3A = arith.constant 0 : i32
      %scan3A_185 = arith.constant 0 : i32
      %scan3A_186 = arith.constant 640 : i32
      %scan3A_187 = arith.addi %scan3A_185, %scan3A_186 : i32
      %scan3A_188 = arith.constant 1 : i32
      scf.for %scan3A_190 = %scan3A_185 to %scan3A_187 step %scan3A_188  : i32 {
        %broadcast_in_dim3A = arith.constant 0.000000e+00 : f32
        %broadcast_in_dim3A_191 = vector.broadcast %broadcast_in_dim3A : f32 to vector<16xf32>
        %swap3A = arith.index_cast %scan3A_190 : i32 to index
        %swap3A_192 = arith.constant 0 : index
        %swap3A_193 = tpu.vector_load %arg11[%swap3A, %swap3A_192] {strides = array<i32>} : memref<2000x16xf32, #tpu.memory_space<vmem>>, vector<1x16xf32>,
        %swap3A_194 = vector.shape_cast %swap3A_193 : vector<1x16xf32> to vector<16xf32>
        %swap3A_195 = vector.shape_cast %broadcast_in_dim3A_191 : vector<16xf32> to vector<1x16xf32>
        tpu.vector_store %arg11[%swap3A, %swap3A_192], %swap3A_195 {strides = array<i32>} : memref<2000x16xf32, #tpu.memory_space<vmem>>, vector<1x16xf32>,
      }
      %scan3A_189 = arith.constant 640 : i32
      "tpu.region"() ({
        %run_scoped3A_190 = tpu.sem_alloc : memref<!tpu.dma_semaphore, #tpu.memory_space<semaphore_mem>>
        %dma_start3A_191 = arith.constant 0 : i32
        %dma_start3A_192 = arith.constant 0 : i32
        %dma_start3A_193 = tpu.memref_slice %arg11[%dma_start3A_191, %dma_start3A_192] : memref<2000x16xf32, #tpu.memory_space<vmem>> -> memref<640x16xf32, #tpu.memory_space<vmem>>
        %dma_start3A_194 = arith.constant 0 : i32
        %dma_start3A_195 = tpu.memref_slice %arg6[%mul3A_2, %dma_start3A_194] : memref<10240x16xf32, #tpu.memory_space<vmem_shared>> -> memref<640x16xf32, #tpu.memory_space<vmem_shared>>
        %dma_start3A_196 = arith.constant 0 : i32
        %dma_start3A_197 = tpu.memref_slice %arg6[%mul3A_2, %dma_start3A_196] : memref<10240x16xf32, #tpu.memory_space<vmem_shared>> -> memref<640x16xf32, #tpu.memory_space<vmem_shared>>
        %dma_start3A_198 = arith.constant 0 : i32
        %dma_start3A_199 = arith.constant 0 : i32
        %dma_start3A_200 = tpu.memref_slice %arg11[%dma_start3A_198, %dma_start3A_199] : memref<2000x16xf32, #tpu.memory_space<vmem>> -> memref<640x16xf32, #tpu.memory_space<vmem>>
        tpu.enqueue_dma source(%dma_start3A_200 : memref<640x16xf32, #tpu.memory_space<vmem>>) target(%dma_start3A_197 : memref<640x16xf32, #tpu.memory_space<vmem_shared>>) target_semaphore(%run_scoped3A_190 : memref<!tpu.dma_semaphore, #tpu.memory_space<semaphore_mem>>)
        %dma_wait3A_201 = arith.constant 0 : i32
        %dma_wait3A_202 = arith.constant 0 : i32
        %dma_wait3A_203 = tpu.memref_slice %arg11[%dma_wait3A_201, %dma_wait3A_202] : memref<2000x16xf32, #tpu.memory_space<vmem>> -> memref<640x16xf32, #tpu.memory_space<vmem>>
        %dma_wait3A_204 = arith.constant 0 : i32
        %dma_wait3A_205 = tpu.memref_slice %arg6[%mul3A_2, %dma_wait3A_204] : memref<10240x16xf32, #tpu.memory_space<vmem_shared>> -> memref<640x16xf32, #tpu.memory_space<vmem_shared>>
        %dma_wait3A_206 = arith.constant 0 : i32
        %dma_wait3A_207 = tpu.memref_slice %arg6[%mul3A_2, %dma_wait3A_206] : memref<10240x16xf32, #tpu.memory_space<vmem_shared>> -> memref<640x16xf32, #tpu.memory_space<vmem_shared>>
        %dma_wait3A_208 = arith.constant 0 : i32
        %dma_wait3A_209 = arith.constant 0 : i32
        %dma_wait3A_210 = tpu.memref_slice %arg11[%dma_wait3A_208, %dma_wait3A_209] : memref<2000x16xf32, #tpu.memory_space<vmem>> -> memref<640x16xf32, #tpu.memory_space<vmem>>
        tpu.wait_dma2 semaphore(%run_scoped3A_190 : memref<!tpu.dma_semaphore, #tpu.memory_space<semaphore_mem>>) src(%dma_wait3A_210 : memref<640x16xf32, #tpu.memory_space<vmem>>) dst(%dma_wait3A_207 : memref<640x16xf32, #tpu.memory_space<vmem_shared>>)
        tpu.yield
      }) : () -> ()
    } else {
    }
    %barrier3A = arith.constant 0 : index
    tpu.barrier barrier_id(%barrier3A)
    %dma_start3A = arith.constant 0 : i32
    %dma_start3A_14 = arith.constant 0 : i32
    %dma_start3A_15 = tpu.memref_slice %arg5[%dma_start3A, %dma_start3A_14] : memref<10240x16xf32, #tpu.memory_space<vmem_shared>> -> memref<10240x16xf32, #tpu.memory_space<vmem_shared>>
    tpu.enqueue_indirect_dma source(%dma_start3A_15 : memref<10240x16xf32, #tpu.memory_space<vmem_shared>>) target(%arg11 : memref<2000x16xf32, #tpu.memory_space<vmem>>) offsets(%arg7 : memref<2000xi32, #tpu.memory_space<vmem>>) semaphore(%arg16 : memref<!tpu.dma_semaphore, #tpu.memory_space<semaphore_mem>>)
    %mul3A_16 = arith.constant 10000 : i32
    %mul3A_17 = arith.muli %add3A, %mul3A_16 : i32
    %add3A_18 = arith.constant 2000 : i32
    %add3A_19 = arith.addi %mul3A_17, %add3A_18 : i32
    %dma_start3A_20 = arith.constant 1 : i32
    %dma_start3A_21 = tpu.memref_slice %arg3[%dma_start3A_20, %add3A_19] : memref<2x320000xi32, #tpu.memory_space<hbm>> -> memref<1x2000xi32, #tpu.memory_space<hbm>>
    %dma_start3A_22 = tpu.memref_squeeze %dma_start3A_21 : memref<1x2000xi32, #tpu.memory_space<hbm>> -> memref<2000xi32, #tpu.memory_space<hbm>>
    %dma_start3A_23 = tpu.memref_slice %arg3[%dma_start3A_20, %add3A_19] : memref<2x320000xi32, #tpu.memory_space<hbm>> -> memref<1x2000xi32, #tpu.memory_space<hbm>>
    %dma_start3A_24 = tpu.memref_squeeze %dma_start3A_23 : memref<1x2000xi32, #tpu.memory_space<hbm>> -> memref<2000xi32, #tpu.memory_space<hbm>>
    tpu.enqueue_dma source(%dma_start3A_24 : memref<2000xi32, #tpu.memory_space<hbm>>) target(%arg10 : memref<2000xi32, #tpu.memory_space<vmem>>) target_semaphore(%arg15 : memref<!tpu.dma_semaphore, #tpu.memory_space<semaphore_mem>>)
    %mul3A_25 = arith.constant 10000 : i32
    %mul3A_26 = arith.muli %add3A, %mul3A_25 : i32
    %add3A_27 = arith.constant 2000 : i32
    %add3A_28 = arith.addi %mul3A_26, %add3A_27 : i32
    %dma_start3A_29 = arith.constant 0 : i32
    %dma_start3A_30 = tpu.memref_slice %arg3[%dma_start3A_29, %add3A_28] : memref<2x320000xi32, #tpu.memory_space<hbm>> -> memref<1x2000xi32, #tpu.memory_space<hbm>>
    %dma_start3A_31 = tpu.memref_squeeze %dma_start3A_30 : memref<1x2000xi32, #tpu.memory_space<hbm>> -> memref<2000xi32, #tpu.memory_space<hbm>>
    %dma_start3A_32 = tpu.memref_slice %arg3[%dma_start3A_29, %add3A_28] : memref<2x320000xi32, #tpu.memory_space<hbm>> -> memref<1x2000xi32, #tpu.memory_space<hbm>>
    %dma_start3A_33 = tpu.memref_squeeze %dma_start3A_32 : memref<1x2000xi32, #tpu.memory_space<hbm>> -> memref<2000xi32, #tpu.memory_space<hbm>>
    tpu.enqueue_dma source(%dma_start3A_33 : memref<2000xi32, #tpu.memory_space<hbm>>) target(%arg8 : memref<2000xi32, #tpu.memory_space<vmem>>) target_semaphore(%arg21 : memref<!tpu.dma_semaphore, #tpu.memory_space<semaphore_mem>>)
    %dma_wait3A = arith.constant 0 : i32
    %dma_wait3A_34 = arith.constant 0 : i32
    %dma_wait3A_35 = tpu.memref_slice %arg5[%dma_wait3A, %dma_wait3A_34] : memref<10240x16xf32, #tpu.memory_space<vmem_shared>> -> memref<10240x16xf32, #tpu.memory_space<vmem_shared>>
    tpu.wait_indirect_dma semaphore(%arg16 : memref<!tpu.dma_semaphore, #tpu.memory_space<semaphore_mem>>) src(%dma_wait3A_35 : memref<10240x16xf32, #tpu.memory_space<vmem_shared>>) dst(%arg11 : memref<2000x16xf32, #tpu.memory_space<vmem>>)
    %dma_start3A_36 = arith.constant 0 : i32
    %dma_start3A_37 = arith.constant 0 : i32
    %dma_start3A_38 = tpu.memref_slice %arg6[%dma_start3A_36, %dma_start3A_37] : memref<10240x16xf32, #tpu.memory_space<vmem_shared>> -> memref<10240x16xf32, #tpu.memory_space<vmem_shared>>
    tpu.enqueue_indirect_dma source(%arg11 : memref<2000x16xf32, #tpu.memory_space<vmem>>) target(%dma_start3A_38 : memref<10240x16xf32, #tpu.memory_space<vmem_shared>>) offsets(%arg9 : memref<2000xi32, #tpu.memory_space<vmem>>) semaphore(%arg18 : memref<!tpu.dma_semaphore, #tpu.memory_space<semaphore_mem>>) {add = true}
    %dma_wait3A_39 = arith.constant 0 : i32
    %dma_wait3A_40 = tpu.memref_slice %arg3[%dma_wait3A_39, %add3A_28] : memref<2x320000xi32, #tpu.memory_space<hbm>> -> memref<1x2000xi32, #tpu.memory_space<hbm>>
    %dma_wait3A_41 = tpu.memref_squeeze %dma_wait3A_40 : memref<1x2000xi32, #tpu.memory_space<hbm>> -> memref<2000xi32, #tpu.memory_space<hbm>>
    %dma_wait3A_42 = tpu.memref_slice %arg3[%dma_wait3A_39, %add3A_28] : memref<2x320000xi32, #tpu.memory_space<hbm>> -> memref<1x2000xi32, #tpu.memory_space<hbm>>
    %dma_wait3A_43 = tpu.memref_squeeze %dma_wait3A_42 : memref<1x2000xi32, #tpu.memory_space<hbm>> -> memref<2000xi32, #tpu.memory_space<hbm>>
    tpu.wait_dma2 semaphore(%arg21 : memref<!tpu.dma_semaphore, #tpu.memory_space<semaphore_mem>>) src(%dma_wait3A_43 : memref<2000xi32, #tpu.memory_space<hbm>>) dst(%arg8 : memref<2000xi32, #tpu.memory_space<vmem>>)
    %dma_start3A_44 = arith.constant 0 : i32
    %dma_start3A_45 = arith.constant 0 : i32
    %dma_start3A_46 = tpu.memref_slice %arg5[%dma_start3A_44, %dma_start3A_45] : memref<10240x16xf32, #tpu.memory_space<vmem_shared>> -> memref<10240x16xf32, #tpu.memory_space<vmem_shared>>
    tpu.enqueue_indirect_dma source(%dma_start3A_46 : memref<10240x16xf32, #tpu.memory_space<vmem_shared>>) target(%arg12 : memref<2000x16xf32, #tpu.memory_space<vmem>>) offsets(%arg8 : memref<2000xi32, #tpu.memory_space<vmem>>) semaphore(%arg17 : memref<!tpu.dma_semaphore, #tpu.memory_space<semaphore_mem>>)
    %dma_wait3A_47 = arith.constant 0 : i32
    %dma_wait3A_48 = arith.constant 0 : i32
    %dma_wait3A_49 = tpu.memref_slice %arg6[%dma_wait3A_47, %dma_wait3A_48] : memref<10240x16xf32, #tpu.memory_space<vmem_shared>> -> memref<10240x16xf32, #tpu.memory_space<vmem_shared>>
    tpu.wait_indirect_dma semaphore(%arg18 : memref<!tpu.dma_semaphore, #tpu.memory_space<semaphore_mem>>) src(%arg11 : memref<2000x16xf32, #tpu.memory_space<vmem>>) dst(%dma_wait3A_49 : memref<10240x16xf32, #tpu.memory_space<vmem_shared>>)
    %mul3A_50 = arith.constant 10000 : i32
    %mul3A_51 = arith.muli %add3A, %mul3A_50 : i32
    %add3A_52 = arith.constant 4000 : i32
    %add3A_53 = arith.addi %mul3A_51, %add3A_52 : i32
    %dma_start3A_54 = arith.constant 1 : i32
    %dma_start3A_55 = tpu.memref_slice %arg3[%dma_start3A_54, %add3A_53] : memref<2x320000xi32, #tpu.memory_space<hbm>> -> memref<1x2000xi32, #tpu.memory_space<hbm>>
    %dma_start3A_56 = tpu.memref_squeeze %dma_start3A_55 : memref<1x2000xi32, #tpu.memory_space<hbm>> -> memref<2000xi32, #tpu.memory_space<hbm>>
    %dma_start3A_57 = tpu.memref_slice %arg3[%dma_start3A_54, %add3A_53] : memref<2x320000xi32, #tpu.memory_space<hbm>> -> memref<1x2000xi32, #tpu.memory_space<hbm>>
    %dma_start3A_58 = tpu.memref_squeeze %dma_start3A_57 : memref<1x2000xi32, #tpu.memory_space<hbm>> -> memref<2000xi32, #tpu.memory_space<hbm>>
    tpu.enqueue_dma source(%dma_start3A_58 : memref<2000xi32, #tpu.memory_space<hbm>>) target(%arg9 : memref<2000xi32, #tpu.memory_space<vmem>>) target_semaphore(%arg14 : memref<!tpu.dma_semaphore, #tpu.memory_space<semaphore_mem>>)
    %mul3A_59 = arith.constant 10000 : i32
    %mul3A_60 = arith.muli %add3A, %mul3A_59 : i32
    %add3A_61 = arith.constant 4000 : i32
    %add3A_62 = arith.addi %mul3A_60, %add3A_61 : i32
    %dma_start3A_63 = arith.constant 0 : i32
    %dma_start3A_64 = tpu.memref_slice %arg3[%dma_start3A_63, %add3A_62] : memref<2x320000xi32, #tpu.memory_space<hbm>> -> memref<1x2000xi32, #tpu.memory_space<hbm>>
    %dma_start3A_65 = tpu.memref_squeeze %dma_start3A_64 : memref<1x2000xi32, #tpu.memory_space<hbm>> -> memref<2000xi32, #tpu.memory_space<hbm>>
    %dma_start3A_66 = tpu.memref_slice %arg3[%dma_start3A_63, %add3A_62] : memref<2x320000xi32, #tpu.memory_space<hbm>> -> memref<1x2000xi32, #tpu.memory_space<hbm>>
    %dma_start3A_67 = tpu.memref_squeeze %dma_start3A_66 : memref<1x2000xi32, #tpu.memory_space<hbm>> -> memref<2000xi32, #tpu.memory_space<hbm>>
    tpu.enqueue_dma source(%dma_start3A_67 : memref<2000xi32, #tpu.memory_space<hbm>>) target(%arg7 : memref<2000xi32, #tpu.memory_space<vmem>>) target_semaphore(%arg20 : memref<!tpu.dma_semaphore, #tpu.memory_space<semaphore_mem>>)
    %dma_wait3A_68 = arith.constant 0 : i32
    %dma_wait3A_69 = arith.constant 0 : i32
    %dma_wait3A_70 = tpu.memref_slice %arg5[%dma_wait3A_68, %dma_wait3A_69] : memref<10240x16xf32, #tpu.memory_space<vmem_shared>> -> memref<10240x16xf32, #tpu.memory_space<vmem_shared>>
    tpu.wait_indirect_dma semaphore(%arg17 : memref<!tpu.dma_semaphore, #tpu.memory_space<semaphore_mem>>) src(%dma_wait3A_70 : memref<10240x16xf32, #tpu.memory_space<vmem_shared>>) dst(%arg12 : memref<2000x16xf32, #tpu.memory_space<vmem>>)
    %dma_wait3A_71 = arith.constant 1 : i32
    %dma_wait3A_72 = tpu.memref_slice %arg3[%dma_wait3A_71, %add3A_19] : memref<2x320000xi32, #tpu.memory_space<hbm>> -> memref<1x2000xi32, #tpu.memory_space<hbm>>
    %dma_wait3A_73 = tpu.memref_squeeze %dma_wait3A_72 : memref<1x2000xi32, #tpu.memory_space<hbm>> -> memref<2000xi32, #tpu.memory_space<hbm>>
    %dma_wait3A_74 = tpu.memref_slice %arg3[%dma_wait3A_71, %add3A_19] : memref<2x320000xi32, #tpu.memory_space<hbm>> -> memref<1x2000xi32, #tpu.memory_space<hbm>>
    %dma_wait3A_75 = tpu.memref_squeeze %dma_wait3A_74 : memref<1x2000xi32, #tpu.memory_space<hbm>> -> memref<2000xi32, #tpu.memory_space<hbm>>
    tpu.wait_dma2 semaphore(%arg15 : memref<!tpu.dma_semaphore, #tpu.memory_space<semaphore_mem>>) src(%dma_wait3A_75 : memref<2000xi32, #tpu.memory_space<hbm>>) dst(%arg10 : memref<2000xi32, #tpu.memory_space<vmem>>)
    %dma_start3A_76 = arith.constant 0 : i32
    %dma_start3A_77 = arith.constant 0 : i32
    %dma_start3A_78 = tpu.memref_slice %arg6[%dma_start3A_76, %dma_start3A_77] : memref<10240x16xf32, #tpu.memory_space<vmem_shared>> -> memref<10240x16xf32, #tpu.memory_space<vmem_shared>>
    tpu.enqueue_indirect_dma source(%arg12 : memref<2000x16xf32, #tpu.memory_space<vmem>>) target(%dma_start3A_78 : memref<10240x16xf32, #tpu.memory_space<vmem_shared>>) offsets(%arg10 : memref<2000xi32, #tpu.memory_space<vmem>>) semaphore(%arg19 : memref<!tpu.dma_semaphore, #tpu.memory_space<semaphore_mem>>) {add = true}
    %dma_wait3A_79 = arith.constant 0 : i32
    %dma_wait3A_80 = tpu.memref_slice %arg3[%dma_wait3A_79, %add3A_62] : memref<2x320000xi32, #tpu.memory_space<hbm>> -> memref<1x2000xi32, #tpu.memory_space<hbm>>
    %dma_wait3A_81 = tpu.memref_squeeze %dma_wait3A_80 : memref<1x2000xi32, #tpu.memory_space<hbm>> -> memref<2000xi32, #tpu.memory_space<hbm>>
    %dma_wait3A_82 = tpu.memref_slice %arg3[%dma_wait3A_79, %add3A_62] : memref<2x320000xi32, #tpu.memory_space<hbm>> -> memref<1x2000xi32, #tpu.memory_space<hbm>>
    %dma_wait3A_83 = tpu.memref_squeeze %dma_wait3A_82 : memref<1x2000xi32, #tpu.memory_space<hbm>> -> memref<2000xi32, #tpu.memory_space<hbm>>
    tpu.wait_dma2 semaphore(%arg20 : memref<!tpu.dma_semaphore, #tpu.memory_space<semaphore_mem>>) src(%dma_wait3A_83 : memref<2000xi32, #tpu.memory_space<hbm>>) dst(%arg7 : memref<2000xi32, #tpu.memory_space<vmem>>)
    %dma_start3A_84 = arith.constant 0 : i32
    %dma_start3A_85 = arith.constant 0 : i32
    %dma_start3A_86 = tpu.memref_slice %arg5[%dma_start3A_84, %dma_start3A_85] : memref<10240x16xf32, #tpu.memory_space<vmem_shared>> -> memref<10240x16xf32, #tpu.memory_space<vmem_shared>>
    tpu.enqueue_indirect_dma source(%dma_start3A_86 : memref<10240x16xf32, #tpu.memory_space<vmem_shared>>) target(%arg11 : memref<2000x16xf32, #tpu.memory_space<vmem>>) offsets(%arg7 : memref<2000xi32, #tpu.memory_space<vmem>>) semaphore(%arg16 : memref<!tpu.dma_semaphore, #tpu.memory_space<semaphore_mem>>)
    %dma_wait3A_87 = arith.constant 0 : i32
    %dma_wait3A_88 = arith.constant 0 : i32
    %dma_wait3A_89 = tpu.memref_slice %arg6[%dma_wait3A_87, %dma_wait3A_88] : memref<10240x16xf32, #tpu.memory_space<vmem_shared>> -> memref<10240x16xf32, #tpu.memory_space<vmem_shared>>
    tpu.wait_indirect_dma semaphore(%arg19 : memref<!tpu.dma_semaphore, #tpu.memory_space<semaphore_mem>>) src(%arg12 : memref<2000x16xf32, #tpu.memory_space<vmem>>) dst(%dma_wait3A_89 : memref<10240x16xf32, #tpu.memory_space<vmem_shared>>)
    %mul3A_90 = arith.constant 10000 : i32
    %mul3A_91 = arith.muli %add3A, %mul3A_90 : i32
    %add3A_92 = arith.constant 6000 : i32
    %add3A_93 = arith.addi %mul3A_91, %add3A_92 : i32
    %dma_start3A_94 = arith.constant 1 : i32
    %dma_start3A_95 = tpu.memref_slice %arg3[%dma_start3A_94, %add3A_93] : memref<2x320000xi32, #tpu.memory_space<hbm>> -> memref<1x2000xi32, #tpu.memory_space<hbm>>
    %dma_start3A_96 = tpu.memref_squeeze %dma_start3A_95 : memref<1x2000xi32, #tpu.memory_space<hbm>> -> memref<2000xi32, #tpu.memory_space<hbm>>
    %dma_start3A_97 = tpu.memref_slice %arg3[%dma_start3A_94, %add3A_93] : memref<2x320000xi32, #tpu.memory_space<hbm>> -> memref<1x2000xi32, #tpu.memory_space<hbm>>
    %dma_start3A_98 = tpu.memref_squeeze %dma_start3A_97 : memref<1x2000xi32, #tpu.memory_space<hbm>> -> memref<2000xi32, #tpu.memory_space<hbm>>
    tpu.enqueue_dma source(%dma_start3A_98 : memref<2000xi32, #tpu.memory_space<hbm>>) target(%arg10 : memref<2000xi32, #tpu.memory_space<vmem>>) target_semaphore(%arg15 : memref<!tpu.dma_semaphore, #tpu.memory_space<semaphore_mem>>)
    %mul3A_99 = arith.constant 10000 : i32
    %mul3A_100 = arith.muli %add3A, %mul3A_99 : i32
    %add3A_101 = arith.constant 6000 : i32
    %add3A_102 = arith.addi %mul3A_100, %add3A_101 : i32
    %dma_start3A_103 = arith.constant 0 : i32
    %dma_start3A_104 = tpu.memref_slice %arg3[%dma_start3A_103, %add3A_102] : memref<2x320000xi32, #tpu.memory_space<hbm>> -> memref<1x2000xi32, #tpu.memory_space<hbm>>
    %dma_start3A_105 = tpu.memref_squeeze %dma_start3A_104 : memref<1x2000xi32, #tpu.memory_space<hbm>> -> memref<2000xi32, #tpu.memory_space<hbm>>
    %dma_start3A_106 = tpu.memref_slice %arg3[%dma_start3A_103, %add3A_102] : memref<2x320000xi32, #tpu.memory_space<hbm>> -> memref<1x2000xi32, #tpu.memory_space<hbm>>
    %dma_start3A_107 = tpu.memref_squeeze %dma_start3A_106 : memref<1x2000xi32, #tpu.memory_space<hbm>> -> memref<2000xi32, #tpu.memory_space<hbm>>
    tpu.enqueue_dma source(%dma_start3A_107 : memref<2000xi32, #tpu.memory_space<hbm>>) target(%arg8 : memref<2000xi32, #tpu.memory_space<vmem>>) target_semaphore(%arg21 : memref<!tpu.dma_semaphore, #tpu.memory_space<semaphore_mem>>)
    %dma_wait3A_108 = arith.constant 0 : i32
    %dma_wait3A_109 = arith.constant 0 : i32
    %dma_wait3A_110 = tpu.memref_slice %arg5[%dma_wait3A_108, %dma_wait3A_109] : memref<10240x16xf32, #tpu.memory_space<vmem_shared>> -> memref<10240x16xf32, #tpu.memory_space<vmem_shared>>
    tpu.wait_indirect_dma semaphore(%arg16 : memref<!tpu.dma_semaphore, #tpu.memory_space<semaphore_mem>>) src(%dma_wait3A_110 : memref<10240x16xf32, #tpu.memory_space<vmem_shared>>) dst(%arg11 : memref<2000x16xf32, #tpu.memory_space<vmem>>)
    %dma_wait3A_111 = arith.constant 1 : i32
    %dma_wait3A_112 = tpu.memref_slice %arg3[%dma_wait3A_111, %add3A_53] : memref<2x320000xi32, #tpu.memory_space<hbm>> -> memref<1x2000xi32, #tpu.memory_space<hbm>>
    %dma_wait3A_113 = tpu.memref_squeeze %dma_wait3A_112 : memref<1x2000xi32, #tpu.memory_space<hbm>> -> memref<2000xi32, #tpu.memory_space<hbm>>
    %dma_wait3A_114 = tpu.memref_slice %arg3[%dma_wait3A_111, %add3A_53] : memref<2x320000xi32, #tpu.memory_space<hbm>> -> memref<1x2000xi32, #tpu.memory_space<hbm>>
    %dma_wait3A_115 = tpu.memref_squeeze %dma_wait3A_114 : memref<1x2000xi32, #tpu.memory_space<hbm>> -> memref<2000xi32, #tpu.memory_space<hbm>>
    tpu.wait_dma2 semaphore(%arg14 : memref<!tpu.dma_semaphore, #tpu.memory_space<semaphore_mem>>) src(%dma_wait3A_115 : memref<2000xi32, #tpu.memory_space<hbm>>) dst(%arg9 : memref<2000xi32, #tpu.memory_space<vmem>>)
    %dma_start3A_116 = arith.constant 0 : i32
    %dma_start3A_117 = arith.constant 0 : i32
    %dma_start3A_118 = tpu.memref_slice %arg6[%dma_start3A_116, %dma_start3A_117] : memref<10240x16xf32, #tpu.memory_space<vmem_shared>> -> memref<10240x16xf32, #tpu.memory_space<vmem_shared>>
    tpu.enqueue_indirect_dma source(%arg11 : memref<2000x16xf32, #tpu.memory_space<vmem>>) target(%dma_start3A_118 : memref<10240x16xf32, #tpu.memory_space<vmem_shared>>) offsets(%arg9 : memref<2000xi32, #tpu.memory_space<vmem>>) semaphore(%arg18 : memref<!tpu.dma_semaphore, #tpu.memory_space<semaphore_mem>>) {add = true}
    %dma_wait3A_119 = arith.constant 0 : i32
    %dma_wait3A_120 = tpu.memref_slice %arg3[%dma_wait3A_119, %add3A_102] : memref<2x320000xi32, #tpu.memory_space<hbm>> -> memref<1x2000xi32, #tpu.memory_space<hbm>>
    %dma_wait3A_121 = tpu.memref_squeeze %dma_wait3A_120 : memref<1x2000xi32, #tpu.memory_space<hbm>> -> memref<2000xi32, #tpu.memory_space<hbm>>
    %dma_wait3A_122 = tpu.memref_slice %arg3[%dma_wait3A_119, %add3A_102] : memref<2x320000xi32, #tpu.memory_space<hbm>> -> memref<1x2000xi32, #tpu.memory_space<hbm>>
    %dma_wait3A_123 = tpu.memref_squeeze %dma_wait3A_122 : memref<1x2000xi32, #tpu.memory_space<hbm>> -> memref<2000xi32, #tpu.memory_space<hbm>>
    tpu.wait_dma2 semaphore(%arg21 : memref<!tpu.dma_semaphore, #tpu.memory_space<semaphore_mem>>) src(%dma_wait3A_123 : memref<2000xi32, #tpu.memory_space<hbm>>) dst(%arg8 : memref<2000xi32, #tpu.memory_space<vmem>>)
    %dma_start3A_124 = arith.constant 0 : i32
    %dma_start3A_125 = arith.constant 0 : i32
    %dma_start3A_126 = tpu.memref_slice %arg5[%dma_start3A_124, %dma_start3A_125] : memref<10240x16xf32, #tpu.memory_space<vmem_shared>> -> memref<10240x16xf32, #tpu.memory_space<vmem_shared>>
    tpu.enqueue_indirect_dma source(%dma_start3A_126 : memref<10240x16xf32, #tpu.memory_space<vmem_shared>>) target(%arg12 : memref<2000x16xf32, #tpu.memory_space<vmem>>) offsets(%arg8 : memref<2000xi32, #tpu.memory_space<vmem>>) semaphore(%arg17 : memref<!tpu.dma_semaphore, #tpu.memory_space<semaphore_mem>>)
    %dma_wait3A_127 = arith.constant 0 : i32
    %dma_wait3A_128 = arith.constant 0 : i32
    %dma_wait3A_129 = tpu.memref_slice %arg6[%dma_wait3A_127, %dma_wait3A_128] : memref<10240x16xf32, #tpu.memory_space<vmem_shared>> -> memref<10240x16xf32, #tpu.memory_space<vmem_shared>>
    tpu.wait_indirect_dma semaphore(%arg18 : memref<!tpu.dma_semaphore, #tpu.memory_space<semaphore_mem>>) src(%arg11 : memref<2000x16xf32, #tpu.memory_space<vmem>>) dst(%dma_wait3A_129 : memref<10240x16xf32, #tpu.memory_space<vmem_shared>>)
    %mul3A_130 = arith.constant 10000 : i32
    %mul3A_131 = arith.muli %add3A, %mul3A_130 : i32
    %add3A_132 = arith.constant 8000 : i32
    %add3A_133 = arith.addi %mul3A_131, %add3A_132 : i32
    %dma_start3A_134 = arith.constant 1 : i32
    %dma_start3A_135 = tpu.memref_slice %arg3[%dma_start3A_134, %add3A_133] : memref<2x320000xi32, #tpu.memory_space<hbm>> -> memref<1x2000xi32, #tpu.memory_space<hbm>>
    %dma_start3A_136 = tpu.memref_squeeze %dma_start3A_135 : memref<1x2000xi32, #tpu.memory_space<hbm>> -> memref<2000xi32, #tpu.memory_space<hbm>>
    %dma_start3A_137 = tpu.memref_slice %arg3[%dma_start3A_134, %add3A_133] : memref<2x320000xi32, #tpu.memory_space<hbm>> -> memref<1x2000xi32, #tpu.memory_space<hbm>>
    %dma_start3A_138 = tpu.memref_squeeze %dma_start3A_137 : memref<1x2000xi32, #tpu.memory_space<hbm>> -> memref<2000xi32, #tpu.memory_space<hbm>>
    tpu.enqueue_dma source(%dma_start3A_138 : memref<2000xi32, #tpu.memory_space<hbm>>) target(%arg9 : memref<2000xi32, #tpu.memory_space<vmem>>) target_semaphore(%arg14 : memref<!tpu.dma_semaphore, #tpu.memory_space<semaphore_mem>>)
    %mul3A_139 = arith.constant 10000 : i32
    %mul3A_140 = arith.muli %add3A, %mul3A_139 : i32
    %add3A_141 = arith.constant 8000 : i32
    %add3A_142 = arith.addi %mul3A_140, %add3A_141 : i32
    %dma_start3A_143 = arith.constant 0 : i32
    %dma_start3A_144 = tpu.memref_slice %arg3[%dma_start3A_143, %add3A_142] : memref<2x320000xi32, #tpu.memory_space<hbm>> -> memref<1x2000xi32, #tpu.memory_space<hbm>>
    %dma_start3A_145 = tpu.memref_squeeze %dma_start3A_144 : memref<1x2000xi32, #tpu.memory_space<hbm>> -> memref<2000xi32, #tpu.memory_space<hbm>>
    %dma_start3A_146 = tpu.memref_slice %arg3[%dma_start3A_143, %add3A_142] : memref<2x320000xi32, #tpu.memory_space<hbm>> -> memref<1x2000xi32, #tpu.memory_space<hbm>>
    %dma_start3A_147 = tpu.memref_squeeze %dma_start3A_146 : memref<1x2000xi32, #tpu.memory_space<hbm>> -> memref<2000xi32, #tpu.memory_space<hbm>>
    tpu.enqueue_dma source(%dma_start3A_147 : memref<2000xi32, #tpu.memory_space<hbm>>) target(%arg7 : memref<2000xi32, #tpu.memory_space<vmem>>) target_semaphore(%arg20 : memref<!tpu.dma_semaphore, #tpu.memory_space<semaphore_mem>>)
    %dma_wait3A_148 = arith.constant 0 : i32
    %dma_wait3A_149 = arith.constant 0 : i32
    %dma_wait3A_150 = tpu.memref_slice %arg5[%dma_wait3A_148, %dma_wait3A_149] : memref<10240x16xf32, #tpu.memory_space<vmem_shared>> -> memref<10240x16xf32, #tpu.memory_space<vmem_shared>>
    tpu.wait_indirect_dma semaphore(%arg17 : memref<!tpu.dma_semaphore, #tpu.memory_space<semaphore_mem>>) src(%dma_wait3A_150 : memref<10240x16xf32, #tpu.memory_space<vmem_shared>>) dst(%arg12 : memref<2000x16xf32, #tpu.memory_space<vmem>>)
    %dma_wait3A_151 = arith.constant 1 : i32
    %dma_wait3A_152 = tpu.memref_slice %arg3[%dma_wait3A_151, %add3A_93] : memref<2x320000xi32, #tpu.memory_space<hbm>> -> memref<1x2000xi32, #tpu.memory_space<hbm>>
    %dma_wait3A_153 = tpu.memref_squeeze %dma_wait3A_152 : memref<1x2000xi32, #tpu.memory_space<hbm>> -> memref<2000xi32, #tpu.memory_space<hbm>>
    %dma_wait3A_154 = tpu.memref_slice %arg3[%dma_wait3A_151, %add3A_93] : memref<2x320000xi32, #tpu.memory_space<hbm>> -> memref<1x2000xi32, #tpu.memory_space<hbm>>
    %dma_wait3A_155 = tpu.memref_squeeze %dma_wait3A_154 : memref<1x2000xi32, #tpu.memory_space<hbm>> -> memref<2000xi32, #tpu.memory_space<hbm>>
    tpu.wait_dma2 semaphore(%arg15 : memref<!tpu.dma_semaphore, #tpu.memory_space<semaphore_mem>>) src(%dma_wait3A_155 : memref<2000xi32, #tpu.memory_space<hbm>>) dst(%arg10 : memref<2000xi32, #tpu.memory_space<vmem>>)
    %dma_start3A_156 = arith.constant 0 : i32
    %dma_start3A_157 = arith.constant 0 : i32
    %dma_start3A_158 = tpu.memref_slice %arg6[%dma_start3A_156, %dma_start3A_157] : memref<10240x16xf32, #tpu.memory_space<vmem_shared>> -> memref<10240x16xf32, #tpu.memory_space<vmem_shared>>
    tpu.enqueue_indirect_dma source(%arg12 : memref<2000x16xf32, #tpu.memory_space<vmem>>) target(%dma_start3A_158 : memref<10240x16xf32, #tpu.memory_space<vmem_shared>>) offsets(%arg10 : memref<2000xi32, #tpu.memory_space<vmem>>) semaphore(%arg19 : memref<!tpu.dma_semaphore, #tpu.memory_space<semaphore_mem>>) {add = true}
    %dma_wait3A_159 = arith.constant 0 : i32
    %dma_wait3A_160 = tpu.memref_slice %arg3[%dma_wait3A_159, %add3A_142] : memref<2x320000xi32, #tpu.memory_space<hbm>> -> memref<1x2000xi32, #tpu.memory_space<hbm>>
    %dma_wait3A_161 = tpu.memref_squeeze %dma_wait3A_160 : memref<1x2000xi32, #tpu.memory_space<hbm>> -> memref<2000xi32, #tpu.memory_space<hbm>>
    %dma_wait3A_162 = tpu.memref_slice %arg3[%dma_wait3A_159, %add3A_142] : memref<2x320000xi32, #tpu.memory_space<hbm>> -> memref<1x2000xi32, #tpu.memory_space<hbm>>
    %dma_wait3A_163 = tpu.memref_squeeze %dma_wait3A_162 : memref<1x2000xi32, #tpu.memory_space<hbm>> -> memref<2000xi32, #tpu.memory_space<hbm>>
    tpu.wait_dma2 semaphore(%arg20 : memref<!tpu.dma_semaphore, #tpu.memory_space<semaphore_mem>>) src(%dma_wait3A_163 : memref<2000xi32, #tpu.memory_space<hbm>>) dst(%arg7 : memref<2000xi32, #tpu.memory_space<vmem>>)
    %dma_start3A_164 = arith.constant 0 : i32
    %dma_start3A_165 = arith.constant 0 : i32
    %dma_start3A_166 = tpu.memref_slice %arg5[%dma_start3A_164, %dma_start3A_165] : memref<10240x16xf32, #tpu.memory_space<vmem_shared>> -> memref<10240x16xf32, #tpu.memory_space<vmem_shared>>
    tpu.enqueue_indirect_dma source(%dma_start3A_166 : memref<10240x16xf32, #tpu.memory_space<vmem_shared>>) target(%arg11 : memref<2000x16xf32, #tpu.memory_space<vmem>>) offsets(%arg7 : memref<2000xi32, #tpu.memory_space<vmem>>) semaphore(%arg16 : memref<!tpu.dma_semaphore, #tpu.memory_space<semaphore_mem>>)
    %dma_wait3A_167 = arith.constant 0 : i32
    %dma_wait3A_168 = arith.constant 0 : i32
    %dma_wait3A_169 = tpu.memref_slice %arg6[%dma_wait3A_167, %dma_wait3A_168] : memref<10240x16xf32, #tpu.memory_space<vmem_shared>> -> memref<10240x16xf32, #tpu.memory_space<vmem_shared>>
    tpu.wait_indirect_dma semaphore(%arg19 : memref<!tpu.dma_semaphore, #tpu.memory_space<semaphore_mem>>) src(%arg12 : memref<2000x16xf32, #tpu.memory_space<vmem>>) dst(%dma_wait3A_169 : memref<10240x16xf32, #tpu.memory_space<vmem_shared>>)
    %dma_wait3A_170 = arith.constant 0 : i32
    %dma_wait3A_171 = arith.constant 0 : i32
    %dma_wait3A_172 = tpu.memref_slice %arg5[%dma_wait3A_170, %dma_wait3A_171] : memref<10240x16xf32, #tpu.memory_space<vmem_shared>> -> memref<10240x16xf32, #tpu.memory_space<vmem_shared>>
    tpu.wait_indirect_dma semaphore(%arg16 : memref<!tpu.dma_semaphore, #tpu.memory_space<semaphore_mem>>) src(%dma_wait3A_172 : memref<10240x16xf32, #tpu.memory_space<vmem_shared>>) dst(%arg11 : memref<2000x16xf32, #tpu.memory_space<vmem>>)
    %dma_wait3A_173 = arith.constant 1 : i32
    %dma_wait3A_174 = tpu.memref_slice %arg3[%dma_wait3A_173, %add3A_133] : memref<2x320000xi32, #tpu.memory_space<hbm>> -> memref<1x2000xi32, #tpu.memory_space<hbm>>
    %dma_wait3A_175 = tpu.memref_squeeze %dma_wait3A_174 : memref<1x2000xi32, #tpu.memory_space<hbm>> -> memref<2000xi32, #tpu.memory_space<hbm>>
    %dma_wait3A_176 = tpu.memref_slice %arg3[%dma_wait3A_173, %add3A_133] : memref<2x320000xi32, #tpu.memory_space<hbm>> -> memref<1x2000xi32, #tpu.memory_space<hbm>>
    %dma_wait3A_177 = tpu.memref_squeeze %dma_wait3A_176 : memref<1x2000xi32, #tpu.memory_space<hbm>> -> memref<2000xi32, #tpu.memory_space<hbm>>
    tpu.wait_dma2 semaphore(%arg14 : memref<!tpu.dma_semaphore, #tpu.memory_space<semaphore_mem>>) src(%dma_wait3A_177 : memref<2000xi32, #tpu.memory_space<hbm>>) dst(%arg9 : memref<2000xi32, #tpu.memory_space<vmem>>)
    %dma_start3A_178 = arith.constant 0 : i32
    %dma_start3A_179 = arith.constant 0 : i32
    %dma_start3A_180 = tpu.memref_slice %arg6[%dma_start3A_178, %dma_start3A_179] : memref<10240x16xf32, #tpu.memory_space<vmem_shared>> -> memref<10240x16xf32, #tpu.memory_space<vmem_shared>>
    tpu.enqueue_indirect_dma source(%arg11 : memref<2000x16xf32, #tpu.memory_space<vmem>>) target(%dma_start3A_180 : memref<10240x16xf32, #tpu.memory_space<vmem_shared>>) offsets(%arg9 : memref<2000xi32, #tpu.memory_space<vmem>>) semaphore(%arg18 : memref<!tpu.dma_semaphore, #tpu.memory_space<semaphore_mem>>) {add = true}
    %dma_wait3A_181 = arith.constant 0 : i32
    %dma_wait3A_182 = arith.constant 0 : i32
    %dma_wait3A_183 = tpu.memref_slice %arg6[%dma_wait3A_181, %dma_wait3A_182] : memref<10240x16xf32, #tpu.memory_space<vmem_shared>> -> memref<10240x16xf32, #tpu.memory_space<vmem_shared>>
    tpu.wait_indirect_dma semaphore(%arg18 : memref<!tpu.dma_semaphore, #tpu.memory_space<semaphore_mem>>) src(%arg11 : memref<2000x16xf32, #tpu.memory_space<vmem>>) dst(%dma_wait3A_183 : memref<10240x16xf32, #tpu.memory_space<vmem_shared>>)
    %barrier3A_184 = arith.constant 0 : index
    tpu.barrier barrier_id(%barrier3A_184)
    "tpu.region"() ({
      %run_scoped3A_185 = tpu.sem_alloc : memref<!tpu.dma_semaphore, #tpu.memory_space<semaphore_mem>>
      %dma_start3A_186 = arith.constant 0 : i32
      %dma_start3A_187 = tpu.memref_slice %arg6[%mul3A_2, %dma_start3A_186] : memref<10240x16xf32, #tpu.memory_space<vmem_shared>> -> memref<640x16xf32, #tpu.memory_space<vmem_shared>>
      %dma_start3A_188 = arith.constant 0 : i32
      %dma_start3A_189 = tpu.memref_slice %arg6[%mul3A_2, %dma_start3A_188] : memref<10240x16xf32, #tpu.memory_space<vmem_shared>> -> memref<640x16xf32, #tpu.memory_space<vmem_shared>>
      tpu.enqueue_dma source(%dma_start3A_189 : memref<640x16xf32, #tpu.memory_space<vmem_shared>>) target(%arg13 : memref<640x16xf32, #tpu.memory_space<vmem>>) target_semaphore(%run_scoped3A_185 : memref<!tpu.dma_semaphore, #tpu.memory_space<semaphore_mem>>)
      %dma_wait3A_190 = arith.constant 0 : i32
      %dma_wait3A_191 = tpu.memref_slice %arg6[%mul3A_2, %dma_wait3A_190] : memref<10240x16xf32, #tpu.memory_space<vmem_shared>> -> memref<640x16xf32, #tpu.memory_space<vmem_shared>>
      %dma_wait3A_192 = arith.constant 0 : i32
      %dma_wait3A_193 = tpu.memref_slice %arg6[%mul3A_2, %dma_wait3A_192] : memref<10240x16xf32, #tpu.memory_space<vmem_shared>> -> memref<640x16xf32, #tpu.memory_space<vmem_shared>>
      tpu.wait_dma2 semaphore(%run_scoped3A_185 : memref<!tpu.dma_semaphore, #tpu.memory_space<semaphore_mem>>) src(%dma_wait3A_193 : memref<640x16xf32, #tpu.memory_space<vmem_shared>>) dst(%arg13 : memref<640x16xf32, #tpu.memory_space<vmem>>)
      tpu.yield
    }) : () -> ()
    "tpu.region"() ({
      %run_scoped3A_185 = tpu.sem_alloc : memref<!tpu.dma_semaphore, #tpu.memory_space<semaphore_mem>>
      %dma_start3A_186 = arith.constant 0 : i32
      %dma_start3A_187 = tpu.memref_slice %arg4[%arg0, %mul3A_2, %dma_start3A_186] : memref<2x10240x16xf32, #tpu.memory_space<hbm>> -> memref<1x640x16xf32, #tpu.memory_space<hbm>>
      %dma_start3A_188 = tpu.memref_squeeze %dma_start3A_187 : memref<1x640x16xf32, #tpu.memory_space<hbm>> -> memref<640x16xf32, #tpu.memory_space<hbm>>
      %dma_start3A_189 = arith.constant 0 : i32
      %dma_start3A_190 = tpu.memref_slice %arg4[%arg0, %mul3A_2, %dma_start3A_189] : memref<2x10240x16xf32, #tpu.memory_space<hbm>> -> memref<1x640x16xf32, #tpu.memory_space<hbm>>
      %dma_start3A_191 = tpu.memref_squeeze %dma_start3A_190 : memref<1x640x16xf32, #tpu.memory_space<hbm>> -> memref<640x16xf32, #tpu.memory_space<hbm>>
      tpu.enqueue_dma source(%arg13 : memref<640x16xf32, #tpu.memory_space<vmem>>) target(%dma_start3A_191 : memref<640x16xf32, #tpu.memory_space<hbm>>) target_semaphore(%run_scoped3A_185 : memref<!tpu.dma_semaphore, #tpu.memory_space<semaphore_mem>>)
      %dma_wait3A_192 = arith.constant 0 : i32
      %dma_wait3A_193 = tpu.memref_slice %arg4[%arg0, %mul3A_2, %dma_wait3A_192] : memref<2x10240x16xf32, #tpu.memory_space<hbm>> -> memref<1x640x16xf32, #tpu.memory_space<hbm>>
      %dma_wait3A_194 = tpu.memref_squeeze %dma_wait3A_193 : memref<1x640x16xf32, #tpu.memory_space<hbm>> -> memref<640x16xf32, #tpu.memory_space<hbm>>
      %dma_wait3A_195 = arith.constant 0 : i32
      %dma_wait3A_196 = tpu.memref_slice %arg4[%arg0, %mul3A_2, %dma_wait3A_195] : memref<2x10240x16xf32, #tpu.memory_space<hbm>> -> memref<1x640x16xf32, #tpu.memory_space<hbm>>
      %dma_wait3A_197 = tpu.memref_squeeze %dma_wait3A_196 : memref<1x640x16xf32, #tpu.memory_space<hbm>> -> memref<640x16xf32, #tpu.memory_space<hbm>>
      tpu.wait_dma2 semaphore(%run_scoped3A_185 : memref<!tpu.dma_semaphore, #tpu.memory_space<semaphore_mem>>) src(%arg13 : memref<640x16xf32, #tpu.memory_space<vmem>>) dst(%dma_wait3A_197 : memref<640x16xf32, #tpu.memory_space<hbm>>)
      tpu.yield
    }) : () -> ()
    return
  }
}

#map = affine_map<(d0, d1) -> (0, 0)>
#map1 = affine_map<(d0, d1) -> (0, 0, 0)>
module attributes {stable_mosaic.version = 14 : i64} {
  func.func @_deg_kernel(%arg0: i32, %arg1: i32, %arg2: memref<2x320000xi32, #tpu.memory_space<hbm>>, %arg3: memref<2x10240x16xf32, #tpu.memory_space<hbm>>, %arg4: memref<10240xf32, #tpu.memory_space<vmem_shared>>, %arg5: memref<2000xi32, #tpu.memory_space<vmem>>, %arg6: memref<2000xf32, #tpu.memory_space<vmem>>, %arg7: memref<640xf32, #tpu.memory_space<vmem>>, %arg8: memref<640x16xf32, #tpu.memory_space<vmem>>) attributes {dimension_semantics = [#tpu.dimension_semantics<core_parallel>, #tpu.dimension_semantics<subcore_parallel>], iteration_bounds = array<i64: 2, 16>, scalar_prefetch = 0 : i64, scratch_operands = 5 : i64, tpu.core_type = #tpu.core_type<sc_vector_subcore>, window_params = [{transform_indices = #map}, {transform_indices = #map1}]} {
    %mul3A = arith.constant 16 : i32
    %mul3A_0 = arith.muli %arg0, %mul3A : i32
    %add3A = arith.addi %mul3A_0, %arg1 : i32
    %scan3A = arith.constant 0 : i32
    %scan3A_1 = arith.constant 0 : i32
    %scan3A_2 = arith.constant 40 : i32
    %scan3A_3 = arith.addi %scan3A_1, %scan3A_2 : i32
    %scan3A_4 = arith.constant 1 : i32
    scf.for %scan3A_49 = %scan3A_1 to %scan3A_3 step %scan3A_4  : i32 {
      %broadcast_in_dim3A = arith.constant 0.000000e+00 : f32
      %broadcast_in_dim3A_50 = vector.broadcast %broadcast_in_dim3A : f32 to vector<16xf32>
      %mul3A_51 = arith.constant 16 : i32
      %mul3A_52 = arith.muli %scan3A_49, %mul3A_51 : i32
      %swap3A = arith.index_cast %mul3A_52 : i32 to index
      %swap3A_53 = tpu.vector_load %arg7[%swap3A] {strides = array<i32>} : memref<640xf32, #tpu.memory_space<vmem>>, vector<16xf32>,
      %swap3A_54 = vector.shape_cast %swap3A_53 : vector<16xf32> to vector<16xf32>
      %swap3A_55 = vector.shape_cast %broadcast_in_dim3A_50 : vector<16xf32> to vector<16xf32>
      tpu.vector_store %arg7[%swap3A], %swap3A_55 {strides = array<i32>} : memref<640xf32, #tpu.memory_space<vmem>>, vector<16xf32>,
    }
    %scan3A_5 = arith.constant 40 : i32
    %scan3A_6 = arith.constant 0 : i32
    %scan3A_7 = arith.constant 0 : i32
    %scan3A_8 = arith.constant 125 : i32
    %scan3A_9 = arith.addi %scan3A_7, %scan3A_8 : i32
    %scan3A_10 = arith.constant 1 : i32
    scf.for %scan3A_49 = %scan3A_7 to %scan3A_9 step %scan3A_10  : i32 {
      %broadcast_in_dim3A = arith.constant 1.000000e+00 : f32
      %broadcast_in_dim3A_50 = vector.broadcast %broadcast_in_dim3A : f32 to vector<16xf32>
      %mul3A_51 = arith.constant 16 : i32
      %mul3A_52 = arith.muli %scan3A_49, %mul3A_51 : i32
      %swap3A = arith.index_cast %mul3A_52 : i32 to index
      %swap3A_53 = tpu.vector_load %arg6[%swap3A] {strides = array<i32>} : memref<2000xf32, #tpu.memory_space<vmem>>, vector<16xf32>,
      %swap3A_54 = vector.shape_cast %swap3A_53 : vector<16xf32> to vector<16xf32>
      %swap3A_55 = vector.shape_cast %broadcast_in_dim3A_50 : vector<16xf32> to vector<16xf32>
      tpu.vector_store %arg6[%swap3A], %swap3A_55 {strides = array<i32>} : memref<2000xf32, #tpu.memory_space<vmem>>, vector<16xf32>,
    }
    %scan3A_11 = arith.constant 125 : i32
    %mul3A_12 = arith.constant 640 : i32
    %mul3A_13 = arith.muli %arg1, %mul3A_12 : i32
    "tpu.region"() ({
      %run_scoped3A_49 = tpu.sem_alloc : memref<!tpu.dma_semaphore, #tpu.memory_space<semaphore_mem>>
      %dma_start3A = tpu.memref_slice %arg4[%mul3A_13] : memref<10240xf32, #tpu.memory_space<vmem_shared>> -> memref<640xf32, #tpu.memory_space<vmem_shared>>
      %dma_start3A_50 = tpu.memref_slice %arg4[%mul3A_13] : memref<10240xf32, #tpu.memory_space<vmem_shared>> -> memref<640xf32, #tpu.memory_space<vmem_shared>>
      tpu.enqueue_dma source(%arg7 : memref<640xf32, #tpu.memory_space<vmem>>) target(%dma_start3A_50 : memref<640xf32, #tpu.memory_space<vmem_shared>>) target_semaphore(%run_scoped3A_49 : memref<!tpu.dma_semaphore, #tpu.memory_space<semaphore_mem>>)
      %dma_wait3A = tpu.memref_slice %arg4[%mul3A_13] : memref<10240xf32, #tpu.memory_space<vmem_shared>> -> memref<640xf32, #tpu.memory_space<vmem_shared>>
      %dma_wait3A_51 = tpu.memref_slice %arg4[%mul3A_13] : memref<10240xf32, #tpu.memory_space<vmem_shared>> -> memref<640xf32, #tpu.memory_space<vmem_shared>>
      tpu.wait_dma2 semaphore(%run_scoped3A_49 : memref<!tpu.dma_semaphore, #tpu.memory_space<semaphore_mem>>) src(%arg7 : memref<640xf32, #tpu.memory_space<vmem>>) dst(%dma_wait3A_51 : memref<640xf32, #tpu.memory_space<vmem_shared>>)
      tpu.yield
    }) : () -> ()
    %barrier3A = arith.constant 0 : index
    tpu.barrier barrier_id(%barrier3A)
    %mul3A_14 = arith.constant 10000 : i32
    %mul3A_15 = arith.muli %add3A, %mul3A_14 : i32
    %add3A_16 = arith.constant 0 : i32
    %add3A_17 = arith.addi %mul3A_15, %add3A_16 : i32
    %run_scoped3A = arith.constant 1 : i32
    "tpu.region"() ({
      %run_scoped3A_49 = tpu.sem_alloc : memref<!tpu.dma_semaphore, #tpu.memory_space<semaphore_mem>>
      %dma_start3A = tpu.memref_slice %arg2[%run_scoped3A, %add3A_17] : memref<2x320000xi32, #tpu.memory_space<hbm>> -> memref<1x2000xi32, #tpu.memory_space<hbm>>
      %dma_start3A_50 = tpu.memref_squeeze %dma_start3A : memref<1x2000xi32, #tpu.memory_space<hbm>> -> memref<2000xi32, #tpu.memory_space<hbm>>
      %dma_start3A_51 = tpu.memref_slice %arg2[%run_scoped3A, %add3A_17] : memref<2x320000xi32, #tpu.memory_space<hbm>> -> memref<1x2000xi32, #tpu.memory_space<hbm>>
      %dma_start3A_52 = tpu.memref_squeeze %dma_start3A_51 : memref<1x2000xi32, #tpu.memory_space<hbm>> -> memref<2000xi32, #tpu.memory_space<hbm>>
      tpu.enqueue_dma source(%dma_start3A_52 : memref<2000xi32, #tpu.memory_space<hbm>>) target(%arg5 : memref<2000xi32, #tpu.memory_space<vmem>>) target_semaphore(%run_scoped3A_49 : memref<!tpu.dma_semaphore, #tpu.memory_space<semaphore_mem>>)
      %dma_wait3A = tpu.memref_slice %arg2[%run_scoped3A, %add3A_17] : memref<2x320000xi32, #tpu.memory_space<hbm>> -> memref<1x2000xi32, #tpu.memory_space<hbm>>
      %dma_wait3A_53 = tpu.memref_squeeze %dma_wait3A : memref<1x2000xi32, #tpu.memory_space<hbm>> -> memref<2000xi32, #tpu.memory_space<hbm>>
      %dma_wait3A_54 = tpu.memref_slice %arg2[%run_scoped3A, %add3A_17] : memref<2x320000xi32, #tpu.memory_space<hbm>> -> memref<1x2000xi32, #tpu.memory_space<hbm>>
      %dma_wait3A_55 = tpu.memref_squeeze %dma_wait3A_54 : memref<1x2000xi32, #tpu.memory_space<hbm>> -> memref<2000xi32, #tpu.memory_space<hbm>>
      tpu.wait_dma2 semaphore(%run_scoped3A_49 : memref<!tpu.dma_semaphore, #tpu.memory_space<semaphore_mem>>) src(%dma_wait3A_55 : memref<2000xi32, #tpu.memory_space<hbm>>) dst(%arg5 : memref<2000xi32, #tpu.memory_space<vmem>>)
      tpu.yield
    }) : () -> ()
    "tpu.region"() ({
      %run_scoped3A_49 = tpu.sem_alloc : memref<!tpu.dma_semaphore, #tpu.memory_space<semaphore_mem>>
      %dma_start3A = arith.constant 0 : i32
      %dma_start3A_50 = tpu.memref_slice %arg4[%dma_start3A] : memref<10240xf32, #tpu.memory_space<vmem_shared>> -> memref<10240xf32, #tpu.memory_space<vmem_shared>>
      tpu.enqueue_indirect_dma source(%arg6 : memref<2000xf32, #tpu.memory_space<vmem>>) target(%dma_start3A_50 : memref<10240xf32, #tpu.memory_space<vmem_shared>>) offsets(%arg5 : memref<2000xi32, #tpu.memory_space<vmem>>) semaphore(%run_scoped3A_49 : memref<!tpu.dma_semaphore, #tpu.memory_space<semaphore_mem>>) {add = true}
      %dma_wait3A = arith.constant 0 : i32
      %dma_wait3A_51 = tpu.memref_slice %arg4[%dma_wait3A] : memref<10240xf32, #tpu.memory_space<vmem_shared>> -> memref<10240xf32, #tpu.memory_space<vmem_shared>>
      tpu.wait_indirect_dma semaphore(%run_scoped3A_49 : memref<!tpu.dma_semaphore, #tpu.memory_space<semaphore_mem>>) src(%arg6 : memref<2000xf32, #tpu.memory_space<vmem>>) dst(%dma_wait3A_51 : memref<10240xf32, #tpu.memory_space<vmem_shared>>)
      tpu.yield
    }) : () -> ()
    %mul3A_18 = arith.constant 10000 : i32
    %mul3A_19 = arith.muli %add3A, %mul3A_18 : i32
    %add3A_20 = arith.constant 2000 : i32
    %add3A_21 = arith.addi %mul3A_19, %add3A_20 : i32
    %run_scoped3A_22 = arith.constant 1 : i32
    "tpu.region"() ({
      %run_scoped3A_49 = tpu.sem_alloc : memref<!tpu.dma_semaphore, #tpu.memory_space<semaphore_mem>>
      %dma_start3A = tpu.memref_slice %arg2[%run_scoped3A_22, %add3A_21] : memref<2x320000xi32, #tpu.memory_space<hbm>> -> memref<1x2000xi32, #tpu.memory_space<hbm>>
      %dma_start3A_50 = tpu.memref_squeeze %dma_start3A : memref<1x2000xi32, #tpu.memory_space<hbm>> -> memref<2000xi32, #tpu.memory_space<hbm>>
      %dma_start3A_51 = tpu.memref_slice %arg2[%run_scoped3A_22, %add3A_21] : memref<2x320000xi32, #tpu.memory_space<hbm>> -> memref<1x2000xi32, #tpu.memory_space<hbm>>
      %dma_start3A_52 = tpu.memref_squeeze %dma_start3A_51 : memref<1x2000xi32, #tpu.memory_space<hbm>> -> memref<2000xi32, #tpu.memory_space<hbm>>
      tpu.enqueue_dma source(%dma_start3A_52 : memref<2000xi32, #tpu.memory_space<hbm>>) target(%arg5 : memref<2000xi32, #tpu.memory_space<vmem>>) target_semaphore(%run_scoped3A_49 : memref<!tpu.dma_semaphore, #tpu.memory_space<semaphore_mem>>)
      %dma_wait3A = tpu.memref_slice %arg2[%run_scoped3A_22, %add3A_21] : memref<2x320000xi32, #tpu.memory_space<hbm>> -> memref<1x2000xi32, #tpu.memory_space<hbm>>
      %dma_wait3A_53 = tpu.memref_squeeze %dma_wait3A : memref<1x2000xi32, #tpu.memory_space<hbm>> -> memref<2000xi32, #tpu.memory_space<hbm>>
      %dma_wait3A_54 = tpu.memref_slice %arg2[%run_scoped3A_22, %add3A_21] : memref<2x320000xi32, #tpu.memory_space<hbm>> -> memref<1x2000xi32, #tpu.memory_space<hbm>>
      %dma_wait3A_55 = tpu.memref_squeeze %dma_wait3A_54 : memref<1x2000xi32, #tpu.memory_space<hbm>> -> memref<2000xi32, #tpu.memory_space<hbm>>
      tpu.wait_dma2 semaphore(%run_scoped3A_49 : memref<!tpu.dma_semaphore, #tpu.memory_space<semaphore_mem>>) src(%dma_wait3A_55 : memref<2000xi32, #tpu.memory_space<hbm>>) dst(%arg5 : memref<2000xi32, #tpu.memory_space<vmem>>)
      tpu.yield
    }) : () -> ()
    "tpu.region"() ({
      %run_scoped3A_49 = tpu.sem_alloc : memref<!tpu.dma_semaphore, #tpu.memory_space<semaphore_mem>>
      %dma_start3A = arith.constant 0 : i32
      %dma_start3A_50 = tpu.memref_slice %arg4[%dma_start3A] : memref<10240xf32, #tpu.memory_space<vmem_shared>> -> memref<10240xf32, #tpu.memory_space<vmem_shared>>
      tpu.enqueue_indirect_dma source(%arg6 : memref<2000xf32, #tpu.memory_space<vmem>>) target(%dma_start3A_50 : memref<10240xf32, #tpu.memory_space<vmem_shared>>) offsets(%arg5 : memref<2000xi32, #tpu.memory_space<vmem>>) semaphore(%run_scoped3A_49 : memref<!tpu.dma_semaphore, #tpu.memory_space<semaphore_mem>>) {add = true}
      %dma_wait3A = arith.constant 0 : i32
      %dma_wait3A_51 = tpu.memref_slice %arg4[%dma_wait3A] : memref<10240xf32, #tpu.memory_space<vmem_shared>> -> memref<10240xf32, #tpu.memory_space<vmem_shared>>
      tpu.wait_indirect_dma semaphore(%run_scoped3A_49 : memref<!tpu.dma_semaphore, #tpu.memory_space<semaphore_mem>>) src(%arg6 : memref<2000xf32, #tpu.memory_space<vmem>>) dst(%dma_wait3A_51 : memref<10240xf32, #tpu.memory_space<vmem_shared>>)
      tpu.yield
    }) : () -> ()
    %mul3A_23 = arith.constant 10000 : i32
    %mul3A_24 = arith.muli %add3A, %mul3A_23 : i32
    %add3A_25 = arith.constant 4000 : i32
    %add3A_26 = arith.addi %mul3A_24, %add3A_25 : i32
    %run_scoped3A_27 = arith.constant 1 : i32
    "tpu.region"() ({
      %run_scoped3A_49 = tpu.sem_alloc : memref<!tpu.dma_semaphore, #tpu.memory_space<semaphore_mem>>
      %dma_start3A = tpu.memref_slice %arg2[%run_scoped3A_27, %add3A_26] : memref<2x320000xi32, #tpu.memory_space<hbm>> -> memref<1x2000xi32, #tpu.memory_space<hbm>>
      %dma_start3A_50 = tpu.memref_squeeze %dma_start3A : memref<1x2000xi32, #tpu.memory_space<hbm>> -> memref<2000xi32, #tpu.memory_space<hbm>>
      %dma_start3A_51 = tpu.memref_slice %arg2[%run_scoped3A_27, %add3A_26] : memref<2x320000xi32, #tpu.memory_space<hbm>> -> memref<1x2000xi32, #tpu.memory_space<hbm>>
      %dma_start3A_52 = tpu.memref_squeeze %dma_start3A_51 : memref<1x2000xi32, #tpu.memory_space<hbm>> -> memref<2000xi32, #tpu.memory_space<hbm>>
      tpu.enqueue_dma source(%dma_start3A_52 : memref<2000xi32, #tpu.memory_space<hbm>>) target(%arg5 : memref<2000xi32, #tpu.memory_space<vmem>>) target_semaphore(%run_scoped3A_49 : memref<!tpu.dma_semaphore, #tpu.memory_space<semaphore_mem>>)
      %dma_wait3A = tpu.memref_slice %arg2[%run_scoped3A_27, %add3A_26] : memref<2x320000xi32, #tpu.memory_space<hbm>> -> memref<1x2000xi32, #tpu.memory_space<hbm>>
      %dma_wait3A_53 = tpu.memref_squeeze %dma_wait3A : memref<1x2000xi32, #tpu.memory_space<hbm>> -> memref<2000xi32, #tpu.memory_space<hbm>>
      %dma_wait3A_54 = tpu.memref_slice %arg2[%run_scoped3A_27, %add3A_26] : memref<2x320000xi32, #tpu.memory_space<hbm>> -> memref<1x2000xi32, #tpu.memory_space<hbm>>
      %dma_wait3A_55 = tpu.memref_squeeze %dma_wait3A_54 : memref<1x2000xi32, #tpu.memory_space<hbm>> -> memref<2000xi32, #tpu.memory_space<hbm>>
      tpu.wait_dma2 semaphore(%run_scoped3A_49 : memref<!tpu.dma_semaphore, #tpu.memory_space<semaphore_mem>>) src(%dma_wait3A_55 : memref<2000xi32, #tpu.memory_space<hbm>>) dst(%arg5 : memref<2000xi32, #tpu.memory_space<vmem>>)
      tpu.yield
    }) : () -> ()
    "tpu.region"() ({
      %run_scoped3A_49 = tpu.sem_alloc : memref<!tpu.dma_semaphore, #tpu.memory_space<semaphore_mem>>
      %dma_start3A = arith.constant 0 : i32
      %dma_start3A_50 = tpu.memref_slice %arg4[%dma_start3A] : memref<10240xf32, #tpu.memory_space<vmem_shared>> -> memref<10240xf32, #tpu.memory_space<vmem_shared>>
      tpu.enqueue_indirect_dma source(%arg6 : memref<2000xf32, #tpu.memory_space<vmem>>) target(%dma_start3A_50 : memref<10240xf32, #tpu.memory_space<vmem_shared>>) offsets(%arg5 : memref<2000xi32, #tpu.memory_space<vmem>>) semaphore(%run_scoped3A_49 : memref<!tpu.dma_semaphore, #tpu.memory_space<semaphore_mem>>) {add = true}
      %dma_wait3A = arith.constant 0 : i32
      %dma_wait3A_51 = tpu.memref_slice %arg4[%dma_wait3A] : memref<10240xf32, #tpu.memory_space<vmem_shared>> -> memref<10240xf32, #tpu.memory_space<vmem_shared>>
      tpu.wait_indirect_dma semaphore(%run_scoped3A_49 : memref<!tpu.dma_semaphore, #tpu.memory_space<semaphore_mem>>) src(%arg6 : memref<2000xf32, #tpu.memory_space<vmem>>) dst(%dma_wait3A_51 : memref<10240xf32, #tpu.memory_space<vmem_shared>>)
      tpu.yield
    }) : () -> ()
    %mul3A_28 = arith.constant 10000 : i32
    %mul3A_29 = arith.muli %add3A, %mul3A_28 : i32
    %add3A_30 = arith.constant 6000 : i32
    %add3A_31 = arith.addi %mul3A_29, %add3A_30 : i32
    %run_scoped3A_32 = arith.constant 1 : i32
    "tpu.region"() ({
      %run_scoped3A_49 = tpu.sem_alloc : memref<!tpu.dma_semaphore, #tpu.memory_space<semaphore_mem>>
      %dma_start3A = tpu.memref_slice %arg2[%run_scoped3A_32, %add3A_31] : memref<2x320000xi32, #tpu.memory_space<hbm>> -> memref<1x2000xi32, #tpu.memory_space<hbm>>
      %dma_start3A_50 = tpu.memref_squeeze %dma_start3A : memref<1x2000xi32, #tpu.memory_space<hbm>> -> memref<2000xi32, #tpu.memory_space<hbm>>
      %dma_start3A_51 = tpu.memref_slice %arg2[%run_scoped3A_32, %add3A_31] : memref<2x320000xi32, #tpu.memory_space<hbm>> -> memref<1x2000xi32, #tpu.memory_space<hbm>>
      %dma_start3A_52 = tpu.memref_squeeze %dma_start3A_51 : memref<1x2000xi32, #tpu.memory_space<hbm>> -> memref<2000xi32, #tpu.memory_space<hbm>>
      tpu.enqueue_dma source(%dma_start3A_52 : memref<2000xi32, #tpu.memory_space<hbm>>) target(%arg5 : memref<2000xi32, #tpu.memory_space<vmem>>) target_semaphore(%run_scoped3A_49 : memref<!tpu.dma_semaphore, #tpu.memory_space<semaphore_mem>>)
      %dma_wait3A = tpu.memref_slice %arg2[%run_scoped3A_32, %add3A_31] : memref<2x320000xi32, #tpu.memory_space<hbm>> -> memref<1x2000xi32, #tpu.memory_space<hbm>>
      %dma_wait3A_53 = tpu.memref_squeeze %dma_wait3A : memref<1x2000xi32, #tpu.memory_space<hbm>> -> memref<2000xi32, #tpu.memory_space<hbm>>
      %dma_wait3A_54 = tpu.memref_slice %arg2[%run_scoped3A_32, %add3A_31] : memref<2x320000xi32, #tpu.memory_space<hbm>> -> memref<1x2000xi32, #tpu.memory_space<hbm>>
      %dma_wait3A_55 = tpu.memref_squeeze %dma_wait3A_54 : memref<1x2000xi32, #tpu.memory_space<hbm>> -> memref<2000xi32, #tpu.memory_space<hbm>>
      tpu.wait_dma2 semaphore(%run_scoped3A_49 : memref<!tpu.dma_semaphore, #tpu.memory_space<semaphore_mem>>) src(%dma_wait3A_55 : memref<2000xi32, #tpu.memory_space<hbm>>) dst(%arg5 : memref<2000xi32, #tpu.memory_space<vmem>>)
      tpu.yield
    }) : () -> ()
    "tpu.region"() ({
      %run_scoped3A_49 = tpu.sem_alloc : memref<!tpu.dma_semaphore, #tpu.memory_space<semaphore_mem>>
      %dma_start3A = arith.constant 0 : i32
      %dma_start3A_50 = tpu.memref_slice %arg4[%dma_start3A] : memref<10240xf32, #tpu.memory_space<vmem_shared>> -> memref<10240xf32, #tpu.memory_space<vmem_shared>>
      tpu.enqueue_indirect_dma source(%arg6 : memref<2000xf32, #tpu.memory_space<vmem>>) target(%dma_start3A_50 : memref<10240xf32, #tpu.memory_space<vmem_shared>>) offsets(%arg5 : memref<2000xi32, #tpu.memory_space<vmem>>) semaphore(%run_scoped3A_49 : memref<!tpu.dma_semaphore, #tpu.memory_space<semaphore_mem>>) {add = true}
      %dma_wait3A = arith.constant 0 : i32
      %dma_wait3A_51 = tpu.memref_slice %arg4[%dma_wait3A] : memref<10240xf32, #tpu.memory_space<vmem_shared>> -> memref<10240xf32, #tpu.memory_space<vmem_shared>>
      tpu.wait_indirect_dma semaphore(%run_scoped3A_49 : memref<!tpu.dma_semaphore, #tpu.memory_space<semaphore_mem>>) src(%arg6 : memref<2000xf32, #tpu.memory_space<vmem>>) dst(%dma_wait3A_51 : memref<10240xf32, #tpu.memory_space<vmem_shared>>)
      tpu.yield
    }) : () -> ()
    %mul3A_33 = arith.constant 10000 : i32
    %mul3A_34 = arith.muli %add3A, %mul3A_33 : i32
    %add3A_35 = arith.constant 8000 : i32
    %add3A_36 = arith.addi %mul3A_34, %add3A_35 : i32
    %run_scoped3A_37 = arith.constant 1 : i32
    "tpu.region"() ({
      %run_scoped3A_49 = tpu.sem_alloc : memref<!tpu.dma_semaphore, #tpu.memory_space<semaphore_mem>>
      %dma_start3A = tpu.memref_slice %arg2[%run_scoped3A_37, %add3A_36] : memref<2x320000xi32, #tpu.memory_space<hbm>> -> memref<1x2000xi32, #tpu.memory_space<hbm>>
      %dma_start3A_50 = tpu.memref_squeeze %dma_start3A : memref<1x2000xi32, #tpu.memory_space<hbm>> -> memref<2000xi32, #tpu.memory_space<hbm>>
      %dma_start3A_51 = tpu.memref_slice %arg2[%run_scoped3A_37, %add3A_36] : memref<2x320000xi32, #tpu.memory_space<hbm>> -> memref<1x2000xi32, #tpu.memory_space<hbm>>
      %dma_start3A_52 = tpu.memref_squeeze %dma_start3A_51 : memref<1x2000xi32, #tpu.memory_space<hbm>> -> memref<2000xi32, #tpu.memory_space<hbm>>
      tpu.enqueue_dma source(%dma_start3A_52 : memref<2000xi32, #tpu.memory_space<hbm>>) target(%arg5 : memref<2000xi32, #tpu.memory_space<vmem>>) target_semaphore(%run_scoped3A_49 : memref<!tpu.dma_semaphore, #tpu.memory_space<semaphore_mem>>)
      %dma_wait3A = tpu.memref_slice %arg2[%run_scoped3A_37, %add3A_36] : memref<2x320000xi32, #tpu.memory_space<hbm>> -> memref<1x2000xi32, #tpu.memory_space<hbm>>
      %dma_wait3A_53 = tpu.memref_squeeze %dma_wait3A : memref<1x2000xi32, #tpu.memory_space<hbm>> -> memref<2000xi32, #tpu.memory_space<hbm>>
      %dma_wait3A_54 = tpu.memref_slice %arg2[%run_scoped3A_37, %add3A_36] : memref<2x320000xi32, #tpu.memory_space<hbm>> -> memref<1x2000xi32, #tpu.memory_space<hbm>>
      %dma_wait3A_55 = tpu.memref_squeeze %dma_wait3A_54 : memref<1x2000xi32, #tpu.memory_space<hbm>> -> memref<2000xi32, #tpu.memory_space<hbm>>
      tpu.wait_dma2 semaphore(%run_scoped3A_49 : memref<!tpu.dma_semaphore, #tpu.memory_space<semaphore_mem>>) src(%dma_wait3A_55 : memref<2000xi32, #tpu.memory_space<hbm>>) dst(%arg5 : memref<2000xi32, #tpu.memory_space<vmem>>)
      tpu.yield
    }) : () -> ()
    "tpu.region"() ({
      %run_scoped3A_49 = tpu.sem_alloc : memref<!tpu.dma_semaphore, #tpu.memory_space<semaphore_mem>>
      %dma_start3A = arith.constant 0 : i32
      %dma_start3A_50 = tpu.memref_slice %arg4[%dma_start3A] : memref<10240xf32, #tpu.memory_space<vmem_shared>> -> memref<10240xf32, #tpu.memory_space<vmem_shared>>
      tpu.enqueue_indirect_dma source(%arg6 : memref<2000xf32, #tpu.memory_space<vmem>>) target(%dma_start3A_50 : memref<10240xf32, #tpu.memory_space<vmem_shared>>) offsets(%arg5 : memref<2000xi32, #tpu.memory_space<vmem>>) semaphore(%run_scoped3A_49 : memref<!tpu.dma_semaphore, #tpu.memory_space<semaphore_mem>>) {add = true}
      %dma_wait3A = arith.constant 0 : i32
      %dma_wait3A_51 = tpu.memref_slice %arg4[%dma_wait3A] : memref<10240xf32, #tpu.memory_space<vmem_shared>> -> memref<10240xf32, #tpu.memory_space<vmem_shared>>
      tpu.wait_indirect_dma semaphore(%run_scoped3A_49 : memref<!tpu.dma_semaphore, #tpu.memory_space<semaphore_mem>>) src(%arg6 : memref<2000xf32, #tpu.memory_space<vmem>>) dst(%dma_wait3A_51 : memref<10240xf32, #tpu.memory_space<vmem_shared>>)
      tpu.yield
    }) : () -> ()
    %barrier3A_38 = arith.constant 0 : index
    tpu.barrier barrier_id(%barrier3A_38)
    %mul3A_39 = arith.constant 640 : i32
    %mul3A_40 = arith.muli %arg1, %mul3A_39 : i32
    "tpu.region"() ({
      %run_scoped3A_49 = tpu.sem_alloc : memref<!tpu.dma_semaphore, #tpu.memory_space<semaphore_mem>>
      %dma_start3A = tpu.memref_slice %arg4[%mul3A_40] : memref<10240xf32, #tpu.memory_space<vmem_shared>> -> memref<640xf32, #tpu.memory_space<vmem_shared>>
      %dma_start3A_50 = tpu.memref_slice %arg4[%mul3A_40] : memref<10240xf32, #tpu.memory_space<vmem_shared>> -> memref<640xf32, #tpu.memory_space<vmem_shared>>
      tpu.enqueue_dma source(%dma_start3A_50 : memref<640xf32, #tpu.memory_space<vmem_shared>>) target(%arg7 : memref<640xf32, #tpu.memory_space<vmem>>) target_semaphore(%run_scoped3A_49 : memref<!tpu.dma_semaphore, #tpu.memory_space<semaphore_mem>>)
      %dma_wait3A = tpu.memref_slice %arg4[%mul3A_40] : memref<10240xf32, #tpu.memory_space<vmem_shared>> -> memref<640xf32, #tpu.memory_space<vmem_shared>>
      %dma_wait3A_51 = tpu.memref_slice %arg4[%mul3A_40] : memref<10240xf32, #tpu.memory_space<vmem_shared>> -> memref<640xf32, #tpu.memory_space<vmem_shared>>
      tpu.wait_dma2 semaphore(%run_scoped3A_49 : memref<!tpu.dma_semaphore, #tpu.memory_space<semaphore_mem>>) src(%dma_wait3A_51 : memref<640xf32, #tpu.memory_space<vmem_shared>>) dst(%arg7 : memref<640xf32, #tpu.memory_space<vmem>>)
      tpu.yield
    }) : () -> ()
    %scan3A_41 = arith.constant 0 : i32
    %scan3A_42 = arith.constant 0 : i32
    %scan3A_43 = arith.constant 40 : i32
    %scan3A_44 = arith.addi %scan3A_42, %scan3A_43 : i32
    %scan3A_45 = arith.constant 1 : i32
    scf.for %scan3A_49 = %scan3A_42 to %scan3A_44 step %scan3A_45  : i32 {
      %mul3A_50 = arith.constant 16 : i32
      %mul3A_51 = arith.muli %scan3A_49, %mul3A_50 : i32
      %get3A = arith.index_cast %mul3A_51 : i32 to index
      %get3A_52 = tpu.vector_load %arg7[%get3A] {strides = array<i32>} : memref<640xf32, #tpu.memory_space<vmem>>, vector<16xf32>,
      %get3A_53 = vector.shape_cast %get3A_52 : vector<16xf32> to vector<16xf32>
      %slice3A = vector.extract_strided_slice %get3A_53 {offsets = [0], sizes = [1], strides = [1]} : vector<16xf32> to vector<1xf32>
      %squeeze3A = vector.extract %slice3A[0] : f32 from vector<1xf32>
      %broadcast_in_dim3A = vector.broadcast %squeeze3A : f32 to vector<16xf32>
      %mul3A_54 = arith.constant 16 : i32
      %mul3A_55 = arith.muli %scan3A_49, %mul3A_54 : i32
      %add3A_56 = arith.constant 0 : i32
      %add3A_57 = arith.addi %mul3A_55, %add3A_56 : i32
      %swap3A = arith.index_cast %add3A_57 : i32 to index
      %swap3A_58 = arith.constant 0 : index
      %swap3A_59 = tpu.vector_load %arg8[%swap3A, %swap3A_58] {strides = array<i32>} : memref<640x16xf32, #tpu.memory_space<vmem>>, vector<1x16xf32>,
      %swap3A_60 = vector.shape_cast %swap3A_59 : vector<1x16xf32> to vector<16xf32>
      %swap3A_61 = vector.shape_cast %broadcast_in_dim3A : vector<16xf32> to vector<1x16xf32>
      tpu.vector_store %arg8[%swap3A, %swap3A_58], %swap3A_61 {strides = array<i32>} : memref<640x16xf32, #tpu.memory_space<vmem>>, vector<1x16xf32>,
      %slice3A_62 = vector.extract_strided_slice %get3A_53 {offsets = [1], sizes = [1], strides = [1]} : vector<16xf32> to vector<1xf32>
      %squeeze3A_63 = vector.extract %slice3A_62[0] : f32 from vector<1xf32>
      %broadcast_in_dim3A_64 = vector.broadcast %squeeze3A_63 : f32 to vector<16xf32>
      %mul3A_65 = arith.constant 16 : i32
      %mul3A_66 = arith.muli %scan3A_49, %mul3A_65 : i32
      %add3A_67 = arith.constant 1 : i32
      %add3A_68 = arith.addi %mul3A_66, %add3A_67 : i32
      %swap3A_69 = arith.index_cast %add3A_68 : i32 to index
      %swap3A_70 = arith.constant 0 : index
      %swap3A_71 = tpu.vector_load %arg8[%swap3A_69, %swap3A_70] {strides = array<i32>} : memref<640x16xf32, #tpu.memory_space<vmem>>, vector<1x16xf32>,
      %swap3A_72 = vector.shape_cast %swap3A_71 : vector<1x16xf32> to vector<16xf32>
      %swap3A_73 = vector.shape_cast %broadcast_in_dim3A_64 : vector<16xf32> to vector<1x16xf32>
      tpu.vector_store %arg8[%swap3A_69, %swap3A_70], %swap3A_73 {strides = array<i32>} : memref<640x16xf32, #tpu.memory_space<vmem>>, vector<1x16xf32>,
      %slice3A_74 = vector.extract_strided_slice %get3A_53 {offsets = [2], sizes = [1], strides = [1]} : vector<16xf32> to vector<1xf32>
      %squeeze3A_75 = vector.extract %slice3A_74[0] : f32 from vector<1xf32>
      %broadcast_in_dim3A_76 = vector.broadcast %squeeze3A_75 : f32 to vector<16xf32>
      %mul3A_77 = arith.constant 16 : i32
      %mul3A_78 = arith.muli %scan3A_49, %mul3A_77 : i32
      %add3A_79 = arith.constant 2 : i32
      %add3A_80 = arith.addi %mul3A_78, %add3A_79 : i32
      %swap3A_81 = arith.index_cast %add3A_80 : i32 to index
      %swap3A_82 = arith.constant 0 : index
      %swap3A_83 = tpu.vector_load %arg8[%swap3A_81, %swap3A_82] {strides = array<i32>} : memref<640x16xf32, #tpu.memory_space<vmem>>, vector<1x16xf32>,
      %swap3A_84 = vector.shape_cast %swap3A_83 : vector<1x16xf32> to vector<16xf32>
      %swap3A_85 = vector.shape_cast %broadcast_in_dim3A_76 : vector<16xf32> to vector<1x16xf32>
      tpu.vector_store %arg8[%swap3A_81, %swap3A_82], %swap3A_85 {strides = array<i32>} : memref<640x16xf32, #tpu.memory_space<vmem>>, vector<1x16xf32>,
      %slice3A_86 = vector.extract_strided_slice %get3A_53 {offsets = [3], sizes = [1], strides = [1]} : vector<16xf32> to vector<1xf32>
      %squeeze3A_87 = vector.extract %slice3A_86[0] : f32 from vector<1xf32>
      %broadcast_in_dim3A_88 = vector.broadcast %squeeze3A_87 : f32 to vector<16xf32>
      %mul3A_89 = arith.constant 16 : i32
      %mul3A_90 = arith.muli %scan3A_49, %mul3A_89 : i32
      %add3A_91 = arith.constant 3 : i32
      %add3A_92 = arith.addi %mul3A_90, %add3A_91 : i32
      %swap3A_93 = arith.index_cast %add3A_92 : i32 to index
      %swap3A_94 = arith.constant 0 : index
      %swap3A_95 = tpu.vector_load %arg8[%swap3A_93, %swap3A_94] {strides = array<i32>} : memref<640x16xf32, #tpu.memory_space<vmem>>, vector<1x16xf32>,
      %swap3A_96 = vector.shape_cast %swap3A_95 : vector<1x16xf32> to vector<16xf32>
      %swap3A_97 = vector.shape_cast %broadcast_in_dim3A_88 : vector<16xf32> to vector<1x16xf32>
      tpu.vector_store %arg8[%swap3A_93, %swap3A_94], %swap3A_97 {strides = array<i32>} : memref<640x16xf32, #tpu.memory_space<vmem>>, vector<1x16xf32>,
      %slice3A_98 = vector.extract_strided_slice %get3A_53 {offsets = [4], sizes = [1], strides = [1]} : vector<16xf32> to vector<1xf32>
      %squeeze3A_99 = vector.extract %slice3A_98[0] : f32 from vector<1xf32>
      %broadcast_in_dim3A_100 = vector.broadcast %squeeze3A_99 : f32 to vector<16xf32>
      %mul3A_101 = arith.constant 16 : i32
      %mul3A_102 = arith.muli %scan3A_49, %mul3A_101 : i32
      %add3A_103 = arith.constant 4 : i32
      %add3A_104 = arith.addi %mul3A_102, %add3A_103 : i32
      %swap3A_105 = arith.index_cast %add3A_104 : i32 to index
      %swap3A_106 = arith.constant 0 : index
      %swap3A_107 = tpu.vector_load %arg8[%swap3A_105, %swap3A_106] {strides = array<i32>} : memref<640x16xf32, #tpu.memory_space<vmem>>, vector<1x16xf32>,
      %swap3A_108 = vector.shape_cast %swap3A_107 : vector<1x16xf32> to vector<16xf32>
      %swap3A_109 = vector.shape_cast %broadcast_in_dim3A_100 : vector<16xf32> to vector<1x16xf32>
      tpu.vector_store %arg8[%swap3A_105, %swap3A_106], %swap3A_109 {strides = array<i32>} : memref<640x16xf32, #tpu.memory_space<vmem>>, vector<1x16xf32>,
      %slice3A_110 = vector.extract_strided_slice %get3A_53 {offsets = [5], sizes = [1], strides = [1]} : vector<16xf32> to vector<1xf32>
      %squeeze3A_111 = vector.extract %slice3A_110[0] : f32 from vector<1xf32>
      %broadcast_in_dim3A_112 = vector.broadcast %squeeze3A_111 : f32 to vector<16xf32>
      %mul3A_113 = arith.constant 16 : i32
      %mul3A_114 = arith.muli %scan3A_49, %mul3A_113 : i32
      %add3A_115 = arith.constant 5 : i32
      %add3A_116 = arith.addi %mul3A_114, %add3A_115 : i32
      %swap3A_117 = arith.index_cast %add3A_116 : i32 to index
      %swap3A_118 = arith.constant 0 : index
      %swap3A_119 = tpu.vector_load %arg8[%swap3A_117, %swap3A_118] {strides = array<i32>} : memref<640x16xf32, #tpu.memory_space<vmem>>, vector<1x16xf32>,
      %swap3A_120 = vector.shape_cast %swap3A_119 : vector<1x16xf32> to vector<16xf32>
      %swap3A_121 = vector.shape_cast %broadcast_in_dim3A_112 : vector<16xf32> to vector<1x16xf32>
      tpu.vector_store %arg8[%swap3A_117, %swap3A_118], %swap3A_121 {strides = array<i32>} : memref<640x16xf32, #tpu.memory_space<vmem>>, vector<1x16xf32>,
      %slice3A_122 = vector.extract_strided_slice %get3A_53 {offsets = [6], sizes = [1], strides = [1]} : vector<16xf32> to vector<1xf32>
      %squeeze3A_123 = vector.extract %slice3A_122[0] : f32 from vector<1xf32>
      %broadcast_in_dim3A_124 = vector.broadcast %squeeze3A_123 : f32 to vector<16xf32>
      %mul3A_125 = arith.constant 16 : i32
      %mul3A_126 = arith.muli %scan3A_49, %mul3A_125 : i32
      %add3A_127 = arith.constant 6 : i32
      %add3A_128 = arith.addi %mul3A_126, %add3A_127 : i32
      %swap3A_129 = arith.index_cast %add3A_128 : i32 to index
      %swap3A_130 = arith.constant 0 : index
      %swap3A_131 = tpu.vector_load %arg8[%swap3A_129, %swap3A_130] {strides = array<i32>} : memref<640x16xf32, #tpu.memory_space<vmem>>, vector<1x16xf32>,
      %swap3A_132 = vector.shape_cast %swap3A_131 : vector<1x16xf32> to vector<16xf32>
      %swap3A_133 = vector.shape_cast %broadcast_in_dim3A_124 : vector<16xf32> to vector<1x16xf32>
      tpu.vector_store %arg8[%swap3A_129, %swap3A_130], %swap3A_133 {strides = array<i32>} : memref<640x16xf32, #tpu.memory_space<vmem>>, vector<1x16xf32>,
      %slice3A_134 = vector.extract_strided_slice %get3A_53 {offsets = [7], sizes = [1], strides = [1]} : vector<16xf32> to vector<1xf32>
      %squeeze3A_135 = vector.extract %slice3A_134[0] : f32 from vector<1xf32>
      %broadcast_in_dim3A_136 = vector.broadcast %squeeze3A_135 : f32 to vector<16xf32>
      %mul3A_137 = arith.constant 16 : i32
      %mul3A_138 = arith.muli %scan3A_49, %mul3A_137 : i32
      %add3A_139 = arith.constant 7 : i32
      %add3A_140 = arith.addi %mul3A_138, %add3A_139 : i32
      %swap3A_141 = arith.index_cast %add3A_140 : i32 to index
      %swap3A_142 = arith.constant 0 : index
      %swap3A_143 = tpu.vector_load %arg8[%swap3A_141, %swap3A_142] {strides = array<i32>} : memref<640x16xf32, #tpu.memory_space<vmem>>, vector<1x16xf32>,
      %swap3A_144 = vector.shape_cast %swap3A_143 : vector<1x16xf32> to vector<16xf32>
      %swap3A_145 = vector.shape_cast %broadcast_in_dim3A_136 : vector<16xf32> to vector<1x16xf32>
      tpu.vector_store %arg8[%swap3A_141, %swap3A_142], %swap3A_145 {strides = array<i32>} : memref<640x16xf32, #tpu.memory_space<vmem>>, vector<1x16xf32>,
      %slice3A_146 = vector.extract_strided_slice %get3A_53 {offsets = [8], sizes = [1], strides = [1]} : vector<16xf32> to vector<1xf32>
      %squeeze3A_147 = vector.extract %slice3A_146[0] : f32 from vector<1xf32>
      %broadcast_in_dim3A_148 = vector.broadcast %squeeze3A_147 : f32 to vector<16xf32>
      %mul3A_149 = arith.constant 16 : i32
      %mul3A_150 = arith.muli %scan3A_49, %mul3A_149 : i32
      %add3A_151 = arith.constant 8 : i32
      %add3A_152 = arith.addi %mul3A_150, %add3A_151 : i32
      %swap3A_153 = arith.index_cast %add3A_152 : i32 to index
      %swap3A_154 = arith.constant 0 : index
      %swap3A_155 = tpu.vector_load %arg8[%swap3A_153, %swap3A_154] {strides = array<i32>} : memref<640x16xf32, #tpu.memory_space<vmem>>, vector<1x16xf32>,
      %swap3A_156 = vector.shape_cast %swap3A_155 : vector<1x16xf32> to vector<16xf32>
      %swap3A_157 = vector.shape_cast %broadcast_in_dim3A_148 : vector<16xf32> to vector<1x16xf32>
      tpu.vector_store %arg8[%swap3A_153, %swap3A_154], %swap3A_157 {strides = array<i32>} : memref<640x16xf32, #tpu.memory_space<vmem>>, vector<1x16xf32>,
      %slice3A_158 = vector.extract_strided_slice %get3A_53 {offsets = [9], sizes = [1], strides = [1]} : vector<16xf32> to vector<1xf32>
      %squeeze3A_159 = vector.extract %slice3A_158[0] : f32 from vector<1xf32>
      %broadcast_in_dim3A_160 = vector.broadcast %squeeze3A_159 : f32 to vector<16xf32>
      %mul3A_161 = arith.constant 16 : i32
      %mul3A_162 = arith.muli %scan3A_49, %mul3A_161 : i32
      %add3A_163 = arith.constant 9 : i32
      %add3A_164 = arith.addi %mul3A_162, %add3A_163 : i32
      %swap3A_165 = arith.index_cast %add3A_164 : i32 to index
      %swap3A_166 = arith.constant 0 : index
      %swap3A_167 = tpu.vector_load %arg8[%swap3A_165, %swap3A_166] {strides = array<i32>} : memref<640x16xf32, #tpu.memory_space<vmem>>, vector<1x16xf32>,
      %swap3A_168 = vector.shape_cast %swap3A_167 : vector<1x16xf32> to vector<16xf32>
      %swap3A_169 = vector.shape_cast %broadcast_in_dim3A_160 : vector<16xf32> to vector<1x16xf32>
      tpu.vector_store %arg8[%swap3A_165, %swap3A_166], %swap3A_169 {strides = array<i32>} : memref<640x16xf32, #tpu.memory_space<vmem>>, vector<1x16xf32>,
      %slice3A_170 = vector.extract_strided_slice %get3A_53 {offsets = [10], sizes = [1], strides = [1]} : vector<16xf32> to vector<1xf32>
      %squeeze3A_171 = vector.extract %slice3A_170[0] : f32 from vector<1xf32>
      %broadcast_in_dim3A_172 = vector.broadcast %squeeze3A_171 : f32 to vector<16xf32>
      %mul3A_173 = arith.constant 16 : i32
      %mul3A_174 = arith.muli %scan3A_49, %mul3A_173 : i32
      %add3A_175 = arith.constant 10 : i32
      %add3A_176 = arith.addi %mul3A_174, %add3A_175 : i32
      %swap3A_177 = arith.index_cast %add3A_176 : i32 to index
      %swap3A_178 = arith.constant 0 : index
      %swap3A_179 = tpu.vector_load %arg8[%swap3A_177, %swap3A_178] {strides = array<i32>} : memref<640x16xf32, #tpu.memory_space<vmem>>, vector<1x16xf32>,
      %swap3A_180 = vector.shape_cast %swap3A_179 : vector<1x16xf32> to vector<16xf32>
      %swap3A_181 = vector.shape_cast %broadcast_in_dim3A_172 : vector<16xf32> to vector<1x16xf32>
      tpu.vector_store %arg8[%swap3A_177, %swap3A_178], %swap3A_181 {strides = array<i32>} : memref<640x16xf32, #tpu.memory_space<vmem>>, vector<1x16xf32>,
      %slice3A_182 = vector.extract_strided_slice %get3A_53 {offsets = [11], sizes = [1], strides = [1]} : vector<16xf32> to vector<1xf32>
      %squeeze3A_183 = vector.extract %slice3A_182[0] : f32 from vector<1xf32>
      %broadcast_in_dim3A_184 = vector.broadcast %squeeze3A_183 : f32 to vector<16xf32>
      %mul3A_185 = arith.constant 16 : i32
      %mul3A_186 = arith.muli %scan3A_49, %mul3A_185 : i32
      %add3A_187 = arith.constant 11 : i32
      %add3A_188 = arith.addi %mul3A_186, %add3A_187 : i32
      %swap3A_189 = arith.index_cast %add3A_188 : i32 to index
      %swap3A_190 = arith.constant 0 : index
      %swap3A_191 = tpu.vector_load %arg8[%swap3A_189, %swap3A_190] {strides = array<i32>} : memref<640x16xf32, #tpu.memory_space<vmem>>, vector<1x16xf32>,
      %swap3A_192 = vector.shape_cast %swap3A_191 : vector<1x16xf32> to vector<16xf32>
      %swap3A_193 = vector.shape_cast %broadcast_in_dim3A_184 : vector<16xf32> to vector<1x16xf32>
      tpu.vector_store %arg8[%swap3A_189, %swap3A_190], %swap3A_193 {strides = array<i32>} : memref<640x16xf32, #tpu.memory_space<vmem>>, vector<1x16xf32>,
      %slice3A_194 = vector.extract_strided_slice %get3A_53 {offsets = [12], sizes = [1], strides = [1]} : vector<16xf32> to vector<1xf32>
      %squeeze3A_195 = vector.extract %slice3A_194[0] : f32 from vector<1xf32>
      %broadcast_in_dim3A_196 = vector.broadcast %squeeze3A_195 : f32 to vector<16xf32>
      %mul3A_197 = arith.constant 16 : i32
      %mul3A_198 = arith.muli %scan3A_49, %mul3A_197 : i32
      %add3A_199 = arith.constant 12 : i32
      %add3A_200 = arith.addi %mul3A_198, %add3A_199 : i32
      %swap3A_201 = arith.index_cast %add3A_200 : i32 to index
      %swap3A_202 = arith.constant 0 : index
      %swap3A_203 = tpu.vector_load %arg8[%swap3A_201, %swap3A_202] {strides = array<i32>} : memref<640x16xf32, #tpu.memory_space<vmem>>, vector<1x16xf32>,
      %swap3A_204 = vector.shape_cast %swap3A_203 : vector<1x16xf32> to vector<16xf32>
      %swap3A_205 = vector.shape_cast %broadcast_in_dim3A_196 : vector<16xf32> to vector<1x16xf32>
      tpu.vector_store %arg8[%swap3A_201, %swap3A_202], %swap3A_205 {strides = array<i32>} : memref<640x16xf32, #tpu.memory_space<vmem>>, vector<1x16xf32>,
      %slice3A_206 = vector.extract_strided_slice %get3A_53 {offsets = [13], sizes = [1], strides = [1]} : vector<16xf32> to vector<1xf32>
      %squeeze3A_207 = vector.extract %slice3A_206[0] : f32 from vector<1xf32>
      %broadcast_in_dim3A_208 = vector.broadcast %squeeze3A_207 : f32 to vector<16xf32>
      %mul3A_209 = arith.constant 16 : i32
      %mul3A_210 = arith.muli %scan3A_49, %mul3A_209 : i32
      %add3A_211 = arith.constant 13 : i32
      %add3A_212 = arith.addi %mul3A_210, %add3A_211 : i32
      %swap3A_213 = arith.index_cast %add3A_212 : i32 to index
      %swap3A_214 = arith.constant 0 : index
      %swap3A_215 = tpu.vector_load %arg8[%swap3A_213, %swap3A_214] {strides = array<i32>} : memref<640x16xf32, #tpu.memory_space<vmem>>, vector<1x16xf32>,
      %swap3A_216 = vector.shape_cast %swap3A_215 : vector<1x16xf32> to vector<16xf32>
      %swap3A_217 = vector.shape_cast %broadcast_in_dim3A_208 : vector<16xf32> to vector<1x16xf32>
      tpu.vector_store %arg8[%swap3A_213, %swap3A_214], %swap3A_217 {strides = array<i32>} : memref<640x16xf32, #tpu.memory_space<vmem>>, vector<1x16xf32>,
      %slice3A_218 = vector.extract_strided_slice %get3A_53 {offsets = [14], sizes = [1], strides = [1]} : vector<16xf32> to vector<1xf32>
      %squeeze3A_219 = vector.extract %slice3A_218[0] : f32 from vector<1xf32>
      %broadcast_in_dim3A_220 = vector.broadcast %squeeze3A_219 : f32 to vector<16xf32>
      %mul3A_221 = arith.constant 16 : i32
      %mul3A_222 = arith.muli %scan3A_49, %mul3A_221 : i32
      %add3A_223 = arith.constant 14 : i32
      %add3A_224 = arith.addi %mul3A_222, %add3A_223 : i32
      %swap3A_225 = arith.index_cast %add3A_224 : i32 to index
      %swap3A_226 = arith.constant 0 : index
      %swap3A_227 = tpu.vector_load %arg8[%swap3A_225, %swap3A_226] {strides = array<i32>} : memref<640x16xf32, #tpu.memory_space<vmem>>, vector<1x16xf32>,
      %swap3A_228 = vector.shape_cast %swap3A_227 : vector<1x16xf32> to vector<16xf32>
      %swap3A_229 = vector.shape_cast %broadcast_in_dim3A_220 : vector<16xf32> to vector<1x16xf32>
      tpu.vector_store %arg8[%swap3A_225, %swap3A_226], %swap3A_229 {strides = array<i32>} : memref<640x16xf32, #tpu.memory_space<vmem>>, vector<1x16xf32>,
      %slice3A_230 = vector.extract_strided_slice %get3A_53 {offsets = [15], sizes = [1], strides = [1]} : vector<16xf32> to vector<1xf32>
      %squeeze3A_231 = vector.extract %slice3A_230[0] : f32 from vector<1xf32>
      %broadcast_in_dim3A_232 = vector.broadcast %squeeze3A_231 : f32 to vector<16xf32>
      %mul3A_233 = arith.constant 16 : i32
      %mul3A_234 = arith.muli %scan3A_49, %mul3A_233 : i32
      %add3A_235 = arith.constant 15 : i32
      %add3A_236 = arith.addi %mul3A_234, %add3A_235 : i32
      %swap3A_237 = arith.index_cast %add3A_236 : i32 to index
      %swap3A_238 = arith.constant 0 : index
      %swap3A_239 = tpu.vector_load %arg8[%swap3A_237, %swap3A_238] {strides = array<i32>} : memref<640x16xf32, #tpu.memory_space<vmem>>, vector<1x16xf32>,
      %swap3A_240 = vector.shape_cast %swap3A_239 : vector<1x16xf32> to vector<16xf32>
      %swap3A_241 = vector.shape_cast %broadcast_in_dim3A_232 : vector<16xf32> to vector<1x16xf32>
      tpu.vector_store %arg8[%swap3A_237, %swap3A_238], %swap3A_241 {strides = array<i32>} : memref<640x16xf32, #tpu.memory_space<vmem>>, vector<1x16xf32>,
    }
    %scan3A_46 = arith.constant 40 : i32
    %mul3A_47 = arith.constant 640 : i32
    %mul3A_48 = arith.muli %arg1, %mul3A_47 : i32
    "tpu.region"() ({
      %run_scoped3A_49 = tpu.sem_alloc : memref<!tpu.dma_semaphore, #tpu.memory_space<semaphore_mem>>
      %dma_start3A = arith.constant 0 : i32
      %dma_start3A_50 = tpu.memref_slice %arg3[%arg0, %mul3A_48, %dma_start3A] : memref<2x10240x16xf32, #tpu.memory_space<hbm>> -> memref<1x640x16xf32, #tpu.memory_space<hbm>>
      %dma_start3A_51 = tpu.memref_squeeze %dma_start3A_50 : memref<1x640x16xf32, #tpu.memory_space<hbm>> -> memref<640x16xf32, #tpu.memory_space<hbm>>
      %dma_start3A_52 = arith.constant 0 : i32
      %dma_start3A_53 = tpu.memref_slice %arg3[%arg0, %mul3A_48, %dma_start3A_52] : memref<2x10240x16xf32, #tpu.memory_space<hbm>> -> memref<1x640x16xf32, #tpu.memory_space<hbm>>
      %dma_start3A_54 = tpu.memref_squeeze %dma_start3A_53 : memref<1x640x16xf32, #tpu.memory_space<hbm>> -> memref<640x16xf32, #tpu.memory_space<hbm>>
      tpu.enqueue_dma source(%arg8 : memref<640x16xf32, #tpu.memory_space<vmem>>) target(%dma_start3A_54 : memref<640x16xf32, #tpu.memory_space<hbm>>) target_semaphore(%run_scoped3A_49 : memref<!tpu.dma_semaphore, #tpu.memory_space<semaphore_mem>>)
      %dma_wait3A = arith.constant 0 : i32
      %dma_wait3A_55 = tpu.memref_slice %arg3[%arg0, %mul3A_48, %dma_wait3A] : memref<2x10240x16xf32, #tpu.memory_space<hbm>> -> memref<1x640x16xf32, #tpu.memory_space<hbm>>
      %dma_wait3A_56 = tpu.memref_squeeze %dma_wait3A_55 : memref<1x640x16xf32, #tpu.memory_space<hbm>> -> memref<640x16xf32, #tpu.memory_space<hbm>>
      %dma_wait3A_57 = arith.constant 0 : i32
      %dma_wait3A_58 = tpu.memref_slice %arg3[%arg0, %mul3A_48, %dma_wait3A_57] : memref<2x10240x16xf32, #tpu.memory_space<hbm>> -> memref<1x640x16xf32, #tpu.memory_space<hbm>>
      %dma_wait3A_59 = tpu.memref_squeeze %dma_wait3A_58 : memref<1x640x16xf32, #tpu.memory_space<hbm>> -> memref<640x16xf32, #tpu.memory_space<hbm>>
      tpu.wait_dma2 semaphore(%run_scoped3A_49 : memref<!tpu.dma_semaphore, #tpu.memory_space<semaphore_mem>>) src(%arg8 : memref<640x16xf32, #tpu.memory_space<vmem>>) dst(%dma_wait3A_59 : memref<640x16xf32, #tpu.memory_space<hbm>>)
      tpu.yield
    }) : () -> ()
    return
  }
}

#map = affine_map<(d0, d1) -> (0, 0)>
#map1 = affine_map<(d0, d1) -> (0, 0, 0)>
module attributes {stable_mosaic.version = 14 : i64} {
  func.func @_agg_kernel(%arg0: i32, %arg1: i32, %arg2: memref<10240x16xf32, #tpu.memory_space<hbm>>, %arg3: memref<2x320000xi32, #tpu.memory_space<hbm>>, %arg4: memref<2x10240x16xf32, #tpu.memory_space<hbm>>, %arg5: memref<10240x16xf32, #tpu.memory_space<vmem_shared>>, %arg6: memref<10240x16xf32, #tpu.memory_space<vmem_shared>>, %arg7: memref<2000xi32, #tpu.memory_space<vmem>>, %arg8: memref<2000xi32, #tpu.memory_space<vmem>>, %arg9: memref<2000xi32, #tpu.memory_space<vmem>>, %arg10: memref<2000xi32, #tpu.memory_space<vmem>>, %arg11: memref<2000x16xf32, #tpu.memory_space<vmem>>, %arg12: memref<2000x16xf32, #tpu.memory_space<vmem>>, %arg13: memref<640x16xf32, #tpu.memory_space<vmem>>, %arg14: memref<!tpu.dma_semaphore, #tpu.memory_space<semaphore_mem>>, %arg15: memref<!tpu.dma_semaphore, #tpu.memory_space<semaphore_mem>>, %arg16: memref<!tpu.dma_semaphore, #tpu.memory_space<semaphore_mem>>, %arg17: memref<!tpu.dma_semaphore, #tpu.memory_space<semaphore_mem>>, %arg18: memref<!tpu.dma_semaphore, #tpu.memory_space<semaphore_mem>>, %arg19: memref<!tpu.dma_semaphore, #tpu.memory_space<semaphore_mem>>, %arg20: memref<!tpu.dma_semaphore, #tpu.memory_space<semaphore_mem>>, %arg21: memref<!tpu.dma_semaphore, #tpu.memory_space<semaphore_mem>>) attributes {dimension_semantics = [#tpu.dimension_semantics<core_parallel>, #tpu.dimension_semantics<subcore_parallel>], iteration_bounds = array<i64: 2, 16>, scalar_prefetch = 0 : i64, scratch_operands = 17 : i64, tpu.core_type = #tpu.core_type<sc_vector_subcore>, window_params = [{transform_indices = #map}, {transform_indices = #map}, {transform_indices = #map1}]} {
    %mul3A = arith.constant 16 : i32
    %mul3A_0 = arith.muli %arg0, %mul3A : i32
    %add3A = arith.addi %mul3A_0, %arg1 : i32
    %mul3A_1 = arith.constant 640 : i32
    %mul3A_2 = arith.muli %arg1, %mul3A_1 : i32
    %mul3A_3 = arith.constant 10000 : i32
    %mul3A_4 = arith.muli %add3A, %mul3A_3 : i32
    %run_scoped3A = arith.constant 0 : i32
    "tpu.region"() ({
      %run_scoped3A_185 = tpu.sem_alloc : memref<!tpu.dma_semaphore, #tpu.memory_space<semaphore_mem>>
      %dma_start3A_186 = tpu.memref_slice %arg3[%run_scoped3A, %mul3A_4] : memref<2x320000xi32, #tpu.memory_space<hbm>> -> memref<1x2000xi32, #tpu.memory_space<hbm>>
      %dma_start3A_187 = tpu.memref_squeeze %dma_start3A_186 : memref<1x2000xi32, #tpu.memory_space<hbm>> -> memref<2000xi32, #tpu.memory_space<hbm>>
      %dma_start3A_188 = tpu.memref_slice %arg3[%run_scoped3A, %mul3A_4] : memref<2x320000xi32, #tpu.memory_space<hbm>> -> memref<1x2000xi32, #tpu.memory_space<hbm>>
      %dma_start3A_189 = tpu.memref_squeeze %dma_start3A_188 : memref<1x2000xi32, #tpu.memory_space<hbm>> -> memref<2000xi32, #tpu.memory_space<hbm>>
      tpu.enqueue_dma source(%dma_start3A_189 : memref<2000xi32, #tpu.memory_space<hbm>>) target(%arg7 : memref<2000xi32, #tpu.memory_space<vmem>>) target_semaphore(%run_scoped3A_185 : memref<!tpu.dma_semaphore, #tpu.memory_space<semaphore_mem>>)
      %dma_wait3A_190 = tpu.memref_slice %arg3[%run_scoped3A, %mul3A_4] : memref<2x320000xi32, #tpu.memory_space<hbm>> -> memref<1x2000xi32, #tpu.memory_space<hbm>>
      %dma_wait3A_191 = tpu.memref_squeeze %dma_wait3A_190 : memref<1x2000xi32, #tpu.memory_space<hbm>> -> memref<2000xi32, #tpu.memory_space<hbm>>
      %dma_wait3A_192 = tpu.memref_slice %arg3[%run_scoped3A, %mul3A_4] : memref<2x320000xi32, #tpu.memory_space<hbm>> -> memref<1x2000xi32, #tpu.memory_space<hbm>>
      %dma_wait3A_193 = tpu.memref_squeeze %dma_wait3A_192 : memref<1x2000xi32, #tpu.memory_space<hbm>> -> memref<2000xi32, #tpu.memory_space<hbm>>
      tpu.wait_dma2 semaphore(%run_scoped3A_185 : memref<!tpu.dma_semaphore, #tpu.memory_space<semaphore_mem>>) src(%dma_wait3A_193 : memref<2000xi32, #tpu.memory_space<hbm>>) dst(%arg7 : memref<2000xi32, #tpu.memory_space<vmem>>)
      tpu.yield
    }) : () -> ()
    %mul3A_5 = arith.constant 10000 : i32
    %mul3A_6 = arith.muli %add3A, %mul3A_5 : i32
    %run_scoped3A_7 = arith.constant 1 : i32
    "tpu.region"() ({
      %run_scoped3A_185 = tpu.sem_alloc : memref<!tpu.dma_semaphore, #tpu.memory_space<semaphore_mem>>
      %dma_start3A_186 = tpu.memref_slice %arg3[%run_scoped3A_7, %mul3A_6] : memref<2x320000xi32, #tpu.memory_space<hbm>> -> memref<1x2000xi32, #tpu.memory_space<hbm>>
      %dma_start3A_187 = tpu.memref_squeeze %dma_start3A_186 : memref<1x2000xi32, #tpu.memory_space<hbm>> -> memref<2000xi32, #tpu.memory_space<hbm>>
      %dma_start3A_188 = tpu.memref_slice %arg3[%run_scoped3A_7, %mul3A_6] : memref<2x320000xi32, #tpu.memory_space<hbm>> -> memref<1x2000xi32, #tpu.memory_space<hbm>>
      %dma_start3A_189 = tpu.memref_squeeze %dma_start3A_188 : memref<1x2000xi32, #tpu.memory_space<hbm>> -> memref<2000xi32, #tpu.memory_space<hbm>>
      tpu.enqueue_dma source(%dma_start3A_189 : memref<2000xi32, #tpu.memory_space<hbm>>) target(%arg9 : memref<2000xi32, #tpu.memory_space<vmem>>) target_semaphore(%run_scoped3A_185 : memref<!tpu.dma_semaphore, #tpu.memory_space<semaphore_mem>>)
      %dma_wait3A_190 = tpu.memref_slice %arg3[%run_scoped3A_7, %mul3A_6] : memref<2x320000xi32, #tpu.memory_space<hbm>> -> memref<1x2000xi32, #tpu.memory_space<hbm>>
      %dma_wait3A_191 = tpu.memref_squeeze %dma_wait3A_190 : memref<1x2000xi32, #tpu.memory_space<hbm>> -> memref<2000xi32, #tpu.memory_space<hbm>>
      %dma_wait3A_192 = tpu.memref_slice %arg3[%run_scoped3A_7, %mul3A_6] : memref<2x320000xi32, #tpu.memory_space<hbm>> -> memref<1x2000xi32, #tpu.memory_space<hbm>>
      %dma_wait3A_193 = tpu.memref_squeeze %dma_wait3A_192 : memref<1x2000xi32, #tpu.memory_space<hbm>> -> memref<2000xi32, #tpu.memory_space<hbm>>
      tpu.wait_dma2 semaphore(%run_scoped3A_185 : memref<!tpu.dma_semaphore, #tpu.memory_space<semaphore_mem>>) src(%dma_wait3A_193 : memref<2000xi32, #tpu.memory_space<hbm>>) dst(%arg9 : memref<2000xi32, #tpu.memory_space<vmem>>)
      tpu.yield
    }) : () -> ()
    "tpu.region"() ({
      %run_scoped3A_185 = tpu.sem_alloc : memref<!tpu.dma_semaphore, #tpu.memory_space<semaphore_mem>>
      %dma_start3A_186 = arith.constant 0 : i32
      %dma_start3A_187 = tpu.memref_slice %arg2[%mul3A_2, %dma_start3A_186] : memref<10240x16xf32, #tpu.memory_space<hbm>> -> memref<640x16xf32, #tpu.memory_space<hbm>>
      %dma_start3A_188 = arith.constant 0 : i32
      %dma_start3A_189 = tpu.memref_slice %arg2[%mul3A_2, %dma_start3A_188] : memref<10240x16xf32, #tpu.memory_space<hbm>> -> memref<640x16xf32, #tpu.memory_space<hbm>>
      tpu.enqueue_dma source(%dma_start3A_189 : memref<640x16xf32, #tpu.memory_space<hbm>>) target(%arg13 : memref<640x16xf32, #tpu.memory_space<vmem>>) target_semaphore(%run_scoped3A_185 : memref<!tpu.dma_semaphore, #tpu.memory_space<semaphore_mem>>)
      %dma_wait3A_190 = arith.constant 0 : i32
      %dma_wait3A_191 = tpu.memref_slice %arg2[%mul3A_2, %dma_wait3A_190] : memref<10240x16xf32, #tpu.memory_space<hbm>> -> memref<640x16xf32, #tpu.memory_space<hbm>>
      %dma_wait3A_192 = arith.constant 0 : i32
      %dma_wait3A_193 = tpu.memref_slice %arg2[%mul3A_2, %dma_wait3A_192] : memref<10240x16xf32, #tpu.memory_space<hbm>> -> memref<640x16xf32, #tpu.memory_space<hbm>>
      tpu.wait_dma2 semaphore(%run_scoped3A_185 : memref<!tpu.dma_semaphore, #tpu.memory_space<semaphore_mem>>) src(%dma_wait3A_193 : memref<640x16xf32, #tpu.memory_space<hbm>>) dst(%arg13 : memref<640x16xf32, #tpu.memory_space<vmem>>)
      tpu.yield
    }) : () -> ()
    "tpu.region"() ({
      %run_scoped3A_185 = tpu.sem_alloc : memref<!tpu.dma_semaphore, #tpu.memory_space<semaphore_mem>>
      %dma_start3A_186 = arith.constant 0 : i32
      %dma_start3A_187 = tpu.memref_slice %arg5[%mul3A_2, %dma_start3A_186] : memref<10240x16xf32, #tpu.memory_space<vmem_shared>> -> memref<640x16xf32, #tpu.memory_space<vmem_shared>>
      %dma_start3A_188 = arith.constant 0 : i32
      %dma_start3A_189 = tpu.memref_slice %arg5[%mul3A_2, %dma_start3A_188] : memref<10240x16xf32, #tpu.memory_space<vmem_shared>> -> memref<640x16xf32, #tpu.memory_space<vmem_shared>>
      tpu.enqueue_dma source(%arg13 : memref<640x16xf32, #tpu.memory_space<vmem>>) target(%dma_start3A_189 : memref<640x16xf32, #tpu.memory_space<vmem_shared>>) target_semaphore(%run_scoped3A_185 : memref<!tpu.dma_semaphore, #tpu.memory_space<semaphore_mem>>)
      %dma_wait3A_190 = arith.constant 0 : i32
      %dma_wait3A_191 = tpu.memref_slice %arg5[%mul3A_2, %dma_wait3A_190] : memref<10240x16xf32, #tpu.memory_space<vmem_shared>> -> memref<640x16xf32, #tpu.memory_space<vmem_shared>>
      %dma_wait3A_192 = arith.constant 0 : i32
      %dma_wait3A_193 = tpu.memref_slice %arg5[%mul3A_2, %dma_wait3A_192] : memref<10240x16xf32, #tpu.memory_space<vmem_shared>> -> memref<640x16xf32, #tpu.memory_space<vmem_shared>>
      tpu.wait_dma2 semaphore(%run_scoped3A_185 : memref<!tpu.dma_semaphore, #tpu.memory_space<semaphore_mem>>) src(%arg13 : memref<640x16xf32, #tpu.memory_space<vmem>>) dst(%dma_wait3A_193 : memref<640x16xf32, #tpu.memory_space<vmem_shared>>)
      tpu.yield
    }) : () -> ()
    %eq3A = arith.constant 0 : i32
    %eq3A_8 = arith.cmpi eq, %arg0, %eq3A : i32
    %convert_element_type3A = arith.extui %eq3A_8 : i1 to i32
    %cond3A = arith.constant 0 : i32
    %cond3A_9 = arith.cmpi ne, %convert_element_type3A, %cond3A : i32
    scf.if %cond3A_9 {
      "tpu.region"() ({
        %run_scoped3A_185 = tpu.sem_alloc : memref<!tpu.dma_semaphore, #tpu.memory_space<semaphore_mem>>
        %dma_start3A_186 = arith.constant 0 : i32
        %dma_start3A_187 = tpu.memref_slice %arg6[%mul3A_2, %dma_start3A_186] : memref<10240x16xf32, #tpu.memory_space<vmem_shared>> -> memref<640x16xf32, #tpu.memory_space<vmem_shared>>
        %dma_start3A_188 = arith.constant 0 : i32
        %dma_start3A_189 = tpu.memref_slice %arg6[%mul3A_2, %dma_start3A_188] : memref<10240x16xf32, #tpu.memory_space<vmem_shared>> -> memref<640x16xf32, #tpu.memory_space<vmem_shared>>
        tpu.enqueue_dma source(%arg13 : memref<640x16xf32, #tpu.memory_space<vmem>>) target(%dma_start3A_189 : memref<640x16xf32, #tpu.memory_space<vmem_shared>>) target_semaphore(%run_scoped3A_185 : memref<!tpu.dma_semaphore, #tpu.memory_space<semaphore_mem>>)
        %dma_wait3A_190 = arith.constant 0 : i32
        %dma_wait3A_191 = tpu.memref_slice %arg6[%mul3A_2, %dma_wait3A_190] : memref<10240x16xf32, #tpu.memory_space<vmem_shared>> -> memref<640x16xf32, #tpu.memory_space<vmem_shared>>
        %dma_wait3A_192 = arith.constant 0 : i32
        %dma_wait3A_193 = tpu.memref_slice %arg6[%mul3A_2, %dma_wait3A_192] : memref<10240x16xf32, #tpu.memory_space<vmem_shared>> -> memref<640x16xf32, #tpu.memory_space<vmem_shared>>
        tpu.wait_dma2 semaphore(%run_scoped3A_185 : memref<!tpu.dma_semaphore, #tpu.memory_space<semaphore_mem>>) src(%arg13 : memref<640x16xf32, #tpu.memory_space<vmem>>) dst(%dma_wait3A_193 : memref<640x16xf32, #tpu.memory_space<vmem_shared>>)
        tpu.yield
      }) : () -> ()
    } else {
    }
    %ne3A = arith.constant 0 : i32
    %ne3A_10 = arith.cmpi ne, %arg0, %ne3A : i32
    %convert_element_type3A_11 = arith.extui %ne3A_10 : i1 to i32
    %cond3A_12 = arith.constant 0 : i32
    %cond3A_13 = arith.cmpi ne, %convert_element_type3A_11, %cond3A_12 : i32
    scf.if %cond3A_13 {
      %scan3A = arith.constant 0 : i32
      %scan3A_185 = arith.constant 0 : i32
      %scan3A_186 = arith.constant 640 : i32
      %scan3A_187 = arith.addi %scan3A_185, %scan3A_186 : i32
      %scan3A_188 = arith.constant 1 : i32
      scf.for %scan3A_190 = %scan3A_185 to %scan3A_187 step %scan3A_188  : i32 {
        %broadcast_in_dim3A = arith.constant 0.000000e+00 : f32
        %broadcast_in_dim3A_191 = vector.broadcast %broadcast_in_dim3A : f32 to vector<16xf32>
        %swap3A = arith.index_cast %scan3A_190 : i32 to index
        %swap3A_192 = arith.constant 0 : index
        %swap3A_193 = tpu.vector_load %arg11[%swap3A, %swap3A_192] {strides = array<i32>} : memref<2000x16xf32, #tpu.memory_space<vmem>>, vector<1x16xf32>,
        %swap3A_194 = vector.shape_cast %swap3A_193 : vector<1x16xf32> to vector<16xf32>
        %swap3A_195 = vector.shape_cast %broadcast_in_dim3A_191 : vector<16xf32> to vector<1x16xf32>
        tpu.vector_store %arg11[%swap3A, %swap3A_192], %swap3A_195 {strides = array<i32>} : memref<2000x16xf32, #tpu.memory_space<vmem>>, vector<1x16xf32>,
      }
      %scan3A_189 = arith.constant 640 : i32
      "tpu.region"() ({
        %run_scoped3A_190 = tpu.sem_alloc : memref<!tpu.dma_semaphore, #tpu.memory_space<semaphore_mem>>
        %dma_start3A_191 = arith.constant 0 : i32
        %dma_start3A_192 = arith.constant 0 : i32
        %dma_start3A_193 = tpu.memref_slice %arg11[%dma_start3A_191, %dma_start3A_192] : memref<2000x16xf32, #tpu.memory_space<vmem>> -> memref<640x16xf32, #tpu.memory_space<vmem>>
        %dma_start3A_194 = arith.constant 0 : i32
        %dma_start3A_195 = tpu.memref_slice %arg6[%mul3A_2, %dma_start3A_194] : memref<10240x16xf32, #tpu.memory_space<vmem_shared>> -> memref<640x16xf32, #tpu.memory_space<vmem_shared>>
        %dma_start3A_196 = arith.constant 0 : i32
        %dma_start3A_197 = tpu.memref_slice %arg6[%mul3A_2, %dma_start3A_196] : memref<10240x16xf32, #tpu.memory_space<vmem_shared>> -> memref<640x16xf32, #tpu.memory_space<vmem_shared>>
        %dma_start3A_198 = arith.constant 0 : i32
        %dma_start3A_199 = arith.constant 0 : i32
        %dma_start3A_200 = tpu.memref_slice %arg11[%dma_start3A_198, %dma_start3A_199] : memref<2000x16xf32, #tpu.memory_space<vmem>> -> memref<640x16xf32, #tpu.memory_space<vmem>>
        tpu.enqueue_dma source(%dma_start3A_200 : memref<640x16xf32, #tpu.memory_space<vmem>>) target(%dma_start3A_197 : memref<640x16xf32, #tpu.memory_space<vmem_shared>>) target_semaphore(%run_scoped3A_190 : memref<!tpu.dma_semaphore, #tpu.memory_space<semaphore_mem>>)
        %dma_wait3A_201 = arith.constant 0 : i32
        %dma_wait3A_202 = arith.constant 0 : i32
        %dma_wait3A_203 = tpu.memref_slice %arg11[%dma_wait3A_201, %dma_wait3A_202] : memref<2000x16xf32, #tpu.memory_space<vmem>> -> memref<640x16xf32, #tpu.memory_space<vmem>>
        %dma_wait3A_204 = arith.constant 0 : i32
        %dma_wait3A_205 = tpu.memref_slice %arg6[%mul3A_2, %dma_wait3A_204] : memref<10240x16xf32, #tpu.memory_space<vmem_shared>> -> memref<640x16xf32, #tpu.memory_space<vmem_shared>>
        %dma_wait3A_206 = arith.constant 0 : i32
        %dma_wait3A_207 = tpu.memref_slice %arg6[%mul3A_2, %dma_wait3A_206] : memref<10240x16xf32, #tpu.memory_space<vmem_shared>> -> memref<640x16xf32, #tpu.memory_space<vmem_shared>>
        %dma_wait3A_208 = arith.constant 0 : i32
        %dma_wait3A_209 = arith.constant 0 : i32
        %dma_wait3A_210 = tpu.memref_slice %arg11[%dma_wait3A_208, %dma_wait3A_209] : memref<2000x16xf32, #tpu.memory_space<vmem>> -> memref<640x16xf32, #tpu.memory_space<vmem>>
        tpu.wait_dma2 semaphore(%run_scoped3A_190 : memref<!tpu.dma_semaphore, #tpu.memory_space<semaphore_mem>>) src(%dma_wait3A_210 : memref<640x16xf32, #tpu.memory_space<vmem>>) dst(%dma_wait3A_207 : memref<640x16xf32, #tpu.memory_space<vmem_shared>>)
        tpu.yield
      }) : () -> ()
    } else {
    }
    %barrier3A = arith.constant 0 : index
    tpu.barrier barrier_id(%barrier3A)
    %dma_start3A = arith.constant 0 : i32
    %dma_start3A_14 = arith.constant 0 : i32
    %dma_start3A_15 = tpu.memref_slice %arg5[%dma_start3A, %dma_start3A_14] : memref<10240x16xf32, #tpu.memory_space<vmem_shared>> -> memref<10240x16xf32, #tpu.memory_space<vmem_shared>>
    tpu.enqueue_indirect_dma source(%dma_start3A_15 : memref<10240x16xf32, #tpu.memory_space<vmem_shared>>) target(%arg11 : memref<2000x16xf32, #tpu.memory_space<vmem>>) offsets(%arg7 : memref<2000xi32, #tpu.memory_space<vmem>>) semaphore(%arg16 : memref<!tpu.dma_semaphore, #tpu.memory_space<semaphore_mem>>)
    %mul3A_16 = arith.constant 10000 : i32
    %mul3A_17 = arith.muli %add3A, %mul3A_16 : i32
    %add3A_18 = arith.constant 2000 : i32
    %add3A_19 = arith.addi %mul3A_17, %add3A_18 : i32
    %dma_start3A_20 = arith.constant 1 : i32
    %dma_start3A_21 = tpu.memref_slice %arg3[%dma_start3A_20, %add3A_19] : memref<2x320000xi32, #tpu.memory_space<hbm>> -> memref<1x2000xi32, #tpu.memory_space<hbm>>
    %dma_start3A_22 = tpu.memref_squeeze %dma_start3A_21 : memref<1x2000xi32, #tpu.memory_space<hbm>> -> memref<2000xi32, #tpu.memory_space<hbm>>
    %dma_start3A_23 = tpu.memref_slice %arg3[%dma_start3A_20, %add3A_19] : memref<2x320000xi32, #tpu.memory_space<hbm>> -> memref<1x2000xi32, #tpu.memory_space<hbm>>
    %dma_start3A_24 = tpu.memref_squeeze %dma_start3A_23 : memref<1x2000xi32, #tpu.memory_space<hbm>> -> memref<2000xi32, #tpu.memory_space<hbm>>
    tpu.enqueue_dma source(%dma_start3A_24 : memref<2000xi32, #tpu.memory_space<hbm>>) target(%arg10 : memref<2000xi32, #tpu.memory_space<vmem>>) target_semaphore(%arg15 : memref<!tpu.dma_semaphore, #tpu.memory_space<semaphore_mem>>)
    %mul3A_25 = arith.constant 10000 : i32
    %mul3A_26 = arith.muli %add3A, %mul3A_25 : i32
    %add3A_27 = arith.constant 2000 : i32
    %add3A_28 = arith.addi %mul3A_26, %add3A_27 : i32
    %dma_start3A_29 = arith.constant 0 : i32
    %dma_start3A_30 = tpu.memref_slice %arg3[%dma_start3A_29, %add3A_28] : memref<2x320000xi32, #tpu.memory_space<hbm>> -> memref<1x2000xi32, #tpu.memory_space<hbm>>
    %dma_start3A_31 = tpu.memref_squeeze %dma_start3A_30 : memref<1x2000xi32, #tpu.memory_space<hbm>> -> memref<2000xi32, #tpu.memory_space<hbm>>
    %dma_start3A_32 = tpu.memref_slice %arg3[%dma_start3A_29, %add3A_28] : memref<2x320000xi32, #tpu.memory_space<hbm>> -> memref<1x2000xi32, #tpu.memory_space<hbm>>
    %dma_start3A_33 = tpu.memref_squeeze %dma_start3A_32 : memref<1x2000xi32, #tpu.memory_space<hbm>> -> memref<2000xi32, #tpu.memory_space<hbm>>
    tpu.enqueue_dma source(%dma_start3A_33 : memref<2000xi32, #tpu.memory_space<hbm>>) target(%arg8 : memref<2000xi32, #tpu.memory_space<vmem>>) target_semaphore(%arg21 : memref<!tpu.dma_semaphore, #tpu.memory_space<semaphore_mem>>)
    %dma_wait3A = arith.constant 0 : i32
    %dma_wait3A_34 = arith.constant 0 : i32
    %dma_wait3A_35 = tpu.memref_slice %arg5[%dma_wait3A, %dma_wait3A_34] : memref<10240x16xf32, #tpu.memory_space<vmem_shared>> -> memref<10240x16xf32, #tpu.memory_space<vmem_shared>>
    tpu.wait_indirect_dma semaphore(%arg16 : memref<!tpu.dma_semaphore, #tpu.memory_space<semaphore_mem>>) src(%dma_wait3A_35 : memref<10240x16xf32, #tpu.memory_space<vmem_shared>>) dst(%arg11 : memref<2000x16xf32, #tpu.memory_space<vmem>>)
    %dma_start3A_36 = arith.constant 0 : i32
    %dma_start3A_37 = arith.constant 0 : i32
    %dma_start3A_38 = tpu.memref_slice %arg6[%dma_start3A_36, %dma_start3A_37] : memref<10240x16xf32, #tpu.memory_space<vmem_shared>> -> memref<10240x16xf32, #tpu.memory_space<vmem_shared>>
    tpu.enqueue_indirect_dma source(%arg11 : memref<2000x16xf32, #tpu.memory_space<vmem>>) target(%dma_start3A_38 : memref<10240x16xf32, #tpu.memory_space<vmem_shared>>) offsets(%arg9 : memref<2000xi32, #tpu.memory_space<vmem>>) semaphore(%arg18 : memref<!tpu.dma_semaphore, #tpu.memory_space<semaphore_mem>>) {add = true}
    %dma_wait3A_39 = arith.constant 0 : i32
    %dma_wait3A_40 = tpu.memref_slice %arg3[%dma_wait3A_39, %add3A_28] : memref<2x320000xi32, #tpu.memory_space<hbm>> -> memref<1x2000xi32, #tpu.memory_space<hbm>>
    %dma_wait3A_41 = tpu.memref_squeeze %dma_wait3A_40 : memref<1x2000xi32, #tpu.memory_space<hbm>> -> memref<2000xi32, #tpu.memory_space<hbm>>
    %dma_wait3A_42 = tpu.memref_slice %arg3[%dma_wait3A_39, %add3A_28] : memref<2x320000xi32, #tpu.memory_space<hbm>> -> memref<1x2000xi32, #tpu.memory_space<hbm>>
    %dma_wait3A_43 = tpu.memref_squeeze %dma_wait3A_42 : memref<1x2000xi32, #tpu.memory_space<hbm>> -> memref<2000xi32, #tpu.memory_space<hbm>>
    tpu.wait_dma2 semaphore(%arg21 : memref<!tpu.dma_semaphore, #tpu.memory_space<semaphore_mem>>) src(%dma_wait3A_43 : memref<2000xi32, #tpu.memory_space<hbm>>) dst(%arg8 : memref<2000xi32, #tpu.memory_space<vmem>>)
    %dma_start3A_44 = arith.constant 0 : i32
    %dma_start3A_45 = arith.constant 0 : i32
    %dma_start3A_46 = tpu.memref_slice %arg5[%dma_start3A_44, %dma_start3A_45] : memref<10240x16xf32, #tpu.memory_space<vmem_shared>> -> memref<10240x16xf32, #tpu.memory_space<vmem_shared>>
    tpu.enqueue_indirect_dma source(%dma_start3A_46 : memref<10240x16xf32, #tpu.memory_space<vmem_shared>>) target(%arg12 : memref<2000x16xf32, #tpu.memory_space<vmem>>) offsets(%arg8 : memref<2000xi32, #tpu.memory_space<vmem>>) semaphore(%arg17 : memref<!tpu.dma_semaphore, #tpu.memory_space<semaphore_mem>>)
    %dma_wait3A_47 = arith.constant 0 : i32
    %dma_wait3A_48 = arith.constant 0 : i32
    %dma_wait3A_49 = tpu.memref_slice %arg6[%dma_wait3A_47, %dma_wait3A_48] : memref<10240x16xf32, #tpu.memory_space<vmem_shared>> -> memref<10240x16xf32, #tpu.memory_space<vmem_shared>>
    tpu.wait_indirect_dma semaphore(%arg18 : memref<!tpu.dma_semaphore, #tpu.memory_space<semaphore_mem>>) src(%arg11 : memref<2000x16xf32, #tpu.memory_space<vmem>>) dst(%dma_wait3A_49 : memref<10240x16xf32, #tpu.memory_space<vmem_shared>>)
    %mul3A_50 = arith.constant 10000 : i32
    %mul3A_51 = arith.muli %add3A, %mul3A_50 : i32
    %add3A_52 = arith.constant 4000 : i32
    %add3A_53 = arith.addi %mul3A_51, %add3A_52 : i32
    %dma_start3A_54 = arith.constant 1 : i32
    %dma_start3A_55 = tpu.memref_slice %arg3[%dma_start3A_54, %add3A_53] : memref<2x320000xi32, #tpu.memory_space<hbm>> -> memref<1x2000xi32, #tpu.memory_space<hbm>>
    %dma_start3A_56 = tpu.memref_squeeze %dma_start3A_55 : memref<1x2000xi32, #tpu.memory_space<hbm>> -> memref<2000xi32, #tpu.memory_space<hbm>>
    %dma_start3A_57 = tpu.memref_slice %arg3[%dma_start3A_54, %add3A_53] : memref<2x320000xi32, #tpu.memory_space<hbm>> -> memref<1x2000xi32, #tpu.memory_space<hbm>>
    %dma_start3A_58 = tpu.memref_squeeze %dma_start3A_57 : memref<1x2000xi32, #tpu.memory_space<hbm>> -> memref<2000xi32, #tpu.memory_space<hbm>>
    tpu.enqueue_dma source(%dma_start3A_58 : memref<2000xi32, #tpu.memory_space<hbm>>) target(%arg9 : memref<2000xi32, #tpu.memory_space<vmem>>) target_semaphore(%arg14 : memref<!tpu.dma_semaphore, #tpu.memory_space<semaphore_mem>>)
    %mul3A_59 = arith.constant 10000 : i32
    %mul3A_60 = arith.muli %add3A, %mul3A_59 : i32
    %add3A_61 = arith.constant 4000 : i32
    %add3A_62 = arith.addi %mul3A_60, %add3A_61 : i32
    %dma_start3A_63 = arith.constant 0 : i32
    %dma_start3A_64 = tpu.memref_slice %arg3[%dma_start3A_63, %add3A_62] : memref<2x320000xi32, #tpu.memory_space<hbm>> -> memref<1x2000xi32, #tpu.memory_space<hbm>>
    %dma_start3A_65 = tpu.memref_squeeze %dma_start3A_64 : memref<1x2000xi32, #tpu.memory_space<hbm>> -> memref<2000xi32, #tpu.memory_space<hbm>>
    %dma_start3A_66 = tpu.memref_slice %arg3[%dma_start3A_63, %add3A_62] : memref<2x320000xi32, #tpu.memory_space<hbm>> -> memref<1x2000xi32, #tpu.memory_space<hbm>>
    %dma_start3A_67 = tpu.memref_squeeze %dma_start3A_66 : memref<1x2000xi32, #tpu.memory_space<hbm>> -> memref<2000xi32, #tpu.memory_space<hbm>>
    tpu.enqueue_dma source(%dma_start3A_67 : memref<2000xi32, #tpu.memory_space<hbm>>) target(%arg7 : memref<2000xi32, #tpu.memory_space<vmem>>) target_semaphore(%arg20 : memref<!tpu.dma_semaphore, #tpu.memory_space<semaphore_mem>>)
    %dma_wait3A_68 = arith.constant 0 : i32
    %dma_wait3A_69 = arith.constant 0 : i32
    %dma_wait3A_70 = tpu.memref_slice %arg5[%dma_wait3A_68, %dma_wait3A_69] : memref<10240x16xf32, #tpu.memory_space<vmem_shared>> -> memref<10240x16xf32, #tpu.memory_space<vmem_shared>>
    tpu.wait_indirect_dma semaphore(%arg17 : memref<!tpu.dma_semaphore, #tpu.memory_space<semaphore_mem>>) src(%dma_wait3A_70 : memref<10240x16xf32, #tpu.memory_space<vmem_shared>>) dst(%arg12 : memref<2000x16xf32, #tpu.memory_space<vmem>>)
    %dma_wait3A_71 = arith.constant 1 : i32
    %dma_wait3A_72 = tpu.memref_slice %arg3[%dma_wait3A_71, %add3A_19] : memref<2x320000xi32, #tpu.memory_space<hbm>> -> memref<1x2000xi32, #tpu.memory_space<hbm>>
    %dma_wait3A_73 = tpu.memref_squeeze %dma_wait3A_72 : memref<1x2000xi32, #tpu.memory_space<hbm>> -> memref<2000xi32, #tpu.memory_space<hbm>>
    %dma_wait3A_74 = tpu.memref_slice %arg3[%dma_wait3A_71, %add3A_19] : memref<2x320000xi32, #tpu.memory_space<hbm>> -> memref<1x2000xi32, #tpu.memory_space<hbm>>
    %dma_wait3A_75 = tpu.memref_squeeze %dma_wait3A_74 : memref<1x2000xi32, #tpu.memory_space<hbm>> -> memref<2000xi32, #tpu.memory_space<hbm>>
    tpu.wait_dma2 semaphore(%arg15 : memref<!tpu.dma_semaphore, #tpu.memory_space<semaphore_mem>>) src(%dma_wait3A_75 : memref<2000xi32, #tpu.memory_space<hbm>>) dst(%arg10 : memref<2000xi32, #tpu.memory_space<vmem>>)
    %dma_start3A_76 = arith.constant 0 : i32
    %dma_start3A_77 = arith.constant 0 : i32
    %dma_start3A_78 = tpu.memref_slice %arg6[%dma_start3A_76, %dma_start3A_77] : memref<10240x16xf32, #tpu.memory_space<vmem_shared>> -> memref<10240x16xf32, #tpu.memory_space<vmem_shared>>
    tpu.enqueue_indirect_dma source(%arg12 : memref<2000x16xf32, #tpu.memory_space<vmem>>) target(%dma_start3A_78 : memref<10240x16xf32, #tpu.memory_space<vmem_shared>>) offsets(%arg10 : memref<2000xi32, #tpu.memory_space<vmem>>) semaphore(%arg19 : memref<!tpu.dma_semaphore, #tpu.memory_space<semaphore_mem>>) {add = true}
    %dma_wait3A_79 = arith.constant 0 : i32
    %dma_wait3A_80 = tpu.memref_slice %arg3[%dma_wait3A_79, %add3A_62] : memref<2x320000xi32, #tpu.memory_space<hbm>> -> memref<1x2000xi32, #tpu.memory_space<hbm>>
    %dma_wait3A_81 = tpu.memref_squeeze %dma_wait3A_80 : memref<1x2000xi32, #tpu.memory_space<hbm>> -> memref<2000xi32, #tpu.memory_space<hbm>>
    %dma_wait3A_82 = tpu.memref_slice %arg3[%dma_wait3A_79, %add3A_62] : memref<2x320000xi32, #tpu.memory_space<hbm>> -> memref<1x2000xi32, #tpu.memory_space<hbm>>
    %dma_wait3A_83 = tpu.memref_squeeze %dma_wait3A_82 : memref<1x2000xi32, #tpu.memory_space<hbm>> -> memref<2000xi32, #tpu.memory_space<hbm>>
    tpu.wait_dma2 semaphore(%arg20 : memref<!tpu.dma_semaphore, #tpu.memory_space<semaphore_mem>>) src(%dma_wait3A_83 : memref<2000xi32, #tpu.memory_space<hbm>>) dst(%arg7 : memref<2000xi32, #tpu.memory_space<vmem>>)
    %dma_start3A_84 = arith.constant 0 : i32
    %dma_start3A_85 = arith.constant 0 : i32
    %dma_start3A_86 = tpu.memref_slice %arg5[%dma_start3A_84, %dma_start3A_85] : memref<10240x16xf32, #tpu.memory_space<vmem_shared>> -> memref<10240x16xf32, #tpu.memory_space<vmem_shared>>
    tpu.enqueue_indirect_dma source(%dma_start3A_86 : memref<10240x16xf32, #tpu.memory_space<vmem_shared>>) target(%arg11 : memref<2000x16xf32, #tpu.memory_space<vmem>>) offsets(%arg7 : memref<2000xi32, #tpu.memory_space<vmem>>) semaphore(%arg16 : memref<!tpu.dma_semaphore, #tpu.memory_space<semaphore_mem>>)
    %dma_wait3A_87 = arith.constant 0 : i32
    %dma_wait3A_88 = arith.constant 0 : i32
    %dma_wait3A_89 = tpu.memref_slice %arg6[%dma_wait3A_87, %dma_wait3A_88] : memref<10240x16xf32, #tpu.memory_space<vmem_shared>> -> memref<10240x16xf32, #tpu.memory_space<vmem_shared>>
    tpu.wait_indirect_dma semaphore(%arg19 : memref<!tpu.dma_semaphore, #tpu.memory_space<semaphore_mem>>) src(%arg12 : memref<2000x16xf32, #tpu.memory_space<vmem>>) dst(%dma_wait3A_89 : memref<10240x16xf32, #tpu.memory_space<vmem_shared>>)
    %mul3A_90 = arith.constant 10000 : i32
    %mul3A_91 = arith.muli %add3A, %mul3A_90 : i32
    %add3A_92 = arith.constant 6000 : i32
    %add3A_93 = arith.addi %mul3A_91, %add3A_92 : i32
    %dma_start3A_94 = arith.constant 1 : i32
    %dma_start3A_95 = tpu.memref_slice %arg3[%dma_start3A_94, %add3A_93] : memref<2x320000xi32, #tpu.memory_space<hbm>> -> memref<1x2000xi32, #tpu.memory_space<hbm>>
    %dma_start3A_96 = tpu.memref_squeeze %dma_start3A_95 : memref<1x2000xi32, #tpu.memory_space<hbm>> -> memref<2000xi32, #tpu.memory_space<hbm>>
    %dma_start3A_97 = tpu.memref_slice %arg3[%dma_start3A_94, %add3A_93] : memref<2x320000xi32, #tpu.memory_space<hbm>> -> memref<1x2000xi32, #tpu.memory_space<hbm>>
    %dma_start3A_98 = tpu.memref_squeeze %dma_start3A_97 : memref<1x2000xi32, #tpu.memory_space<hbm>> -> memref<2000xi32, #tpu.memory_space<hbm>>
    tpu.enqueue_dma source(%dma_start3A_98 : memref<2000xi32, #tpu.memory_space<hbm>>) target(%arg10 : memref<2000xi32, #tpu.memory_space<vmem>>) target_semaphore(%arg15 : memref<!tpu.dma_semaphore, #tpu.memory_space<semaphore_mem>>)
    %mul3A_99 = arith.constant 10000 : i32
    %mul3A_100 = arith.muli %add3A, %mul3A_99 : i32
    %add3A_101 = arith.constant 6000 : i32
    %add3A_102 = arith.addi %mul3A_100, %add3A_101 : i32
    %dma_start3A_103 = arith.constant 0 : i32
    %dma_start3A_104 = tpu.memref_slice %arg3[%dma_start3A_103, %add3A_102] : memref<2x320000xi32, #tpu.memory_space<hbm>> -> memref<1x2000xi32, #tpu.memory_space<hbm>>
    %dma_start3A_105 = tpu.memref_squeeze %dma_start3A_104 : memref<1x2000xi32, #tpu.memory_space<hbm>> -> memref<2000xi32, #tpu.memory_space<hbm>>
    %dma_start3A_106 = tpu.memref_slice %arg3[%dma_start3A_103, %add3A_102] : memref<2x320000xi32, #tpu.memory_space<hbm>> -> memref<1x2000xi32, #tpu.memory_space<hbm>>
    %dma_start3A_107 = tpu.memref_squeeze %dma_start3A_106 : memref<1x2000xi32, #tpu.memory_space<hbm>> -> memref<2000xi32, #tpu.memory_space<hbm>>
    tpu.enqueue_dma source(%dma_start3A_107 : memref<2000xi32, #tpu.memory_space<hbm>>) target(%arg8 : memref<2000xi32, #tpu.memory_space<vmem>>) target_semaphore(%arg21 : memref<!tpu.dma_semaphore, #tpu.memory_space<semaphore_mem>>)
    %dma_wait3A_108 = arith.constant 0 : i32
    %dma_wait3A_109 = arith.constant 0 : i32
    %dma_wait3A_110 = tpu.memref_slice %arg5[%dma_wait3A_108, %dma_wait3A_109] : memref<10240x16xf32, #tpu.memory_space<vmem_shared>> -> memref<10240x16xf32, #tpu.memory_space<vmem_shared>>
    tpu.wait_indirect_dma semaphore(%arg16 : memref<!tpu.dma_semaphore, #tpu.memory_space<semaphore_mem>>) src(%dma_wait3A_110 : memref<10240x16xf32, #tpu.memory_space<vmem_shared>>) dst(%arg11 : memref<2000x16xf32, #tpu.memory_space<vmem>>)
    %dma_wait3A_111 = arith.constant 1 : i32
    %dma_wait3A_112 = tpu.memref_slice %arg3[%dma_wait3A_111, %add3A_53] : memref<2x320000xi32, #tpu.memory_space<hbm>> -> memref<1x2000xi32, #tpu.memory_space<hbm>>
    %dma_wait3A_113 = tpu.memref_squeeze %dma_wait3A_112 : memref<1x2000xi32, #tpu.memory_space<hbm>> -> memref<2000xi32, #tpu.memory_space<hbm>>
    %dma_wait3A_114 = tpu.memref_slice %arg3[%dma_wait3A_111, %add3A_53] : memref<2x320000xi32, #tpu.memory_space<hbm>> -> memref<1x2000xi32, #tpu.memory_space<hbm>>
    %dma_wait3A_115 = tpu.memref_squeeze %dma_wait3A_114 : memref<1x2000xi32, #tpu.memory_space<hbm>> -> memref<2000xi32, #tpu.memory_space<hbm>>
    tpu.wait_dma2 semaphore(%arg14 : memref<!tpu.dma_semaphore, #tpu.memory_space<semaphore_mem>>) src(%dma_wait3A_115 : memref<2000xi32, #tpu.memory_space<hbm>>) dst(%arg9 : memref<2000xi32, #tpu.memory_space<vmem>>)
    %dma_start3A_116 = arith.constant 0 : i32
    %dma_start3A_117 = arith.constant 0 : i32
    %dma_start3A_118 = tpu.memref_slice %arg6[%dma_start3A_116, %dma_start3A_117] : memref<10240x16xf32, #tpu.memory_space<vmem_shared>> -> memref<10240x16xf32, #tpu.memory_space<vmem_shared>>
    tpu.enqueue_indirect_dma source(%arg11 : memref<2000x16xf32, #tpu.memory_space<vmem>>) target(%dma_start3A_118 : memref<10240x16xf32, #tpu.memory_space<vmem_shared>>) offsets(%arg9 : memref<2000xi32, #tpu.memory_space<vmem>>) semaphore(%arg18 : memref<!tpu.dma_semaphore, #tpu.memory_space<semaphore_mem>>) {add = true}
    %dma_wait3A_119 = arith.constant 0 : i32
    %dma_wait3A_120 = tpu.memref_slice %arg3[%dma_wait3A_119, %add3A_102] : memref<2x320000xi32, #tpu.memory_space<hbm>> -> memref<1x2000xi32, #tpu.memory_space<hbm>>
    %dma_wait3A_121 = tpu.memref_squeeze %dma_wait3A_120 : memref<1x2000xi32, #tpu.memory_space<hbm>> -> memref<2000xi32, #tpu.memory_space<hbm>>
    %dma_wait3A_122 = tpu.memref_slice %arg3[%dma_wait3A_119, %add3A_102] : memref<2x320000xi32, #tpu.memory_space<hbm>> -> memref<1x2000xi32, #tpu.memory_space<hbm>>
    %dma_wait3A_123 = tpu.memref_squeeze %dma_wait3A_122 : memref<1x2000xi32, #tpu.memory_space<hbm>> -> memref<2000xi32, #tpu.memory_space<hbm>>
    tpu.wait_dma2 semaphore(%arg21 : memref<!tpu.dma_semaphore, #tpu.memory_space<semaphore_mem>>) src(%dma_wait3A_123 : memref<2000xi32, #tpu.memory_space<hbm>>) dst(%arg8 : memref<2000xi32, #tpu.memory_space<vmem>>)
    %dma_start3A_124 = arith.constant 0 : i32
    %dma_start3A_125 = arith.constant 0 : i32
    %dma_start3A_126 = tpu.memref_slice %arg5[%dma_start3A_124, %dma_start3A_125] : memref<10240x16xf32, #tpu.memory_space<vmem_shared>> -> memref<10240x16xf32, #tpu.memory_space<vmem_shared>>
    tpu.enqueue_indirect_dma source(%dma_start3A_126 : memref<10240x16xf32, #tpu.memory_space<vmem_shared>>) target(%arg12 : memref<2000x16xf32, #tpu.memory_space<vmem>>) offsets(%arg8 : memref<2000xi32, #tpu.memory_space<vmem>>) semaphore(%arg17 : memref<!tpu.dma_semaphore, #tpu.memory_space<semaphore_mem>>)
    %dma_wait3A_127 = arith.constant 0 : i32
    %dma_wait3A_128 = arith.constant 0 : i32
    %dma_wait3A_129 = tpu.memref_slice %arg6[%dma_wait3A_127, %dma_wait3A_128] : memref<10240x16xf32, #tpu.memory_space<vmem_shared>> -> memref<10240x16xf32, #tpu.memory_space<vmem_shared>>
    tpu.wait_indirect_dma semaphore(%arg18 : memref<!tpu.dma_semaphore, #tpu.memory_space<semaphore_mem>>) src(%arg11 : memref<2000x16xf32, #tpu.memory_space<vmem>>) dst(%dma_wait3A_129 : memref<10240x16xf32, #tpu.memory_space<vmem_shared>>)
    %mul3A_130 = arith.constant 10000 : i32
    %mul3A_131 = arith.muli %add3A, %mul3A_130 : i32
    %add3A_132 = arith.constant 8000 : i32
    %add3A_133 = arith.addi %mul3A_131, %add3A_132 : i32
    %dma_start3A_134 = arith.constant 1 : i32
    %dma_start3A_135 = tpu.memref_slice %arg3[%dma_start3A_134, %add3A_133] : memref<2x320000xi32, #tpu.memory_space<hbm>> -> memref<1x2000xi32, #tpu.memory_space<hbm>>
    %dma_start3A_136 = tpu.memref_squeeze %dma_start3A_135 : memref<1x2000xi32, #tpu.memory_space<hbm>> -> memref<2000xi32, #tpu.memory_space<hbm>>
    %dma_start3A_137 = tpu.memref_slice %arg3[%dma_start3A_134, %add3A_133] : memref<2x320000xi32, #tpu.memory_space<hbm>> -> memref<1x2000xi32, #tpu.memory_space<hbm>>
    %dma_start3A_138 = tpu.memref_squeeze %dma_start3A_137 : memref<1x2000xi32, #tpu.memory_space<hbm>> -> memref<2000xi32, #tpu.memory_space<hbm>>
    tpu.enqueue_dma source(%dma_start3A_138 : memref<2000xi32, #tpu.memory_space<hbm>>) target(%arg9 : memref<2000xi32, #tpu.memory_space<vmem>>) target_semaphore(%arg14 : memref<!tpu.dma_semaphore, #tpu.memory_space<semaphore_mem>>)
    %mul3A_139 = arith.constant 10000 : i32
    %mul3A_140 = arith.muli %add3A, %mul3A_139 : i32
    %add3A_141 = arith.constant 8000 : i32
    %add3A_142 = arith.addi %mul3A_140, %add3A_141 : i32
    %dma_start3A_143 = arith.constant 0 : i32
    %dma_start3A_144 = tpu.memref_slice %arg3[%dma_start3A_143, %add3A_142] : memref<2x320000xi32, #tpu.memory_space<hbm>> -> memref<1x2000xi32, #tpu.memory_space<hbm>>
    %dma_start3A_145 = tpu.memref_squeeze %dma_start3A_144 : memref<1x2000xi32, #tpu.memory_space<hbm>> -> memref<2000xi32, #tpu.memory_space<hbm>>
    %dma_start3A_146 = tpu.memref_slice %arg3[%dma_start3A_143, %add3A_142] : memref<2x320000xi32, #tpu.memory_space<hbm>> -> memref<1x2000xi32, #tpu.memory_space<hbm>>
    %dma_start3A_147 = tpu.memref_squeeze %dma_start3A_146 : memref<1x2000xi32, #tpu.memory_space<hbm>> -> memref<2000xi32, #tpu.memory_space<hbm>>
    tpu.enqueue_dma source(%dma_start3A_147 : memref<2000xi32, #tpu.memory_space<hbm>>) target(%arg7 : memref<2000xi32, #tpu.memory_space<vmem>>) target_semaphore(%arg20 : memref<!tpu.dma_semaphore, #tpu.memory_space<semaphore_mem>>)
    %dma_wait3A_148 = arith.constant 0 : i32
    %dma_wait3A_149 = arith.constant 0 : i32
    %dma_wait3A_150 = tpu.memref_slice %arg5[%dma_wait3A_148, %dma_wait3A_149] : memref<10240x16xf32, #tpu.memory_space<vmem_shared>> -> memref<10240x16xf32, #tpu.memory_space<vmem_shared>>
    tpu.wait_indirect_dma semaphore(%arg17 : memref<!tpu.dma_semaphore, #tpu.memory_space<semaphore_mem>>) src(%dma_wait3A_150 : memref<10240x16xf32, #tpu.memory_space<vmem_shared>>) dst(%arg12 : memref<2000x16xf32, #tpu.memory_space<vmem>>)
    %dma_wait3A_151 = arith.constant 1 : i32
    %dma_wait3A_152 = tpu.memref_slice %arg3[%dma_wait3A_151, %add3A_93] : memref<2x320000xi32, #tpu.memory_space<hbm>> -> memref<1x2000xi32, #tpu.memory_space<hbm>>
    %dma_wait3A_153 = tpu.memref_squeeze %dma_wait3A_152 : memref<1x2000xi32, #tpu.memory_space<hbm>> -> memref<2000xi32, #tpu.memory_space<hbm>>
    %dma_wait3A_154 = tpu.memref_slice %arg3[%dma_wait3A_151, %add3A_93] : memref<2x320000xi32, #tpu.memory_space<hbm>> -> memref<1x2000xi32, #tpu.memory_space<hbm>>
    %dma_wait3A_155 = tpu.memref_squeeze %dma_wait3A_154 : memref<1x2000xi32, #tpu.memory_space<hbm>> -> memref<2000xi32, #tpu.memory_space<hbm>>
    tpu.wait_dma2 semaphore(%arg15 : memref<!tpu.dma_semaphore, #tpu.memory_space<semaphore_mem>>) src(%dma_wait3A_155 : memref<2000xi32, #tpu.memory_space<hbm>>) dst(%arg10 : memref<2000xi32, #tpu.memory_space<vmem>>)
    %dma_start3A_156 = arith.constant 0 : i32
    %dma_start3A_157 = arith.constant 0 : i32
    %dma_start3A_158 = tpu.memref_slice %arg6[%dma_start3A_156, %dma_start3A_157] : memref<10240x16xf32, #tpu.memory_space<vmem_shared>> -> memref<10240x16xf32, #tpu.memory_space<vmem_shared>>
    tpu.enqueue_indirect_dma source(%arg12 : memref<2000x16xf32, #tpu.memory_space<vmem>>) target(%dma_start3A_158 : memref<10240x16xf32, #tpu.memory_space<vmem_shared>>) offsets(%arg10 : memref<2000xi32, #tpu.memory_space<vmem>>) semaphore(%arg19 : memref<!tpu.dma_semaphore, #tpu.memory_space<semaphore_mem>>) {add = true}
    %dma_wait3A_159 = arith.constant 0 : i32
    %dma_wait3A_160 = tpu.memref_slice %arg3[%dma_wait3A_159, %add3A_142] : memref<2x320000xi32, #tpu.memory_space<hbm>> -> memref<1x2000xi32, #tpu.memory_space<hbm>>
    %dma_wait3A_161 = tpu.memref_squeeze %dma_wait3A_160 : memref<1x2000xi32, #tpu.memory_space<hbm>> -> memref<2000xi32, #tpu.memory_space<hbm>>
    %dma_wait3A_162 = tpu.memref_slice %arg3[%dma_wait3A_159, %add3A_142] : memref<2x320000xi32, #tpu.memory_space<hbm>> -> memref<1x2000xi32, #tpu.memory_space<hbm>>
    %dma_wait3A_163 = tpu.memref_squeeze %dma_wait3A_162 : memref<1x2000xi32, #tpu.memory_space<hbm>> -> memref<2000xi32, #tpu.memory_space<hbm>>
    tpu.wait_dma2 semaphore(%arg20 : memref<!tpu.dma_semaphore, #tpu.memory_space<semaphore_mem>>) src(%dma_wait3A_163 : memref<2000xi32, #tpu.memory_space<hbm>>) dst(%arg7 : memref<2000xi32, #tpu.memory_space<vmem>>)
    %dma_start3A_164 = arith.constant 0 : i32
    %dma_start3A_165 = arith.constant 0 : i32
    %dma_start3A_166 = tpu.memref_slice %arg5[%dma_start3A_164, %dma_start3A_165] : memref<10240x16xf32, #tpu.memory_space<vmem_shared>> -> memref<10240x16xf32, #tpu.memory_space<vmem_shared>>
    tpu.enqueue_indirect_dma source(%dma_start3A_166 : memref<10240x16xf32, #tpu.memory_space<vmem_shared>>) target(%arg11 : memref<2000x16xf32, #tpu.memory_space<vmem>>) offsets(%arg7 : memref<2000xi32, #tpu.memory_space<vmem>>) semaphore(%arg16 : memref<!tpu.dma_semaphore, #tpu.memory_space<semaphore_mem>>)
    %dma_wait3A_167 = arith.constant 0 : i32
    %dma_wait3A_168 = arith.constant 0 : i32
    %dma_wait3A_169 = tpu.memref_slice %arg6[%dma_wait3A_167, %dma_wait3A_168] : memref<10240x16xf32, #tpu.memory_space<vmem_shared>> -> memref<10240x16xf32, #tpu.memory_space<vmem_shared>>
    tpu.wait_indirect_dma semaphore(%arg19 : memref<!tpu.dma_semaphore, #tpu.memory_space<semaphore_mem>>) src(%arg12 : memref<2000x16xf32, #tpu.memory_space<vmem>>) dst(%dma_wait3A_169 : memref<10240x16xf32, #tpu.memory_space<vmem_shared>>)
    %dma_wait3A_170 = arith.constant 0 : i32
    %dma_wait3A_171 = arith.constant 0 : i32
    %dma_wait3A_172 = tpu.memref_slice %arg5[%dma_wait3A_170, %dma_wait3A_171] : memref<10240x16xf32, #tpu.memory_space<vmem_shared>> -> memref<10240x16xf32, #tpu.memory_space<vmem_shared>>
    tpu.wait_indirect_dma semaphore(%arg16 : memref<!tpu.dma_semaphore, #tpu.memory_space<semaphore_mem>>) src(%dma_wait3A_172 : memref<10240x16xf32, #tpu.memory_space<vmem_shared>>) dst(%arg11 : memref<2000x16xf32, #tpu.memory_space<vmem>>)
    %dma_wait3A_173 = arith.constant 1 : i32
    %dma_wait3A_174 = tpu.memref_slice %arg3[%dma_wait3A_173, %add3A_133] : memref<2x320000xi32, #tpu.memory_space<hbm>> -> memref<1x2000xi32, #tpu.memory_space<hbm>>
    %dma_wait3A_175 = tpu.memref_squeeze %dma_wait3A_174 : memref<1x2000xi32, #tpu.memory_space<hbm>> -> memref<2000xi32, #tpu.memory_space<hbm>>
    %dma_wait3A_176 = tpu.memref_slice %arg3[%dma_wait3A_173, %add3A_133] : memref<2x320000xi32, #tpu.memory_space<hbm>> -> memref<1x2000xi32, #tpu.memory_space<hbm>>
    %dma_wait3A_177 = tpu.memref_squeeze %dma_wait3A_176 : memref<1x2000xi32, #tpu.memory_space<hbm>> -> memref<2000xi32, #tpu.memory_space<hbm>>
    tpu.wait_dma2 semaphore(%arg14 : memref<!tpu.dma_semaphore, #tpu.memory_space<semaphore_mem>>) src(%dma_wait3A_177 : memref<2000xi32, #tpu.memory_space<hbm>>) dst(%arg9 : memref<2000xi32, #tpu.memory_space<vmem>>)
    %dma_start3A_178 = arith.constant 0 : i32
    %dma_start3A_179 = arith.constant 0 : i32
    %dma_start3A_180 = tpu.memref_slice %arg6[%dma_start3A_178, %dma_start3A_179] : memref<10240x16xf32, #tpu.memory_space<vmem_shared>> -> memref<10240x16xf32, #tpu.memory_space<vmem_shared>>
    tpu.enqueue_indirect_dma source(%arg11 : memref<2000x16xf32, #tpu.memory_space<vmem>>) target(%dma_start3A_180 : memref<10240x16xf32, #tpu.memory_space<vmem_shared>>) offsets(%arg9 : memref<2000xi32, #tpu.memory_space<vmem>>) semaphore(%arg18 : memref<!tpu.dma_semaphore, #tpu.memory_space<semaphore_mem>>) {add = true}
    %dma_wait3A_181 = arith.constant 0 : i32
    %dma_wait3A_182 = arith.constant 0 : i32
    %dma_wait3A_183 = tpu.memref_slice %arg6[%dma_wait3A_181, %dma_wait3A_182] : memref<10240x16xf32, #tpu.memory_space<vmem_shared>> -> memref<10240x16xf32, #tpu.memory_space<vmem_shared>>
    tpu.wait_indirect_dma semaphore(%arg18 : memref<!tpu.dma_semaphore, #tpu.memory_space<semaphore_mem>>) src(%arg11 : memref<2000x16xf32, #tpu.memory_space<vmem>>) dst(%dma_wait3A_183 : memref<10240x16xf32, #tpu.memory_space<vmem_shared>>)
    %barrier3A_184 = arith.constant 0 : index
    tpu.barrier barrier_id(%barrier3A_184)
    "tpu.region"() ({
      %run_scoped3A_185 = tpu.sem_alloc : memref<!tpu.dma_semaphore, #tpu.memory_space<semaphore_mem>>
      %dma_start3A_186 = arith.constant 0 : i32
      %dma_start3A_187 = tpu.memref_slice %arg6[%mul3A_2, %dma_start3A_186] : memref<10240x16xf32, #tpu.memory_space<vmem_shared>> -> memref<640x16xf32, #tpu.memory_space<vmem_shared>>
      %dma_start3A_188 = arith.constant 0 : i32
      %dma_start3A_189 = tpu.memref_slice %arg6[%mul3A_2, %dma_start3A_188] : memref<10240x16xf32, #tpu.memory_space<vmem_shared>> -> memref<640x16xf32, #tpu.memory_space<vmem_shared>>
      tpu.enqueue_dma source(%dma_start3A_189 : memref<640x16xf32, #tpu.memory_space<vmem_shared>>) target(%arg13 : memref<640x16xf32, #tpu.memory_space<vmem>>) target_semaphore(%run_scoped3A_185 : memref<!tpu.dma_semaphore, #tpu.memory_space<semaphore_mem>>)
      %dma_wait3A_190 = arith.constant 0 : i32
      %dma_wait3A_191 = tpu.memref_slice %arg6[%mul3A_2, %dma_wait3A_190] : memref<10240x16xf32, #tpu.memory_space<vmem_shared>> -> memref<640x16xf32, #tpu.memory_space<vmem_shared>>
      %dma_wait3A_192 = arith.constant 0 : i32
      %dma_wait3A_193 = tpu.memref_slice %arg6[%mul3A_2, %dma_wait3A_192] : memref<10240x16xf32, #tpu.memory_space<vmem_shared>> -> memref<640x16xf32, #tpu.memory_space<vmem_shared>>
      tpu.wait_dma2 semaphore(%run_scoped3A_185 : memref<!tpu.dma_semaphore, #tpu.memory_space<semaphore_mem>>) src(%dma_wait3A_193 : memref<640x16xf32, #tpu.memory_space<vmem_shared>>) dst(%arg13 : memref<640x16xf32, #tpu.memory_space<vmem>>)
      tpu.yield
    }) : () -> ()
    "tpu.region"() ({
      %run_scoped3A_185 = tpu.sem_alloc : memref<!tpu.dma_semaphore, #tpu.memory_space<semaphore_mem>>
      %dma_start3A_186 = arith.constant 0 : i32
      %dma_start3A_187 = tpu.memref_slice %arg4[%arg0, %mul3A_2, %dma_start3A_186] : memref<2x10240x16xf32, #tpu.memory_space<hbm>> -> memref<1x640x16xf32, #tpu.memory_space<hbm>>
      %dma_start3A_188 = tpu.memref_squeeze %dma_start3A_187 : memref<1x640x16xf32, #tpu.memory_space<hbm>> -> memref<640x16xf32, #tpu.memory_space<hbm>>
      %dma_start3A_189 = arith.constant 0 : i32
      %dma_start3A_190 = tpu.memref_slice %arg4[%arg0, %mul3A_2, %dma_start3A_189] : memref<2x10240x16xf32, #tpu.memory_space<hbm>> -> memref<1x640x16xf32, #tpu.memory_space<hbm>>
      %dma_start3A_191 = tpu.memref_squeeze %dma_start3A_190 : memref<1x640x16xf32, #tpu.memory_space<hbm>> -> memref<640x16xf32, #tpu.memory_space<hbm>>
      tpu.enqueue_dma source(%arg13 : memref<640x16xf32, #tpu.memory_space<vmem>>) target(%dma_start3A_191 : memref<640x16xf32, #tpu.memory_space<hbm>>) target_semaphore(%run_scoped3A_185 : memref<!tpu.dma_semaphore, #tpu.memory_space<semaphore_mem>>)
      %dma_wait3A_192 = arith.constant 0 : i32
      %dma_wait3A_193 = tpu.memref_slice %arg4[%arg0, %mul3A_2, %dma_wait3A_192] : memref<2x10240x16xf32, #tpu.memory_space<hbm>> -> memref<1x640x16xf32, #tpu.memory_space<hbm>>
      %dma_wait3A_194 = tpu.memref_squeeze %dma_wait3A_193 : memref<1x640x16xf32, #tpu.memory_space<hbm>> -> memref<640x16xf32, #tpu.memory_space<hbm>>
      %dma_wait3A_195 = arith.constant 0 : i32
      %dma_wait3A_196 = tpu.memref_slice %arg4[%arg0, %mul3A_2, %dma_wait3A_195] : memref<2x10240x16xf32, #tpu.memory_space<hbm>> -> memref<1x640x16xf32, #tpu.memory_space<hbm>>
      %dma_wait3A_197 = tpu.memref_squeeze %dma_wait3A_196 : memref<1x640x16xf32, #tpu.memory_space<hbm>> -> memref<640x16xf32, #tpu.memory_space<hbm>>
      tpu.wait_dma2 semaphore(%run_scoped3A_185 : memref<!tpu.dma_semaphore, #tpu.memory_space<semaphore_mem>>) src(%arg13 : memref<640x16xf32, #tpu.memory_space<vmem>>) dst(%dma_wait3A_197 : memref<640x16xf32, #tpu.memory_space<hbm>>)
      tpu.yield
    }) : () -> ()
    return
  }
}

module attributes {stable_mosaic.version = 14 : i64} {
  func.func @_tc1b_body(%arg0: memref<2560x128xf32, #tpu.memory_space<vmem>>, %arg1: memref<1280x128xf32, #tpu.memory_space<vmem>>, %arg2: memref<1280x128xf32, #tpu.memory_space<vmem>>, %arg3: memref<1280x128xf32, #tpu.memory_space<vmem>>) attributes {dimension_semantics = [], scalar_prefetch = 0 : i64, scratch_operands = 0 : i64, tpu.core_type = #tpu.core_type<tc>} {
    %get3A = arith.constant 0 : index
    %get3A_0 = arith.constant 0 : index
    %get3A_1 = vector.load %arg0[%get3A, %get3A_0] : memref<2560x128xf32, #tpu.memory_space<vmem>>, vector<1280x128xf32>
    %get3A_2 = arith.constant 1280 : index
    %get3A_3 = arith.constant 0 : index
    %get3A_4 = vector.load %arg0[%get3A_2, %get3A_3] : memref<2560x128xf32, #tpu.memory_space<vmem>>, vector<1280x128xf32>
    %add3A = arith.addf %get3A_1, %get3A_4 : vector<1280x128xf32>
    %add3A_5 = arith.constant 1.000000e+00 : f32
    %add3A_6 = vector.broadcast %add3A_5 : f32 to vector<1280x128xf32>
    %add3A_7 = arith.addf %add3A, %add3A_6 : vector<1280x128xf32>
    %rsqrt3A = math.rsqrt %add3A_7 : vector<1280x128xf32>
    %swap3A = arith.constant 0 : index
    %swap3A_8 = arith.constant 0 : index
    %swap3A_9 = vector.load %arg3[%swap3A, %swap3A_8] : memref<1280x128xf32, #tpu.memory_space<vmem>>, vector<1280x128xf32>
    tpu.vector_store %arg3[%swap3A, %swap3A_8], %rsqrt3A {strides = array<i32>} : memref<1280x128xf32, #tpu.memory_space<vmem>>, vector<1280x128xf32>,
    %get3A_10 = arith.constant 0 : index
    %get3A_11 = arith.constant 0 : index
    %get3A_12 = vector.load %arg1[%get3A_10, %get3A_11] : memref<1280x128xf32, #tpu.memory_space<vmem>>, vector<1280x128xf32>
    %mul3A = arith.mulf %get3A_12, %rsqrt3A : vector<1280x128xf32>
    %swap3A_13 = arith.constant 0 : index
    %swap3A_14 = arith.constant 0 : index
    %swap3A_15 = vector.load %arg2[%swap3A_13, %swap3A_14] : memref<1280x128xf32, #tpu.memory_space<vmem>>, vector<1280x128xf32>
    tpu.vector_store %arg2[%swap3A_13, %swap3A_14], %mul3A {strides = array<i32>} : memref<1280x128xf32, #tpu.memory_space<vmem>>, vector<1280x128xf32>,
    return
  }
}

module attributes {stable_mosaic.version = 14 : i64} {
  func.func @_tc1a_body(%arg0: memref<10000x128xf32, #tpu.memory_space<vmem>>, %arg1: memref<128x16xf32, #tpu.memory_space<vmem>>, %arg2: memref<1280x128xf32, #tpu.memory_space<vmem>>) attributes {dimension_semantics = [], scalar_prefetch = 0 : i64, scratch_operands = 0 : i64, tpu.core_type = #tpu.core_type<tc>} {
    %get3A = arith.constant 0 : index
    %get3A_0 = arith.constant 0 : index
    %get3A_1 = vector.load %arg0[%get3A, %get3A_0] : memref<10000x128xf32, #tpu.memory_space<vmem>>, vector<10000x128xf32>
    %reshape3A = vector.shape_cast %get3A_1 : vector<10000x128xf32> to vector<1250x8x128xf32>
    %slice3A = vector.extract_strided_slice %reshape3A {offsets = [0, 0, 0], sizes = [1250, 1, 128], strides = [1, 1, 1]} : vector<1250x8x128xf32> to vector<1250x1x128xf32>
    %squeeze3A = vector.shape_cast %slice3A : vector<1250x1x128xf32> to vector<1250x128xf32>
    %get3A_2 = arith.constant 0 : index
    %get3A_3 = arith.constant 0 : index
    %get3A_4 = vector.load %arg1[%get3A_2, %get3A_3] : memref<128x16xf32, #tpu.memory_space<vmem>>, vector<128x16xf32>
    %dot_general3A = arith.constant dense<0.000000e+00> : vector<1250x16xf32>
    %dot_general3A_5 = tpu.matmul %squeeze3A, %get3A_4, %dot_general3A {dimension_numbers = #tpu.dot_dimension_numbers<[1], [0], [0], [1], [0, 0, 1, 1], [], []>, transpose_lhs_hint = false} : vector<1250x128xf32>, vector<128x16xf32>, vector<1250x16xf32> -> vector<1250x16xf32>
    %slice3A_6 = vector.extract_strided_slice %reshape3A {offsets = [0, 1, 0], sizes = [1250, 1, 128], strides = [1, 1, 1]} : vector<1250x8x128xf32> to vector<1250x1x128xf32>
    %squeeze3A_7 = vector.shape_cast %slice3A_6 : vector<1250x1x128xf32> to vector<1250x128xf32>
    %get3A_8 = arith.constant 0 : index
    %get3A_9 = arith.constant 0 : index
    %get3A_10 = vector.load %arg1[%get3A_8, %get3A_9] : memref<128x16xf32, #tpu.memory_space<vmem>>, vector<128x16xf32>
    %dot_general3A_11 = arith.constant dense<0.000000e+00> : vector<1250x16xf32>
    %dot_general3A_12 = tpu.matmul %squeeze3A_7, %get3A_10, %dot_general3A_11 {dimension_numbers = #tpu.dot_dimension_numbers<[1], [0], [0], [1], [0, 0, 1, 1], [], []>, transpose_lhs_hint = false} : vector<1250x128xf32>, vector<128x16xf32>, vector<1250x16xf32> -> vector<1250x16xf32>
    %slice3A_13 = vector.extract_strided_slice %reshape3A {offsets = [0, 2, 0], sizes = [1250, 1, 128], strides = [1, 1, 1]} : vector<1250x8x128xf32> to vector<1250x1x128xf32>
    %squeeze3A_14 = vector.shape_cast %slice3A_13 : vector<1250x1x128xf32> to vector<1250x128xf32>
    %get3A_15 = arith.constant 0 : index
    %get3A_16 = arith.constant 0 : index
    %get3A_17 = vector.load %arg1[%get3A_15, %get3A_16] : memref<128x16xf32, #tpu.memory_space<vmem>>, vector<128x16xf32>
    %dot_general3A_18 = arith.constant dense<0.000000e+00> : vector<1250x16xf32>
    %dot_general3A_19 = tpu.matmul %squeeze3A_14, %get3A_17, %dot_general3A_18 {dimension_numbers = #tpu.dot_dimension_numbers<[1], [0], [0], [1], [0, 0, 1, 1], [], []>, transpose_lhs_hint = false} : vector<1250x128xf32>, vector<128x16xf32>, vector<1250x16xf32> -> vector<1250x16xf32>
    %slice3A_20 = vector.extract_strided_slice %reshape3A {offsets = [0, 3, 0], sizes = [1250, 1, 128], strides = [1, 1, 1]} : vector<1250x8x128xf32> to vector<1250x1x128xf32>
    %squeeze3A_21 = vector.shape_cast %slice3A_20 : vector<1250x1x128xf32> to vector<1250x128xf32>
    %get3A_22 = arith.constant 0 : index
    %get3A_23 = arith.constant 0 : index
    %get3A_24 = vector.load %arg1[%get3A_22, %get3A_23] : memref<128x16xf32, #tpu.memory_space<vmem>>, vector<128x16xf32>
    %dot_general3A_25 = arith.constant dense<0.000000e+00> : vector<1250x16xf32>
    %dot_general3A_26 = tpu.matmul %squeeze3A_21, %get3A_24, %dot_general3A_25 {dimension_numbers = #tpu.dot_dimension_numbers<[1], [0], [0], [1], [0, 0, 1, 1], [], []>, transpose_lhs_hint = false} : vector<1250x128xf32>, vector<128x16xf32>, vector<1250x16xf32> -> vector<1250x16xf32>
    %slice3A_27 = vector.extract_strided_slice %reshape3A {offsets = [0, 4, 0], sizes = [1250, 1, 128], strides = [1, 1, 1]} : vector<1250x8x128xf32> to vector<1250x1x128xf32>
    %squeeze3A_28 = vector.shape_cast %slice3A_27 : vector<1250x1x128xf32> to vector<1250x128xf32>
    %get3A_29 = arith.constant 0 : index
    %get3A_30 = arith.constant 0 : index
    %get3A_31 = vector.load %arg1[%get3A_29, %get3A_30] : memref<128x16xf32, #tpu.memory_space<vmem>>, vector<128x16xf32>
    %dot_general3A_32 = arith.constant dense<0.000000e+00> : vector<1250x16xf32>
    %dot_general3A_33 = tpu.matmul %squeeze3A_28, %get3A_31, %dot_general3A_32 {dimension_numbers = #tpu.dot_dimension_numbers<[1], [0], [0], [1], [0, 0, 1, 1], [], []>, transpose_lhs_hint = false} : vector<1250x128xf32>, vector<128x16xf32>, vector<1250x16xf32> -> vector<1250x16xf32>
    %slice3A_34 = vector.extract_strided_slice %reshape3A {offsets = [0, 5, 0], sizes = [1250, 1, 128], strides = [1, 1, 1]} : vector<1250x8x128xf32> to vector<1250x1x128xf32>
    %squeeze3A_35 = vector.shape_cast %slice3A_34 : vector<1250x1x128xf32> to vector<1250x128xf32>
    %get3A_36 = arith.constant 0 : index
    %get3A_37 = arith.constant 0 : index
    %get3A_38 = vector.load %arg1[%get3A_36, %get3A_37] : memref<128x16xf32, #tpu.memory_space<vmem>>, vector<128x16xf32>
    %dot_general3A_39 = arith.constant dense<0.000000e+00> : vector<1250x16xf32>
    %dot_general3A_40 = tpu.matmul %squeeze3A_35, %get3A_38, %dot_general3A_39 {dimension_numbers = #tpu.dot_dimension_numbers<[1], [0], [0], [1], [0, 0, 1, 1], [], []>, transpose_lhs_hint = false} : vector<1250x128xf32>, vector<128x16xf32>, vector<1250x16xf32> -> vector<1250x16xf32>
    %slice3A_41 = vector.extract_strided_slice %reshape3A {offsets = [0, 6, 0], sizes = [1250, 1, 128], strides = [1, 1, 1]} : vector<1250x8x128xf32> to vector<1250x1x128xf32>
    %squeeze3A_42 = vector.shape_cast %slice3A_41 : vector<1250x1x128xf32> to vector<1250x128xf32>
    %get3A_43 = arith.constant 0 : index
    %get3A_44 = arith.constant 0 : index
    %get3A_45 = vector.load %arg1[%get3A_43, %get3A_44] : memref<128x16xf32, #tpu.memory_space<vmem>>, vector<128x16xf32>
    %dot_general3A_46 = arith.constant dense<0.000000e+00> : vector<1250x16xf32>
    %dot_general3A_47 = tpu.matmul %squeeze3A_42, %get3A_45, %dot_general3A_46 {dimension_numbers = #tpu.dot_dimension_numbers<[1], [0], [0], [1], [0, 0, 1, 1], [], []>, transpose_lhs_hint = false} : vector<1250x128xf32>, vector<128x16xf32>, vector<1250x16xf32> -> vector<1250x16xf32>
    %slice3A_48 = vector.extract_strided_slice %reshape3A {offsets = [0, 7, 0], sizes = [1250, 1, 128], strides = [1, 1, 1]} : vector<1250x8x128xf32> to vector<1250x1x128xf32>
    %squeeze3A_49 = vector.shape_cast %slice3A_48 : vector<1250x1x128xf32> to vector<1250x128xf32>
    %get3A_50 = arith.constant 0 : index
    %get3A_51 = arith.constant 0 : index
    %get3A_52 = vector.load %arg1[%get3A_50, %get3A_51] : memref<128x16xf32, #tpu.memory_space<vmem>>, vector<128x16xf32>
    %dot_general3A_53 = arith.constant dense<0.000000e+00> : vector<1250x16xf32>
    %dot_general3A_54 = tpu.matmul %squeeze3A_49, %get3A_52, %dot_general3A_53 {dimension_numbers = #tpu.dot_dimension_numbers<[1], [0], [0], [1], [0, 0, 1, 1], [], []>, transpose_lhs_hint = false} : vector<1250x128xf32>, vector<128x16xf32>, vector<1250x16xf32> -> vector<1250x16xf32>
    %concatenate3A = tpu.concatenate %dot_general3A_5, %dot_general3A_12, %dot_general3A_19, %dot_general3A_26, %dot_general3A_33, %dot_general3A_40, %dot_general3A_47, %dot_general3A_54 in 1 : vector<1250x16xf32>, vector<1250x16xf32>, vector<1250x16xf32>, vector<1250x16xf32>, vector<1250x16xf32>, vector<1250x16xf32>, vector<1250x16xf32>, vector<1250x16xf32> -> vector<1250x128xf32>
    %swap3A = arith.constant 0 : index
    %swap3A_55 = arith.constant 0 : index
    %swap3A_56 = vector.load %arg2[%swap3A, %swap3A_55] : memref<1280x128xf32, #tpu.memory_space<vmem>>, vector<1250x128xf32>
    tpu.vector_store %arg2[%swap3A, %swap3A_55], %concatenate3A {strides = array<i32>} : memref<1280x128xf32, #tpu.memory_space<vmem>>, vector<1250x128xf32>,
    %broadcast_in_dim3A = arith.constant 0.000000e+00 : f32
    %broadcast_in_dim3A_57 = vector.broadcast %broadcast_in_dim3A : f32 to vector<30x128xf32>
    %swap3A_58 = arith.constant 1250 : index
    %swap3A_59 = arith.constant 0 : index
    %swap3A_60 = vector.load %arg2[%swap3A_58, %swap3A_59] : memref<1280x128xf32, #tpu.memory_space<vmem>>, vector<30x128xf32>
    tpu.vector_store %arg2[%swap3A_58, %swap3A_59], %broadcast_in_dim3A_57 {strides = array<i32>} : memref<1280x128xf32, #tpu.memory_space<vmem>>, vector<30x128xf32>,
    return
  }
}

module attributes {stable_mosaic.version = 14 : i64} {
  func.func @_tc2_body(%arg0: memref<1280x128xf32, #tpu.memory_space<vmem>>, %arg1: memref<2560x128xf32, #tpu.memory_space<vmem>>, %arg2: memref<128x128xf32, #tpu.memory_space<vmem>>, %arg3: memref<1x128xf32, #tpu.memory_space<vmem>>, %arg4: memref<1280x128xf32, #tpu.memory_space<vmem>>) attributes {dimension_semantics = [], scalar_prefetch = 0 : i64, scratch_operands = 0 : i64, tpu.core_type = #tpu.core_type<tc>} {
    %get3A = arith.constant 0 : index
    %get3A_0 = arith.constant 0 : index
    %get3A_1 = vector.load %arg0[%get3A, %get3A_0] : memref<1280x128xf32, #tpu.memory_space<vmem>>, vector<1280x128xf32>
    %get3A_2 = arith.constant 0 : index
    %get3A_3 = arith.constant 0 : index
    %get3A_4 = vector.load %arg1[%get3A_2, %get3A_3] : memref<2560x128xf32, #tpu.memory_space<vmem>>, vector<1280x128xf32>
    %get3A_5 = arith.constant 1280 : index
    %get3A_6 = arith.constant 0 : index
    %get3A_7 = vector.load %arg1[%get3A_5, %get3A_6] : memref<2560x128xf32, #tpu.memory_space<vmem>>, vector<1280x128xf32>
    %add3A = arith.addf %get3A_4, %get3A_7 : vector<1280x128xf32>
    %mul3A = arith.mulf %get3A_1, %add3A : vector<1280x128xf32>
    %get3A_8 = arith.constant 0 : index
    %get3A_9 = arith.constant 0 : index
    %get3A_10 = vector.load %arg3[%get3A_8, %get3A_9] : memref<1x128xf32, #tpu.memory_space<vmem>>, vector<1x128xf32>
    %add3A_11 = vector.broadcast %get3A_10 : vector<1x128xf32> to vector<1280x128xf32>
    %add3A_12 = arith.addf %mul3A, %add3A_11 : vector<1280x128xf32>
    %max3A = arith.constant 0.000000e+00 : f32
    %max3A_13 = vector.broadcast %max3A : f32 to vector<1280x128xf32>
    %max3A_14 = arith.maximumf %add3A_12, %max3A_13 : vector<1280x128xf32>
    %get3A_15 = arith.constant 0 : index
    %get3A_16 = arith.constant 0 : index
    %get3A_17 = vector.load %arg2[%get3A_15, %get3A_16] : memref<128x128xf32, #tpu.memory_space<vmem>>, vector<128x128xf32>
    %dot_general3A = arith.constant dense<0.000000e+00> : vector<1280x128xf32>
    %dot_general3A_18 = tpu.matmul %max3A_14, %get3A_17, %dot_general3A {dimension_numbers = #tpu.dot_dimension_numbers<[1], [0], [0], [1], [0, 0, 1, 1], [], []>, transpose_lhs_hint = false} : vector<1280x128xf32>, vector<128x128xf32>, vector<1280x128xf32> -> vector<1280x128xf32>
    %mul3A_19 = arith.mulf %dot_general3A_18, %get3A_1 : vector<1280x128xf32>
    %swap3A = arith.constant 0 : index
    %swap3A_20 = arith.constant 0 : index
    %swap3A_21 = vector.load %arg4[%swap3A, %swap3A_20] : memref<1280x128xf32, #tpu.memory_space<vmem>>, vector<1280x128xf32>
    tpu.vector_store %arg4[%swap3A, %swap3A_20], %mul3A_19 {strides = array<i32>} : memref<1280x128xf32, #tpu.memory_space<vmem>>, vector<1280x128xf32>,
    return
  }
}

module attributes {stable_mosaic.version = 14 : i64} {
  func.func @_tc3_body(%arg0: memref<1280x128xf32, #tpu.memory_space<vmem>>, %arg1: memref<2560x128xf32, #tpu.memory_space<vmem>>, %arg2: memref<1x128xf32, #tpu.memory_space<vmem>>, %arg3: memref<8x1280xi32, #tpu.memory_space<vmem>>, %arg4: memref<16x10xf32, #tpu.memory_space<vmem>>, %arg5: memref<1x10xf32, #tpu.memory_space<vmem>>, %arg6: memref<64x10xf32, #tpu.memory_space<vmem>>) attributes {dimension_semantics = [], scalar_prefetch = 0 : i64, scratch_operands = 0 : i64, tpu.core_type = #tpu.core_type<tc>} {
    %get3A = arith.constant 0 : index
    %get3A_0 = arith.constant 0 : index
    %get3A_1 = vector.load %arg0[%get3A, %get3A_0] : memref<1280x128xf32, #tpu.memory_space<vmem>>, vector<1280x128xf32>
    %get3A_2 = arith.constant 0 : index
    %get3A_3 = arith.constant 0 : index
    %get3A_4 = vector.load %arg1[%get3A_2, %get3A_3] : memref<2560x128xf32, #tpu.memory_space<vmem>>, vector<1280x128xf32>
    %get3A_5 = arith.constant 1280 : index
    %get3A_6 = arith.constant 0 : index
    %get3A_7 = vector.load %arg1[%get3A_5, %get3A_6] : memref<2560x128xf32, #tpu.memory_space<vmem>>, vector<1280x128xf32>
    %add3A = arith.addf %get3A_4, %get3A_7 : vector<1280x128xf32>
    %mul3A = arith.mulf %get3A_1, %add3A : vector<1280x128xf32>
    %get3A_8 = arith.constant 0 : index
    %get3A_9 = arith.constant 0 : index
    %get3A_10 = vector.load %arg2[%get3A_8, %get3A_9] : memref<1x128xf32, #tpu.memory_space<vmem>>, vector<1x128xf32>
    %add3A_11 = vector.broadcast %get3A_10 : vector<1x128xf32> to vector<1280x128xf32>
    %add3A_12 = arith.addf %mul3A, %add3A_11 : vector<1280x128xf32>
    %max3A = arith.constant 0.000000e+00 : f32
    %max3A_13 = vector.broadcast %max3A : f32 to vector<1280x128xf32>
    %max3A_14 = arith.maximumf %add3A_12, %max3A_13 : vector<1280x128xf32>
    %get3A_15 = arith.constant 0 : index
    %get3A_16 = arith.constant 0 : index
    %get3A_17 = vector.load %arg3[%get3A_15, %get3A_16] : memref<8x1280xi32, #tpu.memory_space<vmem>>, vector<8x1280xi32>
    %iota3A = tpu.iota {dimensions = array<i32: 0>} : vector<64x1xi32>
    %broadcast_in_dim3A = arith.constant 0.000000e+00 : f32
    %broadcast_in_dim3A_18 = vector.broadcast %broadcast_in_dim3A : f32 to vector<64x16xf32>
    %broadcast_in_dim3A_19 = arith.constant 0.000000e+00 : f32
    %broadcast_in_dim3A_20 = vector.broadcast %broadcast_in_dim3A_19 : f32 to vector<64x1xf32>
    %slice3A = vector.extract_strided_slice %get3A_17 {offsets = [0, 0], sizes = [1, 1280], strides = [1, 1]} : vector<8x1280xi32> to vector<1x1280xi32>
    %eq3A = vector.broadcast %slice3A : vector<1x1280xi32> to vector<64x1280xi32>
    %eq3A_21 = vector.broadcast %iota3A : vector<64x1xi32> to vector<64x1280xi32>
    %eq3A_22 = arith.cmpi eq, %eq3A, %eq3A_21 : vector<64x1280xi32>
    %convert_element_type3A = arith.extui %eq3A_22 : vector<64x1280xi1> to vector<64x1280xi32>
    %convert_element_type3A_23 = arith.sitofp %convert_element_type3A : vector<64x1280xi32> to vector<64x1280xf32>
    %dot_general3A = arith.constant dense<0.000000e+00> : vector<64x128xf32>
    %dot_general3A_24 = tpu.matmul %convert_element_type3A_23, %max3A_14, %dot_general3A {dimension_numbers = #tpu.dot_dimension_numbers<[1], [0], [0], [1], [0, 0, 1, 1], [], []>, transpose_lhs_hint = false} : vector<64x1280xf32>, vector<1280x128xf32>, vector<64x128xf32> -> vector<64x128xf32>
    %slice3A_25 = vector.extract_strided_slice %dot_general3A_24 {offsets = [0, 0], sizes = [64, 16], strides = [1, 1]} : vector<64x128xf32> to vector<64x16xf32>
    %add3A_26 = arith.addf %broadcast_in_dim3A_18, %slice3A_25 : vector<64x16xf32>
    %reduce_sum3A = arith.constant dense<0.000000e+00> : vector<64xf32>
    %reduce_sum3A_27 = vector.multi_reduction <add>, %convert_element_type3A_23, %reduce_sum3A [1] : vector<64x1280xf32> to vector<64xf32>
    %broadcast_in_dim3A_28 = vector.shape_cast %reduce_sum3A_27 : vector<64xf32> to vector<64x1xf32>
    %add3A_29 = arith.addf %broadcast_in_dim3A_20, %broadcast_in_dim3A_28 : vector<64x1xf32>
    %slice3A_30 = vector.extract_strided_slice %get3A_17 {offsets = [1, 0], sizes = [1, 1280], strides = [1, 1]} : vector<8x1280xi32> to vector<1x1280xi32>
    %eq3A_31 = vector.broadcast %slice3A_30 : vector<1x1280xi32> to vector<64x1280xi32>
    %eq3A_32 = vector.broadcast %iota3A : vector<64x1xi32> to vector<64x1280xi32>
    %eq3A_33 = arith.cmpi eq, %eq3A_31, %eq3A_32 : vector<64x1280xi32>
    %convert_element_type3A_34 = arith.extui %eq3A_33 : vector<64x1280xi1> to vector<64x1280xi32>
    %convert_element_type3A_35 = arith.sitofp %convert_element_type3A_34 : vector<64x1280xi32> to vector<64x1280xf32>
    %dot_general3A_36 = arith.constant dense<0.000000e+00> : vector<64x128xf32>
    %dot_general3A_37 = tpu.matmul %convert_element_type3A_35, %max3A_14, %dot_general3A_36 {dimension_numbers = #tpu.dot_dimension_numbers<[1], [0], [0], [1], [0, 0, 1, 1], [], []>, transpose_lhs_hint = false} : vector<64x1280xf32>, vector<1280x128xf32>, vector<64x128xf32> -> vector<64x128xf32>
    %slice3A_38 = vector.extract_strided_slice %dot_general3A_37 {offsets = [0, 16], sizes = [64, 16], strides = [1, 1]} : vector<64x128xf32> to vector<64x16xf32>
    %add3A_39 = arith.addf %add3A_26, %slice3A_38 : vector<64x16xf32>
    %reduce_sum3A_40 = arith.constant dense<0.000000e+00> : vector<64xf32>
    %reduce_sum3A_41 = vector.multi_reduction <add>, %convert_element_type3A_35, %reduce_sum3A_40 [1] : vector<64x1280xf32> to vector<64xf32>
    %broadcast_in_dim3A_42 = vector.shape_cast %reduce_sum3A_41 : vector<64xf32> to vector<64x1xf32>
    %add3A_43 = arith.addf %add3A_29, %broadcast_in_dim3A_42 : vector<64x1xf32>
    %slice3A_44 = vector.extract_strided_slice %get3A_17 {offsets = [2, 0], sizes = [1, 1280], strides = [1, 1]} : vector<8x1280xi32> to vector<1x1280xi32>
    %eq3A_45 = vector.broadcast %slice3A_44 : vector<1x1280xi32> to vector<64x1280xi32>
    %eq3A_46 = vector.broadcast %iota3A : vector<64x1xi32> to vector<64x1280xi32>
    %eq3A_47 = arith.cmpi eq, %eq3A_45, %eq3A_46 : vector<64x1280xi32>
    %convert_element_type3A_48 = arith.extui %eq3A_47 : vector<64x1280xi1> to vector<64x1280xi32>
    %convert_element_type3A_49 = arith.sitofp %convert_element_type3A_48 : vector<64x1280xi32> to vector<64x1280xf32>
    %dot_general3A_50 = arith.constant dense<0.000000e+00> : vector<64x128xf32>
    %dot_general3A_51 = tpu.matmul %convert_element_type3A_49, %max3A_14, %dot_general3A_50 {dimension_numbers = #tpu.dot_dimension_numbers<[1], [0], [0], [1], [0, 0, 1, 1], [], []>, transpose_lhs_hint = false} : vector<64x1280xf32>, vector<1280x128xf32>, vector<64x128xf32> -> vector<64x128xf32>
    %slice3A_52 = vector.extract_strided_slice %dot_general3A_51 {offsets = [0, 32], sizes = [64, 16], strides = [1, 1]} : vector<64x128xf32> to vector<64x16xf32>
    %add3A_53 = arith.addf %add3A_39, %slice3A_52 : vector<64x16xf32>
    %reduce_sum3A_54 = arith.constant dense<0.000000e+00> : vector<64xf32>
    %reduce_sum3A_55 = vector.multi_reduction <add>, %convert_element_type3A_49, %reduce_sum3A_54 [1] : vector<64x1280xf32> to vector<64xf32>
    %broadcast_in_dim3A_56 = vector.shape_cast %reduce_sum3A_55 : vector<64xf32> to vector<64x1xf32>
    %add3A_57 = arith.addf %add3A_43, %broadcast_in_dim3A_56 : vector<64x1xf32>
    %slice3A_58 = vector.extract_strided_slice %get3A_17 {offsets = [3, 0], sizes = [1, 1280], strides = [1, 1]} : vector<8x1280xi32> to vector<1x1280xi32>
    %eq3A_59 = vector.broadcast %slice3A_58 : vector<1x1280xi32> to vector<64x1280xi32>
    %eq3A_60 = vector.broadcast %iota3A : vector<64x1xi32> to vector<64x1280xi32>
    %eq3A_61 = arith.cmpi eq, %eq3A_59, %eq3A_60 : vector<64x1280xi32>
    %convert_element_type3A_62 = arith.extui %eq3A_61 : vector<64x1280xi1> to vector<64x1280xi32>
    %convert_element_type3A_63 = arith.sitofp %convert_element_type3A_62 : vector<64x1280xi32> to vector<64x1280xf32>
    %dot_general3A_64 = arith.constant dense<0.000000e+00> : vector<64x128xf32>
    %dot_general3A_65 = tpu.matmul %convert_element_type3A_63, %max3A_14, %dot_general3A_64 {dimension_numbers = #tpu.dot_dimension_numbers<[1], [0], [0], [1], [0, 0, 1, 1], [], []>, transpose_lhs_hint = false} : vector<64x1280xf32>, vector<1280x128xf32>, vector<64x128xf32> -> vector<64x128xf32>
    %slice3A_66 = vector.extract_strided_slice %dot_general3A_65 {offsets = [0, 48], sizes = [64, 16], strides = [1, 1]} : vector<64x128xf32> to vector<64x16xf32>
    %add3A_67 = arith.addf %add3A_53, %slice3A_66 : vector<64x16xf32>
    %reduce_sum3A_68 = arith.constant dense<0.000000e+00> : vector<64xf32>
    %reduce_sum3A_69 = vector.multi_reduction <add>, %convert_element_type3A_63, %reduce_sum3A_68 [1] : vector<64x1280xf32> to vector<64xf32>
    %broadcast_in_dim3A_70 = vector.shape_cast %reduce_sum3A_69 : vector<64xf32> to vector<64x1xf32>
    %add3A_71 = arith.addf %add3A_57, %broadcast_in_dim3A_70 : vector<64x1xf32>
    %slice3A_72 = vector.extract_strided_slice %get3A_17 {offsets = [4, 0], sizes = [1, 1280], strides = [1, 1]} : vector<8x1280xi32> to vector<1x1280xi32>
    %eq3A_73 = vector.broadcast %slice3A_72 : vector<1x1280xi32> to vector<64x1280xi32>
    %eq3A_74 = vector.broadcast %iota3A : vector<64x1xi32> to vector<64x1280xi32>
    %eq3A_75 = arith.cmpi eq, %eq3A_73, %eq3A_74 : vector<64x1280xi32>
    %convert_element_type3A_76 = arith.extui %eq3A_75 : vector<64x1280xi1> to vector<64x1280xi32>
    %convert_element_type3A_77 = arith.sitofp %convert_element_type3A_76 : vector<64x1280xi32> to vector<64x1280xf32>
    %dot_general3A_78 = arith.constant dense<0.000000e+00> : vector<64x128xf32>
    %dot_general3A_79 = tpu.matmul %convert_element_type3A_77, %max3A_14, %dot_general3A_78 {dimension_numbers = #tpu.dot_dimension_numbers<[1], [0], [0], [1], [0, 0, 1, 1], [], []>, transpose_lhs_hint = false} : vector<64x1280xf32>, vector<1280x128xf32>, vector<64x128xf32> -> vector<64x128xf32>
    %slice3A_80 = vector.extract_strided_slice %dot_general3A_79 {offsets = [0, 64], sizes = [64, 16], strides = [1, 1]} : vector<64x128xf32> to vector<64x16xf32>
    %add3A_81 = arith.addf %add3A_67, %slice3A_80 : vector<64x16xf32>
    %reduce_sum3A_82 = arith.constant dense<0.000000e+00> : vector<64xf32>
    %reduce_sum3A_83 = vector.multi_reduction <add>, %convert_element_type3A_77, %reduce_sum3A_82 [1] : vector<64x1280xf32> to vector<64xf32>
    %broadcast_in_dim3A_84 = vector.shape_cast %reduce_sum3A_83 : vector<64xf32> to vector<64x1xf32>
    %add3A_85 = arith.addf %add3A_71, %broadcast_in_dim3A_84 : vector<64x1xf32>
    %slice3A_86 = vector.extract_strided_slice %get3A_17 {offsets = [5, 0], sizes = [1, 1280], strides = [1, 1]} : vector<8x1280xi32> to vector<1x1280xi32>
    %eq3A_87 = vector.broadcast %slice3A_86 : vector<1x1280xi32> to vector<64x1280xi32>
    %eq3A_88 = vector.broadcast %iota3A : vector<64x1xi32> to vector<64x1280xi32>
    %eq3A_89 = arith.cmpi eq, %eq3A_87, %eq3A_88 : vector<64x1280xi32>
    %convert_element_type3A_90 = arith.extui %eq3A_89 : vector<64x1280xi1> to vector<64x1280xi32>
    %convert_element_type3A_91 = arith.sitofp %convert_element_type3A_90 : vector<64x1280xi32> to vector<64x1280xf32>
    %dot_general3A_92 = arith.constant dense<0.000000e+00> : vector<64x128xf32>
    %dot_general3A_93 = tpu.matmul %convert_element_type3A_91, %max3A_14, %dot_general3A_92 {dimension_numbers = #tpu.dot_dimension_numbers<[1], [0], [0], [1], [0, 0, 1, 1], [], []>, transpose_lhs_hint = false} : vector<64x1280xf32>, vector<1280x128xf32>, vector<64x128xf32> -> vector<64x128xf32>
    %slice3A_94 = vector.extract_strided_slice %dot_general3A_93 {offsets = [0, 80], sizes = [64, 16], strides = [1, 1]} : vector<64x128xf32> to vector<64x16xf32>
    %add3A_95 = arith.addf %add3A_81, %slice3A_94 : vector<64x16xf32>
    %reduce_sum3A_96 = arith.constant dense<0.000000e+00> : vector<64xf32>
    %reduce_sum3A_97 = vector.multi_reduction <add>, %convert_element_type3A_91, %reduce_sum3A_96 [1] : vector<64x1280xf32> to vector<64xf32>
    %broadcast_in_dim3A_98 = vector.shape_cast %reduce_sum3A_97 : vector<64xf32> to vector<64x1xf32>
    %add3A_99 = arith.addf %add3A_85, %broadcast_in_dim3A_98 : vector<64x1xf32>
    %slice3A_100 = vector.extract_strided_slice %get3A_17 {offsets = [6, 0], sizes = [1, 1280], strides = [1, 1]} : vector<8x1280xi32> to vector<1x1280xi32>
    %eq3A_101 = vector.broadcast %slice3A_100 : vector<1x1280xi32> to vector<64x1280xi32>
    %eq3A_102 = vector.broadcast %iota3A : vector<64x1xi32> to vector<64x1280xi32>
    %eq3A_103 = arith.cmpi eq, %eq3A_101, %eq3A_102 : vector<64x1280xi32>
    %convert_element_type3A_104 = arith.extui %eq3A_103 : vector<64x1280xi1> to vector<64x1280xi32>
    %convert_element_type3A_105 = arith.sitofp %convert_element_type3A_104 : vector<64x1280xi32> to vector<64x1280xf32>
    %dot_general3A_106 = arith.constant dense<0.000000e+00> : vector<64x128xf32>
    %dot_general3A_107 = tpu.matmul %convert_element_type3A_105, %max3A_14, %dot_general3A_106 {dimension_numbers = #tpu.dot_dimension_numbers<[1], [0], [0], [1], [0, 0, 1, 1], [], []>, transpose_lhs_hint = false} : vector<64x1280xf32>, vector<1280x128xf32>, vector<64x128xf32> -> vector<64x128xf32>
    %slice3A_108 = vector.extract_strided_slice %dot_general3A_107 {offsets = [0, 96], sizes = [64, 16], strides = [1, 1]} : vector<64x128xf32> to vector<64x16xf32>
    %add3A_109 = arith.addf %add3A_95, %slice3A_108 : vector<64x16xf32>
    %reduce_sum3A_110 = arith.constant dense<0.000000e+00> : vector<64xf32>
    %reduce_sum3A_111 = vector.multi_reduction <add>, %convert_element_type3A_105, %reduce_sum3A_110 [1] : vector<64x1280xf32> to vector<64xf32>
    %broadcast_in_dim3A_112 = vector.shape_cast %reduce_sum3A_111 : vector<64xf32> to vector<64x1xf32>
    %add3A_113 = arith.addf %add3A_99, %broadcast_in_dim3A_112 : vector<64x1xf32>
    %slice3A_114 = vector.extract_strided_slice %get3A_17 {offsets = [7, 0], sizes = [1, 1280], strides = [1, 1]} : vector<8x1280xi32> to vector<1x1280xi32>
    %eq3A_115 = vector.broadcast %slice3A_114 : vector<1x1280xi32> to vector<64x1280xi32>
    %eq3A_116 = vector.broadcast %iota3A : vector<64x1xi32> to vector<64x1280xi32>
    %eq3A_117 = arith.cmpi eq, %eq3A_115, %eq3A_116 : vector<64x1280xi32>
    %convert_element_type3A_118 = arith.extui %eq3A_117 : vector<64x1280xi1> to vector<64x1280xi32>
    %convert_element_type3A_119 = arith.sitofp %convert_element_type3A_118 : vector<64x1280xi32> to vector<64x1280xf32>
    %dot_general3A_120 = arith.constant dense<0.000000e+00> : vector<64x128xf32>
    %dot_general3A_121 = tpu.matmul %convert_element_type3A_119, %max3A_14, %dot_general3A_120 {dimension_numbers = #tpu.dot_dimension_numbers<[1], [0], [0], [1], [0, 0, 1, 1], [], []>, transpose_lhs_hint = false} : vector<64x1280xf32>, vector<1280x128xf32>, vector<64x128xf32> -> vector<64x128xf32>
    %slice3A_122 = vector.extract_strided_slice %dot_general3A_121 {offsets = [0, 112], sizes = [64, 16], strides = [1, 1]} : vector<64x128xf32> to vector<64x16xf32>
    %add3A_123 = arith.addf %add3A_109, %slice3A_122 : vector<64x16xf32>
    %reduce_sum3A_124 = arith.constant dense<0.000000e+00> : vector<64xf32>
    %reduce_sum3A_125 = vector.multi_reduction <add>, %convert_element_type3A_119, %reduce_sum3A_124 [1] : vector<64x1280xf32> to vector<64xf32>
    %broadcast_in_dim3A_126 = vector.shape_cast %reduce_sum3A_125 : vector<64xf32> to vector<64x1xf32>
    %add3A_127 = arith.addf %add3A_113, %broadcast_in_dim3A_126 : vector<64x1xf32>
    %max3A_128 = arith.constant 1.000000e+00 : f32
    %max3A_129 = vector.broadcast %max3A_128 : f32 to vector<64x1xf32>
    %max3A_130 = arith.maximumf %add3A_127, %max3A_129 : vector<64x1xf32>
    %div3A = vector.broadcast %max3A_130 : vector<64x1xf32> to vector<64x16xf32>
    %div3A_131 = arith.divf %add3A_123, %div3A : vector<64x16xf32>
    %get3A_132 = arith.constant 0 : index
    %get3A_133 = arith.constant 0 : index
    %get3A_134 = vector.load %arg4[%get3A_132, %get3A_133] : memref<16x10xf32, #tpu.memory_space<vmem>>, vector<16x10xf32>
    %dot_general3A_135 = arith.constant dense<0.000000e+00> : vector<64x10xf32>
    %dot_general3A_136 = tpu.matmul %div3A_131, %get3A_134, %dot_general3A_135 {dimension_numbers = #tpu.dot_dimension_numbers<[1], [0], [0], [1], [0, 0, 1, 1], [], []>, transpose_lhs_hint = false} : vector<64x16xf32>, vector<16x10xf32>, vector<64x10xf32> -> vector<64x10xf32>
    %get3A_137 = arith.constant 0 : index
    %get3A_138 = arith.constant 0 : index
    %get3A_139 = vector.load %arg5[%get3A_137, %get3A_138] : memref<1x10xf32, #tpu.memory_space<vmem>>, vector<1x10xf32>
    %add3A_140 = vector.broadcast %get3A_139 : vector<1x10xf32> to vector<64x10xf32>
    %add3A_141 = arith.addf %dot_general3A_136, %add3A_140 : vector<64x10xf32>
    %swap3A = arith.constant 0 : index
    %swap3A_142 = arith.constant 0 : index
    %swap3A_143 = vector.load %arg6[%swap3A, %swap3A_142] : memref<64x10xf32, #tpu.memory_space<vmem>>, vector<64x10xf32>
    tpu.vector_store %arg6[%swap3A, %swap3A_142], %add3A_141 {strides = array<i32>} : memref<64x10xf32, #tpu.memory_space<vmem>>, vector<64x10xf32>,
    return
  }
}

</mosaic_0001>

<sc_bundles>
// kernel: kernel.12.cloned.1.call-start
scs
__scs_entry_jumppad:
0x0: {  	(pc) =	sbr.rel $0x88, $3  }
0x1: {  	(tag) =	ssettag $0x0;
	lr =	simm.s32 $0x1  }
0x2: {  	[smem:$0x3F98] =	sst lr;
	_ =	strace $0xD0000000  }
0x3: {  	_ = 	snop  }
0x4: {  	_ = 	snop  }
0x5: {  	_ = 	snop  }
0x6: {  	_ = 	snop  }
0x7: {  	_ = 	snop  }
__scs_overlays_trampoline_lowered:
0x8: {  	[smem:$0x3FA7] =	sst s0  }
0x9: {  	[smem:$0x3FA8] =	sst s1  }
0xa: {  	[smem:$0x3FA9] =	sst s2  }
0xb: {  	[smem:$0x3FAA] =	sst s3  }
0xc: {  	[smem:$0x3FAB] =	sst s4  }
0xd: {  	[smem:$0x3FAC] =	sst s5  }
0xe: {  	[smem:$0x3FAD] =	sst s6  }
0xf: {  	[smem:$0x3FAE] =	sst s7  }
0x10: {  	[smem:$0x3FAF] =	sst s8  }
0x11: {  	[smem:$0x3FB0] =	sst s9;
	s0 =	simm.s32 @!p0 $0x0  }
0x12: {  	s1 =	sld [smem:$0x3F96];
	s0 =	simm.s32 @p0 $0x1  }
0x13: {  	[smem:$0x3FB1] =	sst s0;
	s0 =	simm.s32 @!p1 $0x0  }
0x14: {  	s2 =	sld [smem:$0x3F95];
	s0 =	simm.s32 @p1 $0x1  }
0x15: {  	[smem:$0x3FB2] =	sst s0;
	s0 =	simm.s32 @!p2 $0x0  }
0x16: {  	s3 =	sld [smem:$0x3FDB];
	s0 =	simm.s32 @p2 $0x1  }
0x17: {  	s4 =	simm.s32 $0x1BF5;
	[smem:$0x3FB4] =	sst s0  }
0x18: {  	s0 =	sld [smem:$0x3F97];
	_ =	swait.ge [sflag:s4], $0x0  }
0x19: {  	s7 =	sld [smem:$0x3F98]  }
0x1a: {  	s8 =	sadd.s32 $0xFFFFE003, lr  }
0x1b: {  	s9 =	sadd.s32 $0xFFFFFEF7, lr;
	s5 =	simm.s32 $0xFFFFFFFF;
	p2 =	slt.u32 s8, $0xFFFFF086  }
0x1c: {  	p1 =	slt.u32 s9, $0xF7A;
	s5 =	simm.s32 @!p2 $0x0  }
0x1d: {  	s5 =	simm.s32 @p1 $0x1;
	p0 =	seq.s32 s7, s2  }
0x1e: {  	s7 =	smul.u32 @!p0 $0xF7A, s2;
	p2 =	seq.s32 @!p0 s5, $0x0  }
0x1f: {  	s9 =	smul.u32 $0xF7A, s1;
	s8 =	simm.s32 @!p0 $0x1BF5;
	p2 =	por !p2, p0  }
0x20: {  	[sflag:s8] =	ssyncset.s32 @!p0 $0xFFFFF086;
	s6 =	sadd.s32 @!p0 s3, s7;
	s7 =	simm.s32 @!p0 $0x108  }
0x21: {  	s3 =	sadd.s32 s3, s9;
	s6 =	sadd.s32 @!p0 $0x88, s6;
	s7 =	simm.s32 @p2 $0x1082  }
0x22: {  	[simem:s7], [sflag:s8] =	dma.local @!p0 [hbm:s6], $0xF7A  }
0x23: {  	s9 =	sor.u32 $0xD0000000, s2;
	s6 =	simm.s32 $0x108;
	_ =	swait.ge @!p0 [sflag:s8], $0x0  }
0x24: {  	s3 =	sadd.s32 $0x88, s3;
	s6 =	simm.s32 @!p1 $0x1082;
	[sflag:s4] =	ssyncset.s32 $0xFFFFF086  }
0x25: {  	[simem:s6], [sflag:s4] =	dma.local [hbm:s3], $0xF7A  }
0x26: {  	[smem:$0x3F98] =	sst s1;
	(tag) =	ssettag s2;
	_ =	strace s9  }
0x27: {  	s1 =	sld [smem:$0x3FA8]  }
0x28: {  	s2 =	sld [smem:$0x3FA9]  }
0x29: {  	s4 =	sld [smem:$0x3FAB]  }
0x2a: {  	p0 =	seq.s32 s5, $0x0;
	s5 =	sld [smem:$0x3FAC]  }
0x2b: {  	s6 =	sld [smem:$0x3FAD]  }
0x2c: {  	s7 =	sld [smem:$0x3FAE]  }
0x2d: {  	s3 =	simm.s32 $0x108;
	s8 =	sld [smem:$0x3FAF]  }
0x2e: {  	s3 =	simm.s32 @!p0 $0x1082;
	s9 =	sld [smem:$0x3FB0]  }
0x2f: {  	lr =	sadd.s32 s0, s3;
	s0 =	sld [smem:$0x3FA7]  }
0x30: {  	s3 =	sld [smem:$0x3FAA]  }
0x31: {  	[smem:$0x3FB3] =	sst s10  }
0x32: {  	s10 =	sld [smem:$0x3FB1];
	_ =	sdelay $0x3  }
0x33: {  	p0 =	seq.s32 s10, $0x1;
	s10 =	sld [smem:$0x3FB3];
	_ =	sdelay $0x3  }
0x34: {  	[smem:$0x3FB3] =	sst s10  }
0x35: {  	s10 =	sld [smem:$0x3FB2];
	_ =	sdelay $0x3  }
0x36: {  	p1 =	seq.s32 s10, $0x1;
	s10 =	sld [smem:$0x3FB3];
	_ =	sdelay $0x3  }
0x37: {  	[smem:$0x3FB3] =	sst s10  }
0x38: {  	s10 =	sld [smem:$0x3FB4]  }
0x39: {  	_ = 	snop;
	(pc) =	sbr.ind lr, $3  }
0x3a: {  	_ = 	snop  }
0x3b: {  	_ = 	snop  }
0x3c: {  	p2 =	seq.s32 s10, $0x1;
	s10 =	sld [smem:$0x3FB3]  }
0x3d: {  	_ =	shalt  }
0x3e: {  	_ =	shalt  }
0x3f: {  	_ =	shalt  }
0x40: {  	_ =	shalt  }
0x41: {  	_ =	shalt  }
0x42: {  	_ =	shalt  }
0x43: {  	_ =	shalt  }
0x44: {  	_ =	shalt  }
0x45: {  	_ =	shalt  }
0x46: {  	_ =	shalt  }
0x47: {  	_ =	shalt  }
0x48: {  	_ =	shalt  }
0x49: {  	_ =	shalt  }
0x4a: {  	_ =	shalt  }
0x4b: {  	_ =	shalt  }
0x4c: {  	_ =	shalt  }
0x4d: {  	_ =	shalt  }
0x4e: {  	_ =	shalt  }
0x4f: {  	_ =	shalt  }
0x50: {  	_ =	shalt  }
0x51: {  	_ =	shalt  }
0x52: {  	_ =	shalt  }
0x53: {  	_ =	shalt  }
0x54: {  	_ =	shalt  }
0x55: {  	_ =	shalt  }
0x56: {  	_ =	shalt  }
0x57: {  	_ =	shalt  }
0x58: {  	_ =	shalt  }
0x59: {  	_ =	shalt  }
0x5a: {  	_ =	shalt  }
0x5b: {  	_ =	shalt  }
0x5c: {  	_ =	shalt  }
0x5d: {  	_ =	shalt  }
0x5e: {  	_ =	shalt  }
0x5f: {  	_ =	shalt  }
0x60: {  	_ =	shalt  }
0x61: {  	_ =	shalt  }
0x62: {  	_ =	shalt  }
0x63: {  	_ =	shalt  }
0x64: {  	_ =	shalt  }
0x65: {  	_ =	shalt  }
0x66: {  	_ =	shalt  }
0x67: {  	_ =	shalt  }
0x68: {  	_ =	shalt  }
0x69: {  	_ =	shalt  }
0x6a: {  	_ =	shalt  }
0x6b: {  	_ =	shalt  }
0x6c: {  	_ =	shalt  }
0x6d: {  	_ =	shalt  }
0x6e: {  	_ =	shalt  }
0x6f: {  	_ =	shalt  }
0x70: {  	_ =	shalt  }
0x71: {  	_ =	shalt  }
0x72: {  	_ =	shalt  }
0x73: {  	_ =	shalt  }
0x74: {  	_ =	shalt  }
0x75: {  	_ =	shalt  }
0x76: {  	_ =	shalt  }
0x77: {  	_ =	shalt  }
0x78: {  	_ =	shalt  }
0x79: {  	_ =	shalt  }
0x7a: {  	_ =	shalt  }
0x7b: {  	_ =	shalt  }
0x7c: {  	_ =	shalt  }
0x7d: {  	_ =	shalt  }
0x7e: {  	_ =	shalt  }
0x7f: {  	_ =	shalt  }
0x80: {  	_ =	shalt  }
0x81: {  	_ =	shalt  }
0x82: {  	_ =	shalt  }
0x83: {  	_ =	shalt  }
0x84: {  	_ =	shalt  }
0x85: {  	_ =	shalt  }
0x86: {  	_ =	shalt  }
0x87: {  	_ =	shalt  }
.Lfunc_end0:
.L_simem_size_0:
called_computation.1_lowered:
.L_overlay_start_0:
0x88: {  	s2 =	sld [smem:$0x3FD9]  }
0x89: {  	s3 =	sld [smem:$0x3FFE];
	_ =	sdelay $0x1  }
0x8a: {  	s1 =	srdreg.scid  }
0x8b: {  	s0 =	sand.u32 $0x1, s1  }
0x8c: {  	s16 =	sshll.u32 s0, $0xA;
	s2 =	sadd.s32 s3, s2  }
0x8d: {  	s2 =	sadd.s32 s2, s16  }
0x8e: {  	[smem:$0x3FBF] =	sst s2  }
0x8f: {  	_ = 	snop  }
0x90: {  	(tm) =	ssettm $0x1  }
0x91: {  	s17 =	sld [smem:$0x3FFB];
	_ =	sdelay $0x3  }
0x92: {  	_ =	strace s17  }
0x93: {  	s2 =	sld [smem:$0x3FFC];
	_ =	sdelay $0x3  }
0x94: {  	_ =	strace s2  }
0x95: {  	s2 =	sld [smem:$0x3FFD];
	_ =	sdelay $0x3  }
0x96: {  	_ =	strace s2  }
0x97: {  	_ =	strace $0x8FFFFFFF  }
0x98: {  	s18 =	sld [smem:$0x3FDB];
	_ =	sdelay $0x1  }
0x99: {  	s19 =	simm.s32 $_scs_section_size  }
0x9a: {  	s4 =	simm.s32 $_size__tile_overlayer_lowered;
	s5 =	simm.s32 $_tile_overlayer_lowered  }
0x9b: {  	s22 =	simm.s32 $0x1BFF;
	s21 =	sshll.u32 s5, $0x1;
	s2 =	sadd.s32 s19, s18  }
0x9c: {  	s6 =	simm.s32 $0x0;
	s20 =	sshll.u32 s4, $0x1;
	s4 =	sadd.s32 s21, s2  }
0x9d: {  	[timem:s6], [sflag:s22] =	dma.local [hbm:s4], s20  }
0x9e: {  	_ =	swait.ge [sflag:s22], s20  }
0x9f: {  	s3 =	ssub.s32 $0x0, s20;
	[sflag:s22] =	ssyncset.done $0x0  }
0xa0: {  	[sflag:s22] =	ssyncadd.s32 s3;
	_ =	sdelay $0x1  }
0xa1: {  	s23 =	simm.s32 $0x1B8B  }
0xa2: {  	_ =	swait.ge [sflag:s23], $0x1  }
0xa3: {  	[sflag:s23] =	ssyncset.done $0x0  }
0xa4: {  	s25 =	simm.s32 $0x1B8E;
	s24 =	sld [smem:$0x3FFE];
	[sflag:s23] =	ssyncadd.s32 $0xFFFFFFFF  }
0xa5: {  	s26 =	simm.s32 $execute0_lowered;
	[smem:$0x3FD2] =	sst s25  }
0xa6: {  	s4 =	sshll.u32 s26, $0x1;
	_ =	strace $0x80000049;
	[dreg:$0x1] =	wrdreg $0xFFFFFFFF  }
0xa7: {  	s28 =	simm.s32 $_size_execute0_lowered;
	s2 =	sadd.s32 s2, s4;
	[dreg:$0x0] =	wrdreg $0x0  }
0xa8: {  	s4 =	sshll.u32 s28, $0x1;
	[dreg:$0x2] =	wrdreg s2  }
0xa9: {  	[dreg:$0x3] =	wrdreg s4  }
0xaa: {  	[dreg:$0x4] =	wrdreg $0xC0  }
0xab: {  	_ =	task [dreg:s6], $0x5FFFF  }
0xac: {  	[dreg:$0x1] =	wrdreg $0xFFFFFFFF  }
0xad: {  	[dreg:$0x0] =	wrdreg $0x60  }
0xae: {  	[dreg:$0x2] =	wrdreg s24  }
0xaf: {  	[dreg:$0x3] =	wrdreg $0x0  }
0xb0: {  	[dreg:$0x4] =	wrdreg $0x28000  }
0xb1: {  	[dreg:$0x5] =	wrdreg $0x9  }
0xb2: {  	_ =	task.clear_ibuf [dreg:s6], $0x6FFFF;
	_ =	strace $0x90000049  }
0xb3: {  	s29 =	simm.s32 $0x9;
	_ =	strace $0x8000004B  }
0xb4: {  	_ =	swait.ge [sflag:s29], $0x1  }
0xb5: {  	[sflag:s29] =	ssyncadd.s32 $0xFFFFFFFF  }
0xb6: {  	_ =	strace $0x9000004B  }
0xb7: {  	_ =	sfence  }
0xb8: {  	s30 =	sld [smem:$0x0];
	_ =	sdelay $0x2  }
0xb9: {  	s31 =	sshll.u32 s1, $0xD;
	s1 =	sshrl.u32 s1, $0x2  }
0xba: {  	s3 =	sand.u32 $0x4000, s31;
	s1 =	sadd.s32 s1, s30  }
0xbb: {  	s0 =	sor.u32 s3, s0;
	s1 =	sshll.u32 s1, $0x11  }
0xbc: {  	s0 =	sor.u32 s1, s0  }
0xbd: {  	s0 =	sadd.s32 $0x8F2B, s0  }
0xbe: {  	[sflag:s0] =	ssyncadd.remote.s32 $0x1  }
0xbf: {  	_ =	sfence.sel $0xFFFF  }
0xc0: {  	[dreg:$0x0] =	wrdreg $0xFFFFFFFF;
	(pc) =	sbr.abs _section_cstart, $3  }
0xc1: {  	[dreg:$0x1] =	wrdreg $0xFFFFFFFF  }
0xc2: {  	_ =	task.clear_ibuf [dreg:s6], $0x2FFFF;
	_ =	strace $0x9FFFFFFF  }
0xc3: {  	(tm) =	ssettm $0x7FFFFFFF  }
tec
execute0_lowered:
.L_overlay_start_1:
0x0: {  	(tag) =	ssettag $0x1  }
0x1: {  	s1 =	rddreg [dreg:$0x0]  }
0x2: {  	s0 =	srdreg.scid;
	s2 =	rddreg [dreg:$0x1]  }
0x3: {  	s6 =	stileid.u32;
	s3 =	rddreg [dreg:$0x2];
	s28 =	simm.s32 $0x3  }
0x4: {  	s29 =	simm.s32 $0x8;
	s30 =	simm.s32 $0xEC40;
	s0 =	sand.u32 $0x1, s0  }
0x5: {  	s31 =	simm.s32 $0x5;
	s5 =	smul.u32 $0x2800, s6;
	s4 =	sshll.u32 s0, $0x4  }
0x6: {  	s8 =	smul.u32 $0x28000, s0;
	s9 =	ssub.s32 $0x2, s0;
	p0 =	seq.s32 s0, $0x0  }
0x7: {  	s0 =	simm.s32 $0x2;
	s6 =	sor.u32 s6, s4;
	s4 =	simm.s32 $0x0  }
0x8: {  	s7 =	sshrl.u32 s5, $0x3;
	s10 =	sshrl.u32 s9, $0x1;
	s23 =	sadd.s32 s5, s2  }
0x9: {  	s6 =	smul.u32 $0x2710, s6;
	[smem:$0x7FF] =	sst s4;
	s7 =	sadd.s32 s7, s1  }
0xa: {  	s8 =	sadd.s32 s5, s8;
	s20 =	ssub.s32 s9, s10;
	s9 =	sadd.s32 s5, s3  }
0xb: {  	s5 =	simm.s32 $0x7;
	s10 =	simm.s32 $0x0;
	_ =	strace $0x8000004A  }
0xc: {  	s8 =	sshrl.u32 s8, $0x3;
	s7 =	sadd.s32 $0x16800, s7;
	[dreg:$0x7] =	wrdreg s23  }
0xd: {  	s19 =	smax.u32 s20, $0x1;
	s20 =	simm.s32 $0x5000;
	s23 =	simm.s32 $0x7D0  }
0xe: {  	s6 =	sshrl.u32 s6, $0x3;
	[dreg:$0x6] =	wrdreg s7;
	s7 =	simm.s32 $0x1  }
0xf: {  	s6 =	sadd.s32 s6, s1;
	s1 =	sadd.s32 s8, s1;
	s8 =	simm.s32 $0x16940  }
0x10: {  	s21 =	sadd.s32 $0x2E00, s6;
	s22 =	sadd.s32 $0xCA40, s6;
	s24 =	sadd.s32 $0xCB3A, s6  }
0x11: {  	s25 =	sadd.s32 $0x2EFA, s6;
	s26 =	sadd.s32 $0xCC34, s6;
	s13 =	sadd.s32 $0x2FF4, s6  }
0x12: {  	s14 =	sadd.s32 $0xCD2E, s6;
	s15 =	sadd.s32 $0x30EE, s6;
	[dreg:$0x4] =	wrdreg s21  }
.Ltmp0:
0x13: {  	s16 =	sadd.s32 $0xCE28, s6;
	[dreg:$0x5] =	wrdreg s22;
	(pc) =	sbr.rel .LBB2_1-.Ltmp0, $4  }
0x14: {  	s17 =	sadd.s32 $0x31E8, s6;
	s18 =	sadd.s32 $0x1B800, s1;
	[dreg:$0x8] =	wrdreg s24  }
0x15: {  	s1 =	simm.s32 $0x4;
	s6 =	simm.s32 $0x6;
	[dreg:$0x9] =	wrdreg s25  }
0x16: {  	[dreg:$0xa] =	wrdreg s26;
	s21 =	simm.s32 $0x9;
	s22 =	simm.s32 $0x5FA0  }
0x17: {  	v0 =	vimm.f32 $0.0e+00;
	s24 =	simm.s32 $0x6F40;
	s25 =	simm.s32 $0x6770;
	s26 =	simm.s32 $0x57D0  }
.LBB2_4:
0x18: {  	[spmem:s9] =	stream.linear.scatter [tilespmem:s12], [sflag:$0x9], $0x2800, $0x38;
	[tilespmem:$0x19140] =	vst v63  }
0x19: {  	_ =	swait.ge [sflag:s21], $0x2800  }
0x1a: {  	[sflag:s21] =	ssyncset.done $0x0  }
0x1b: {  	[sflag:s21] =	ssyncadd.s32 $0xFFFFD800  }
0x1c: {  	[bflag:$0x0] =	sbarrier.arrive $0xFFFF  }
0x1d: {  	[tilespmem:s24], [sflag:$0x3] =	stream.indirect.gather [spmem:s2], $0x10, s20, s23, $0xb8;
	[tilespmem:$0x19140] =	vst v63  }
0x1e: {  	s11 =	rddreg [dreg:$0x8]  }
0x1f: {  	[tilespmem:s25], [sflag:$0x2] =	stream.linear.gather [hbm4b:s11+s4], $0x7D0, $0x38;
	[tilespmem:$0x19140] =	vst v63  }
0x20: {  	s12 =	rddreg [dreg:$0x9]  }
0x21: {  	[tilespmem:s26], [sflag:$0x8] =	stream.linear.gather [hbm4b:s12+s4], $0x7D0, $0x38;
	[tilespmem:$0x19140] =	vst v63  }
0x22: {  	_ =	swait.ge [sflag:s28], $0x7D00  }
0x23: {  	[sflag:s28] =	ssyncset.done $0x0  }
0x24: {  	[sflag:s28] =	ssyncadd.s32 $0xFFFF8300  }
0x25: {  	[spmem:s3] =	stream.indirect.scatter.add.f32 [tilespmem:s24], [sflag:$0x5], $0x10, s22, s23, $0xb8;
	[tilespmem:$0x19140] =	vst v63  }
0x26: {  	_ =	swait.ge [sflag:s29], $0x7D0  }
0x27: {  	[sflag:s29] =	ssyncset.done $0x0  }
0x28: {  	[sflag:s29] =	ssyncadd.s32 $0xFFFFF830  }
0x29: {  	[tilespmem:s30], [sflag:$0x4] =	stream.indirect.gather [spmem:s2], $0x10, s26, s23, $0xb8;
	[tilespmem:$0x19140] =	vst v63  }
0x2a: {  	_ =	swait.ge [sflag:s31], $0x7D00  }
0x2b: {  	[sflag:s31] =	ssyncset.done $0x0  }
0x2c: {  	s12 =	rddreg [dreg:$0xa];
	[sflag:s31] =	ssyncadd.s32 $0xFFFF8300  }
0x2d: {  	[tilespmem:s22], [sflag:$0x1] =	stream.linear.gather [hbm4b:s12+s4], $0x7D0, $0x38;
	[tilespmem:$0x19140] =	vst v63  }
0x2e: {  	_ = 	snop  }
0x2f: {  	[tilespmem:s20], [sflag:$0x7] =	stream.linear.gather [hbm4b:s13+s4], $0x7D0, $0x38;
	[tilespmem:$0x19140] =	vst v63  }
0x30: {  	_ =	swait.ge [sflag:s1], $0x7D00  }
0x31: {  	[sflag:s1] =	ssyncset.done $0x0  }
0x32: {  	[sflag:s1] =	ssyncadd.s32 $0xFFFF8300  }
0x33: {  	_ =	swait.ge [sflag:s0], $0x7D0  }
0x34: {  	[sflag:s0] =	ssyncset.done $0x0  }
0x35: {  	[sflag:s0] =	ssyncadd.s32 $0xFFFFF830  }
0x36: {  	[spmem:s3] =	stream.indirect.scatter.add.f32 [tilespmem:s30], [sflag:$0x6], $0x10, s25, s23, $0xb8;
	[tilespmem:$0x19140] =	vst v63  }
0x37: {  	_ =	swait.ge [sflag:s5], $0x7D0  }
0x38: {  	[sflag:s5] =	ssyncset.done $0x0  }
0x39: {  	[sflag:s5] =	ssyncadd.s32 $0xFFFFF830  }
0x3a: {  	[tilespmem:s24], [sflag:$0x3] =	stream.indirect.gather [spmem:s2], $0x10, s20, s23, $0xb8;
	[tilespmem:$0x19140] =	vst v63  }
0x3b: {  	_ =	swait.ge [sflag:s6], $0x7D00  }
0x3c: {  	[sflag:s6] =	ssyncset.done $0x0  }
0x3d: {  	[sflag:s6] =	ssyncadd.s32 $0xFFFF8300  }
0x3e: {  	[tilespmem:s25], [sflag:$0x2] =	stream.linear.gather [hbm4b:s14+s4], $0x7D0, $0x38;
	[tilespmem:$0x19140] =	vst v63  }
0x3f: {  	_ = 	snop  }
0x40: {  	[tilespmem:s26], [sflag:$0x8] =	stream.linear.gather [hbm4b:s15+s4], $0x7D0, $0x38;
	[tilespmem:$0x19140] =	vst v63  }
0x41: {  	_ =	swait.ge [sflag:s28], $0x7D00  }
0x42: {  	[sflag:s28] =	ssyncset.done $0x0  }
0x43: {  	[sflag:s28] =	ssyncadd.s32 $0xFFFF8300  }
0x44: {  	_ =	swait.ge [sflag:s7], $0x7D0  }
0x45: {  	[sflag:s7] =	ssyncset.done $0x0  }
0x46: {  	[sflag:s7] =	ssyncadd.s32 $0xFFFFF830  }
0x47: {  	[spmem:s3] =	stream.indirect.scatter.add.f32 [tilespmem:s24], [sflag:$0x5], $0x10, s22, s23, $0xb8;
	[tilespmem:$0x19140] =	vst v63  }
0x48: {  	_ =	swait.ge [sflag:s29], $0x7D0  }
0x49: {  	[sflag:s29] =	ssyncset.done $0x0  }
0x4a: {  	[sflag:s29] =	ssyncadd.s32 $0xFFFFF830  }
0x4b: {  	[tilespmem:s30], [sflag:$0x4] =	stream.indirect.gather [spmem:s2], $0x10, s26, s23, $0xb8;
	[tilespmem:$0x19140] =	vst v63  }
0x4c: {  	_ =	swait.ge [sflag:s31], $0x7D00  }
0x4d: {  	[sflag:s31] =	ssyncset.done $0x0  }
0x4e: {  	[sflag:s31] =	ssyncadd.s32 $0xFFFF8300  }
0x4f: {  	[tilespmem:s22], [sflag:$0x1] =	stream.linear.gather [hbm4b:s16+s4], $0x7D0, $0x38;
	[tilespmem:$0x19140] =	vst v63  }
0x50: {  	_ = 	snop  }
0x51: {  	[tilespmem:s20], [sflag:$0x7] =	stream.linear.gather [hbm4b:s17+s4], $0x7D0, $0x38;
	[tilespmem:$0x19140] =	vst v63  }
0x52: {  	_ =	swait.ge [sflag:s1], $0x7D00  }
0x53: {  	[sflag:s1] =	ssyncset.done $0x0  }
0x54: {  	[sflag:s1] =	ssyncadd.s32 $0xFFFF8300  }
0x55: {  	_ =	swait.ge [sflag:s0], $0x7D0  }
0x56: {  	[sflag:s0] =	ssyncset.done $0x0  }
0x57: {  	[sflag:s0] =	ssyncadd.s32 $0xFFFFF830  }
0x58: {  	[spmem:s3] =	stream.indirect.scatter.add.f32 [tilespmem:s30], [sflag:$0x6], $0x10, s25, s23, $0xb8;
	[tilespmem:$0x19140] =	vst v63  }
0x59: {  	_ =	swait.ge [sflag:s5], $0x7D0  }
0x5a: {  	[sflag:s5] =	ssyncset.done $0x0  }
0x5b: {  	[sflag:s5] =	ssyncadd.s32 $0xFFFFF830  }
0x5c: {  	[tilespmem:s24], [sflag:$0x3] =	stream.indirect.gather [spmem:s2], $0x10, s20, s23, $0xb8;
	[tilespmem:$0x19140] =	vst v63  }
0x5d: {  	_ =	swait.ge [sflag:s6], $0x7D00  }
0x5e: {  	[sflag:s6] =	ssyncset.done $0x0  }
0x5f: {  	[sflag:s6] =	ssyncadd.s32 $0xFFFF8300  }
0x60: {  	_ =	swait.ge [sflag:s28], $0x7D00  }
0x61: {  	[sflag:s28] =	ssyncset.done $0x0  }
0x62: {  	[sflag:s28] =	ssyncadd.s32 $0xFFFF8300  }
0x63: {  	_ =	swait.ge [sflag:s7], $0x7D0  }
0x64: {  	[sflag:s7] =	ssyncset.done $0x0  }
0x65: {  	[sflag:s7] =	ssyncadd.s32 $0xFFFFF830  }
0x66: {  	[spmem:s3] =	stream.indirect.scatter.add.f32 [tilespmem:s24], [sflag:$0x5], $0x10, s22, s23, $0xb8;
	[tilespmem:$0x19140] =	vst v63  }
0x67: {  	_ =	swait.ge [sflag:s31], $0x7D00  }
0x68: {  	[sflag:s31] =	ssyncset.done $0x0  }
0x69: {  	[sflag:s31] =	ssyncadd.s32 $0xFFFF8300  }
0x6a: {  	[bflag:$0x0] =	sbarrier.arrive $0xFFFF  }
0x6b: {  	[tilespmem:s8], [sflag:$0x9] =	stream.linear.gather [spmem:s9], $0x2800, $0x38;
	[tilespmem:$0x19140] =	vst v63  }
0x6c: {  	s10 =	sadd.s32 $0x1, s10;
	_ =	swait.ge [sflag:s21], $0x2800  }
0x6d: {  	p1 =	sne.s32 s10, s19;
	[sflag:s21] =	ssyncset.done $0x0  }
.Ltmp1:
0x6e: {  	[sflag:s21] =	ssyncadd.s32 $0xFFFFD800;
	(pc) =	sbr.rel @!p1 .LBB2_5-.Ltmp1, $4  }
0x6f: {  	[hbm4b:s18+s4] =	stream.linear.scatter [tilespmem:s8], [sflag:$0x9], $0x2800, $0x38;
	[tilespmem:$0x19140] =	vst v63  }
0x70: {  	_ =	swait.ge [sflag:s21], $0x2800  }
0x71: {  	[sflag:s21] =	ssyncset.done $0x0  }
0x72: {  	[sflag:s21] =	ssyncadd.s32 $0xFFFFD800  }
.LBB2_1:
0x73: {  	s11 =	rddreg [dreg:$0x4]  }
0x74: {  	[tilespmem:s20], [sflag:$0x9] =	stream.linear.gather [hbm4b:s11+s4], $0x7D0, $0x38;
	[tilespmem:$0x19140] =	vst v63  }
0x75: {  	_ =	swait.ge [sflag:s21], $0x7D0  }
0x76: {  	[sflag:s21] =	ssyncset.done $0x0  }
0x77: {  	s12 =	rddreg [dreg:$0x5];
	[sflag:s21] =	ssyncadd.s32 $0xFFFFF830  }
0x78: {  	[tilespmem:s22], [sflag:$0x9] =	stream.linear.gather [hbm4b:s12+s4], $0x7D0, $0x38;
	[tilespmem:$0x19140] =	vst v63  }
0x79: {  	_ =	swait.ge [sflag:s21], $0x7D0  }
0x7a: {  	[sflag:s21] =	ssyncset.done $0x0  }
0x7b: {  	s12 =	rddreg [dreg:$0x6];
	[sflag:s21] =	ssyncadd.s32 $0xFFFFF830  }
0x7c: {  	[tilespmem:s8], [sflag:$0x9] =	stream.linear.gather [hbm4b:s12+s4], $0x2800, $0x38;
	[tilespmem:$0x19140] =	vst v63  }
0x7d: {  	_ =	swait.ge [sflag:s21], $0x2800  }
0x7e: {  	[sflag:s21] =	ssyncset.done $0x0  }
.Ltmp2:
0x7f: {  	s12 =	rddreg [dreg:$0x7];
	[sflag:s21] =	ssyncadd.s32 $0xFFFFD800;
	(pc) =	sbr.rel @p0 .LBB2_4-.Ltmp2, $4  }
0x80: {  	[spmem:s12] =	stream.linear.scatter [tilespmem:s8], [sflag:$0x9], $0x2800, $0x38;
	[tilespmem:$0x19140] =	vst v63  }
0x81: {  	_ =	swait.ge [sflag:s21], $0x2800  }
0x82: {  	[sflag:s21] =	ssyncset.done $0x0  }
0x83: {  	s11 =	simm.s32 $0x0;
	s12 =	simm.s32 $0x16940;
	[sflag:s21] =	ssyncadd.s32 $0xFFFFD800  }
.LBB2_2:
0x84: {  	p1 =	sne.s32 s11, $0x9FC0  }
.Ltmp3:
0x85: {  	_ = 	snop;
	(pc) =	sbr.rel @p1 .LBB2_2-.Ltmp3, $3  }
0x86: {  	_ =	sdelay $0x1  }
0x87: {  	s12 =	sshra.s32 s11, $0x2  }
0x88: {  	s11 =	sadd.s32 $0x40, s11;
	[tilespmem:s12+$0x6F40] =	vst v0  }
.Ltmp4:
0x89: {  	(pc) =	sbr.rel .LBB2_4-.Ltmp4, $2  }
0x8a: {  	_ =	sdelay $0x2  }
0x8b: {  	s12 =	simm.s32 $0x6F40  }
.LBB2_5:
0x8c: {  	_ =	sfence.sel $0x180000  }
0x8d: {  	[bflag:$0x0] =	sbarrier.arrive $0xFFFF  }
0x8e: {  	_ =	strace $0x9000004A  }
0x8f: {  	s0 =	stileid.u32;
	[bflag:$0x2] =	sbarrier.arrive $0xFFFF  }
0x90: {  	p0 =	sne.s32 s0, $0x0;
	s0 =	rddreg [dreg:$0x3]  }
0x91: {  	s0 =	sadd.s32 @!p0 $0x100000, s0  }
0x92: {  	[sflag:s0] =	ssyncadd.tile.s32 @!p0 $0x1;
	_ =	shalt  }
.Lfunc_end2:
_tile_overlayer_lowered:
.L_overlay_start_2:
0x93: {  	(tag) =	ssettag $0x2  }
0x94: {  	s0 =	rddreg [dreg:$0x0];
	s2 =	stileid.u32  }
0x95: {  	s1 =	rddreg [dreg:$0x1];
	p0 =	sne.s32 s2, $0x0  }
0x96: {  	s3 =	rddreg [dreg:$0x2];
	[bflag:$0x3] =	sbarrier.arrive $0xFFFF;
	s2 =	simm.s32 @!p0 $0x1C09  }
0x97: {  	[timem:s3], [sflag:s2] =	dma.local @!p0 [hbm:s0], s1  }
0x98: {  	s0 =	simm.s32 @!p0 $0x9  }
0x99: {  	_ =	swait.ge @!p0 [sflag:s0], s1  }
0x9a: {  	s1 =	ssub.s32 @!p0 $0x0, s1;
	[sflag:s0] =	ssyncset.done @!p0 $0x0  }
0x9b: {  	[sflag:s0] =	ssyncadd.s32 @!p0 s1  }
0x9c: {  	[bflag:$0x3] =	sbarrier.arrive $0xFFFF  }
0x9d: {  	_ =	shalt  }

// kernel: kernel.15.cloned.1.call-start
scs
__scs_entry_jumppad:
0x0: {  	(pc) =	sbr.rel $0x88, $3  }
0x1: {  	(tag) =	ssettag $0x0;
	lr =	simm.s32 $0x1  }
0x2: {  	[smem:$0x3F98] =	sst lr;
	_ =	strace $0xD0000000  }
0x3: {  	_ = 	snop  }
0x4: {  	_ = 	snop  }
0x5: {  	_ = 	snop  }
0x6: {  	_ = 	snop  }
0x7: {  	_ = 	snop  }
__scs_overlays_trampoline_lowered:
0x8: {  	[smem:$0x3FA7] =	sst s0  }
0x9: {  	[smem:$0x3FA8] =	sst s1  }
0xa: {  	[smem:$0x3FA9] =	sst s2  }
0xb: {  	[smem:$0x3FAA] =	sst s3  }
0xc: {  	[smem:$0x3FAB] =	sst s4  }
0xd: {  	[smem:$0x3FAC] =	sst s5  }
0xe: {  	[smem:$0x3FAD] =	sst s6  }
0xf: {  	[smem:$0x3FAE] =	sst s7  }
0x10: {  	[smem:$0x3FAF] =	sst s8  }
0x11: {  	[smem:$0x3FB0] =	sst s9;
	s0 =	simm.s32 @!p0 $0x0  }
0x12: {  	s1 =	sld [smem:$0x3F96];
	s0 =	simm.s32 @p0 $0x1  }
0x13: {  	[smem:$0x3FB1] =	sst s0;
	s0 =	simm.s32 @!p1 $0x0  }
0x14: {  	s2 =	sld [smem:$0x3F95];
	s0 =	simm.s32 @p1 $0x1  }
0x15: {  	[smem:$0x3FB2] =	sst s0;
	s0 =	simm.s32 @!p2 $0x0  }
0x16: {  	s3 =	sld [smem:$0x3FDB];
	s0 =	simm.s32 @p2 $0x1  }
0x17: {  	s4 =	simm.s32 $0x1BF5;
	[smem:$0x3FB4] =	sst s0  }
0x18: {  	s0 =	sld [smem:$0x3F97];
	_ =	swait.ge [sflag:s4], $0x0  }
0x19: {  	s7 =	sld [smem:$0x3F98]  }
0x1a: {  	s8 =	sadd.s32 $0xFFFFE003, lr  }
0x1b: {  	s9 =	sadd.s32 $0xFFFFFEF7, lr;
	s5 =	simm.s32 $0xFFFFFFFF;
	p2 =	slt.u32 s8, $0xFFFFF086  }
0x1c: {  	p1 =	slt.u32 s9, $0xF7A;
	s5 =	simm.s32 @!p2 $0x0  }
0x1d: {  	s5 =	simm.s32 @p1 $0x1;
	p0 =	seq.s32 s7, s2  }
0x1e: {  	s7 =	smul.u32 @!p0 $0xF7A, s2;
	p2 =	seq.s32 @!p0 s5, $0x0  }
0x1f: {  	s9 =	smul.u32 $0xF7A, s1;
	s8 =	simm.s32 @!p0 $0x1BF5;
	p2 =	por !p2, p0  }
0x20: {  	[sflag:s8] =	ssyncset.s32 @!p0 $0xFFFFF086;
	s6 =	sadd.s32 @!p0 s3, s7;
	s7 =	simm.s32 @!p0 $0x108  }
0x21: {  	s3 =	sadd.s32 s3, s9;
	s6 =	sadd.s32 @!p0 $0x88, s6;
	s7 =	simm.s32 @p2 $0x1082  }
0x22: {  	[simem:s7], [sflag:s8] =	dma.local @!p0 [hbm:s6], $0xF7A  }
0x23: {  	s9 =	sor.u32 $0xD0000000, s2;
	s6 =	simm.s32 $0x108;
	_ =	swait.ge @!p0 [sflag:s8], $0x0  }
0x24: {  	s3 =	sadd.s32 $0x88, s3;
	s6 =	simm.s32 @!p1 $0x1082;
	[sflag:s4] =	ssyncset.s32 $0xFFFFF086  }
0x25: {  	[simem:s6], [sflag:s4] =	dma.local [hbm:s3], $0xF7A  }
0x26: {  	[smem:$0x3F98] =	sst s1;
	(tag) =	ssettag s2;
	_ =	strace s9  }
0x27: {  	s1 =	sld [smem:$0x3FA8]  }
0x28: {  	s2 =	sld [smem:$0x3FA9]  }
0x29: {  	s4 =	sld [smem:$0x3FAB]  }
0x2a: {  	p0 =	seq.s32 s5, $0x0;
	s5 =	sld [smem:$0x3FAC]  }
0x2b: {  	s6 =	sld [smem:$0x3FAD]  }
0x2c: {  	s7 =	sld [smem:$0x3FAE]  }
0x2d: {  	s3 =	simm.s32 $0x108;
	s8 =	sld [smem:$0x3FAF]  }
0x2e: {  	s3 =	simm.s32 @!p0 $0x1082;
	s9 =	sld [smem:$0x3FB0]  }
0x2f: {  	lr =	sadd.s32 s0, s3;
	s0 =	sld [smem:$0x3FA7]  }
0x30: {  	s3 =	sld [smem:$0x3FAA]  }
0x31: {  	[smem:$0x3FB3] =	sst s10  }
0x32: {  	s10 =	sld [smem:$0x3FB1];
	_ =	sdelay $0x3  }
0x33: {  	p0 =	seq.s32 s10, $0x1;
	s10 =	sld [smem:$0x3FB3];
	_ =	sdelay $0x3  }
0x34: {  	[smem:$0x3FB3] =	sst s10  }
0x35: {  	s10 =	sld [smem:$0x3FB2];
	_ =	sdelay $0x3  }
0x36: {  	p1 =	seq.s32 s10, $0x1;
	s10 =	sld [smem:$0x3FB3];
	_ =	sdelay $0x3  }
0x37: {  	[smem:$0x3FB3] =	sst s10  }
0x38: {  	s10 =	sld [smem:$0x3FB4]  }
0x39: {  	_ = 	snop;
	(pc) =	sbr.ind lr, $3  }
0x3a: {  	_ = 	snop  }
0x3b: {  	_ = 	snop  }
0x3c: {  	p2 =	seq.s32 s10, $0x1;
	s10 =	sld [smem:$0x3FB3]  }
0x3d: {  	_ =	shalt  }
0x3e: {  	_ =	shalt  }
0x3f: {  	_ =	shalt  }
0x40: {  	_ =	shalt  }
0x41: {  	_ =	shalt  }
0x42: {  	_ =	shalt  }
0x43: {  	_ =	shalt  }
0x44: {  	_ =	shalt  }
0x45: {  	_ =	shalt  }
0x46: {  	_ =	shalt  }
0x47: {  	_ =	shalt  }
0x48: {  	_ =	shalt  }
0x49: {  	_ =	shalt  }
0x4a: {  	_ =	shalt  }
0x4b: {  	_ =	shalt  }
0x4c: {  	_ =	shalt  }
0x4d: {  	_ =	shalt  }
0x4e: {  	_ =	shalt  }
0x4f: {  	_ =	shalt  }
0x50: {  	_ =	shalt  }
0x51: {  	_ =	shalt  }
0x52: {  	_ =	shalt  }
0x53: {  	_ =	shalt  }
0x54: {  	_ =	shalt  }
0x55: {  	_ =	shalt  }
0x56: {  	_ =	shalt  }
0x57: {  	_ =	shalt  }
0x58: {  	_ =	shalt  }
0x59: {  	_ =	shalt  }
0x5a: {  	_ =	shalt  }
0x5b: {  	_ =	shalt  }
0x5c: {  	_ =	shalt  }
0x5d: {  	_ =	shalt  }
0x5e: {  	_ =	shalt  }
0x5f: {  	_ =	shalt  }
0x60: {  	_ =	shalt  }
0x61: {  	_ =	shalt  }
0x62: {  	_ =	shalt  }
0x63: {  	_ =	shalt  }
0x64: {  	_ =	shalt  }
0x65: {  	_ =	shalt  }
0x66: {  	_ =	shalt  }
0x67: {  	_ =	shalt  }
0x68: {  	_ =	shalt  }
0x69: {  	_ =	shalt  }
0x6a: {  	_ =	shalt  }
0x6b: {  	_ =	shalt  }
0x6c: {  	_ =	shalt  }
0x6d: {  	_ =	shalt  }
0x6e: {  	_ =	shalt  }
0x6f: {  	_ =	shalt  }
0x70: {  	_ =	shalt  }
0x71: {  	_ =	shalt  }
0x72: {  	_ =	shalt  }
0x73: {  	_ =	shalt  }
0x74: {  	_ =	shalt  }
0x75: {  	_ =	shalt  }
0x76: {  	_ =	shalt  }
0x77: {  	_ =	shalt  }
0x78: {  	_ =	shalt  }
0x79: {  	_ =	shalt  }
0x7a: {  	_ =	shalt  }
0x7b: {  	_ =	shalt  }
0x7c: {  	_ =	shalt  }
0x7d: {  	_ =	shalt  }
0x7e: {  	_ =	shalt  }
0x7f: {  	_ =	shalt  }
0x80: {  	_ =	shalt  }
0x81: {  	_ =	shalt  }
0x82: {  	_ =	shalt  }
0x83: {  	_ =	shalt  }
0x84: {  	_ =	shalt  }
0x85: {  	_ =	shalt  }
0x86: {  	_ =	shalt  }
0x87: {  	_ =	shalt  }
.Lfunc_end0:
.L_simem_size_0:
called_computation.2_lowered:
.L_overlay_start_0:
0x88: {  	s2 =	sld [smem:$0x3FD9]  }
0x89: {  	s3 =	sld [smem:$0x3FFE];
	_ =	sdelay $0x1  }
0x8a: {  	s1 =	srdreg.scid  }
0x8b: {  	s0 =	sand.u32 $0x1, s1  }
0x8c: {  	s16 =	sshll.u32 s0, $0xA;
	s2 =	sadd.s32 s3, s2  }
0x8d: {  	s2 =	sadd.s32 s2, s16  }
0x8e: {  	[smem:$0x3FBF] =	sst s2  }
0x8f: {  	_ = 	snop  }
0x90: {  	(tm) =	ssettm $0x1  }
0x91: {  	s17 =	sld [smem:$0x3FFB];
	_ =	sdelay $0x3  }
0x92: {  	_ =	strace s17  }
0x93: {  	s2 =	sld [smem:$0x3FFC];
	_ =	sdelay $0x3  }
0x94: {  	_ =	strace s2  }
0x95: {  	s2 =	sld [smem:$0x3FFD];
	_ =	sdelay $0x3  }
0x96: {  	_ =	strace s2  }
0x97: {  	_ =	strace $0x8FFFFFFF  }
0x98: {  	s18 =	sld [smem:$0x3FDB];
	_ =	sdelay $0x1  }
0x99: {  	s19 =	simm.s32 $_scs_section_size  }
0x9a: {  	s4 =	simm.s32 $_size__tile_overlayer_lowered;
	s5 =	simm.s32 $_tile_overlayer_lowered  }
0x9b: {  	s22 =	simm.s32 $0x1BFF;
	s21 =	sshll.u32 s5, $0x1;
	s2 =	sadd.s32 s19, s18  }
0x9c: {  	s6 =	simm.s32 $0x0;
	s20 =	sshll.u32 s4, $0x1;
	s4 =	sadd.s32 s21, s2  }
0x9d: {  	[timem:s6], [sflag:s22] =	dma.local [hbm:s4], s20  }
0x9e: {  	_ =	swait.ge [sflag:s22], s20  }
0x9f: {  	s3 =	ssub.s32 $0x0, s20;
	[sflag:s22] =	ssyncset.done $0x0  }
0xa0: {  	[sflag:s22] =	ssyncadd.s32 s3;
	_ =	sdelay $0x1  }
0xa1: {  	s23 =	simm.s32 $0x1B8B  }
0xa2: {  	_ =	swait.ge [sflag:s23], $0x1  }
0xa3: {  	[sflag:s23] =	ssyncset.done $0x0  }
0xa4: {  	s25 =	simm.s32 $0x1B8E;
	s24 =	sld [smem:$0x3FFE];
	[sflag:s23] =	ssyncadd.s32 $0xFFFFFFFF  }
0xa5: {  	s26 =	simm.s32 $execute0_lowered;
	[smem:$0x3FD2] =	sst s25  }
0xa6: {  	s4 =	sshll.u32 s26, $0x1;
	_ =	strace $0x8000004C;
	[dreg:$0x1] =	wrdreg $0xFFFFFFFF  }
0xa7: {  	s28 =	simm.s32 $_size_execute0_lowered;
	s2 =	sadd.s32 s2, s4;
	[dreg:$0x0] =	wrdreg $0x0  }
0xa8: {  	s4 =	sshll.u32 s28, $0x1;
	[dreg:$0x2] =	wrdreg s2  }
0xa9: {  	[dreg:$0x3] =	wrdreg s4  }
0xaa: {  	[dreg:$0x4] =	wrdreg $0xC0  }
0xab: {  	_ =	task [dreg:s6], $0x5FFFF  }
0xac: {  	[dreg:$0x1] =	wrdreg $0xFFFFFFFF  }
0xad: {  	[dreg:$0x0] =	wrdreg $0x60  }
0xae: {  	[dreg:$0x2] =	wrdreg s24  }
0xaf: {  	[dreg:$0x3] =	wrdreg $0x0  }
0xb0: {  	[dreg:$0x4] =	wrdreg $0x28000  }
0xb1: {  	[dreg:$0x5] =	wrdreg $0x9  }
0xb2: {  	_ =	task.clear_ibuf [dreg:s6], $0x6FFFF;
	_ =	strace $0x9000004C  }
0xb3: {  	s29 =	simm.s32 $0x9;
	_ =	strace $0x8000004E  }
0xb4: {  	_ =	swait.ge [sflag:s29], $0x1  }
0xb5: {  	[sflag:s29] =	ssyncadd.s32 $0xFFFFFFFF  }
0xb6: {  	_ =	strace $0x9000004E  }
0xb7: {  	_ =	sfence  }
0xb8: {  	s30 =	sld [smem:$0x0];
	_ =	sdelay $0x2  }
0xb9: {  	s31 =	sshll.u32 s1, $0xD;
	s1 =	sshrl.u32 s1, $0x2  }
0xba: {  	s3 =	sand.u32 $0x4000, s31;
	s1 =	sadd.s32 s1, s30  }
0xbb: {  	s0 =	sor.u32 s3, s0;
	s1 =	sshll.u32 s1, $0x11  }
0xbc: {  	s0 =	sor.u32 s1, s0  }
0xbd: {  	s0 =	sadd.s32 $0x8F2B, s0  }
0xbe: {  	[sflag:s0] =	ssyncadd.remote.s32 $0x1  }
0xbf: {  	_ =	sfence.sel $0xFFFF  }
0xc0: {  	[dreg:$0x0] =	wrdreg $0xFFFFFFFF;
	(pc) =	sbr.abs _section_cstart, $3  }
0xc1: {  	[dreg:$0x1] =	wrdreg $0xFFFFFFFF  }
0xc2: {  	_ =	task.clear_ibuf [dreg:s6], $0x2FFFF;
	_ =	strace $0x9FFFFFFF  }
0xc3: {  	(tm) =	ssettm $0x7FFFFFFF  }
tec
execute0_lowered:
.L_overlay_start_1:
0x0: {  	(tag) =	ssettag $0x1  }
0x1: {  	s1 =	rddreg [dreg:$0x0]  }
0x2: {  	s0 =	srdreg.scid;
	s2 =	rddreg [dreg:$0x1]  }
0x3: {  	s6 =	stileid.u32;
	s3 =	rddreg [dreg:$0x2];
	s28 =	simm.s32 $0x3  }
0x4: {  	s29 =	simm.s32 $0x8;
	s30 =	simm.s32 $0xEC40;
	s0 =	sand.u32 $0x1, s0  }
0x5: {  	s31 =	simm.s32 $0x5;
	s5 =	smul.u32 $0x2800, s6;
	s4 =	sshll.u32 s0, $0x4  }
0x6: {  	s8 =	smul.u32 $0x28000, s0;
	s9 =	ssub.s32 $0x2, s0;
	p0 =	seq.s32 s0, $0x0  }
0x7: {  	s0 =	simm.s32 $0x2;
	s6 =	sor.u32 s6, s4;
	s4 =	simm.s32 $0x0  }
0x8: {  	s7 =	sshrl.u32 s5, $0x3;
	s10 =	sshrl.u32 s9, $0x1;
	s23 =	sadd.s32 s5, s2  }
0x9: {  	s6 =	smul.u32 $0x2710, s6;
	[smem:$0x7FF] =	sst s4;
	s7 =	sadd.s32 s7, s1  }
0xa: {  	s8 =	sadd.s32 s5, s8;
	s20 =	ssub.s32 s9, s10;
	s9 =	sadd.s32 s5, s3  }
0xb: {  	s5 =	simm.s32 $0x7;
	s10 =	simm.s32 $0x0;
	_ =	strace $0x8000004D  }
0xc: {  	s8 =	sshrl.u32 s8, $0x3;
	s7 =	sadd.s32 $0x16800, s7;
	[dreg:$0x7] =	wrdreg s23  }
0xd: {  	s19 =	smax.u32 s20, $0x1;
	s20 =	simm.s32 $0x5000;
	s23 =	simm.s32 $0x7D0  }
0xe: {  	s6 =	sshrl.u32 s6, $0x3;
	[dreg:$0x6] =	wrdreg s7;
	s7 =	simm.s32 $0x1  }
0xf: {  	s6 =	sadd.s32 s6, s1;
	s1 =	sadd.s32 s8, s1;
	s8 =	simm.s32 $0x16940  }
0x10: {  	s21 =	sadd.s32 $0x2E00, s6;
	s22 =	sadd.s32 $0xCA40, s6;
	s24 =	sadd.s32 $0xCB3A, s6  }
0x11: {  	s25 =	sadd.s32 $0x2EFA, s6;
	s26 =	sadd.s32 $0xCC34, s6;
	s13 =	sadd.s32 $0x2FF4, s6  }
0x12: {  	s14 =	sadd.s32 $0xCD2E, s6;
	s15 =	sadd.s32 $0x30EE, s6;
	[dreg:$0x4] =	wrdreg s21  }
.Ltmp0:
0x13: {  	s16 =	sadd.s32 $0xCE28, s6;
	[dreg:$0x5] =	wrdreg s22;
	(pc) =	sbr.rel .LBB2_1-.Ltmp0, $4  }
0x14: {  	s17 =	sadd.s32 $0x31E8, s6;
	s18 =	sadd.s32 $0x1B800, s1;
	[dreg:$0x8] =	wrdreg s24  }
0x15: {  	s1 =	simm.s32 $0x4;
	s6 =	simm.s32 $0x6;
	[dreg:$0x9] =	wrdreg s25  }
0x16: {  	[dreg:$0xa] =	wrdreg s26;
	s21 =	simm.s32 $0x9;
	s22 =	simm.s32 $0x5FA0  }
0x17: {  	v0 =	vimm.f32 $0.0e+00;
	s24 =	simm.s32 $0x6F40;
	s25 =	simm.s32 $0x6770;
	s26 =	simm.s32 $0x57D0  }
.LBB2_4:
0x18: {  	[spmem:s9] =	stream.linear.scatter [tilespmem:s12], [sflag:$0x9], $0x2800, $0x38;
	[tilespmem:$0x19140] =	vst v63  }
0x19: {  	_ =	swait.ge [sflag:s21], $0x2800  }
0x1a: {  	[sflag:s21] =	ssyncset.done $0x0  }
0x1b: {  	[sflag:s21] =	ssyncadd.s32 $0xFFFFD800  }
0x1c: {  	[bflag:$0x0] =	sbarrier.arrive $0xFFFF  }
0x1d: {  	[tilespmem:s24], [sflag:$0x3] =	stream.indirect.gather [spmem:s2], $0x10, s20, s23, $0xb8;
	[tilespmem:$0x19140] =	vst v63  }
0x1e: {  	s11 =	rddreg [dreg:$0x8]  }
0x1f: {  	[tilespmem:s25], [sflag:$0x2] =	stream.linear.gather [hbm4b:s11+s4], $0x7D0, $0x38;
	[tilespmem:$0x19140] =	vst v63  }
0x20: {  	s12 =	rddreg [dreg:$0x9]  }
0x21: {  	[tilespmem:s26], [sflag:$0x8] =	stream.linear.gather [hbm4b:s12+s4], $0x7D0, $0x38;
	[tilespmem:$0x19140] =	vst v63  }
0x22: {  	_ =	swait.ge [sflag:s28], $0x7D00  }
0x23: {  	[sflag:s28] =	ssyncset.done $0x0  }
0x24: {  	[sflag:s28] =	ssyncadd.s32 $0xFFFF8300  }
0x25: {  	[spmem:s3] =	stream.indirect.scatter.add.f32 [tilespmem:s24], [sflag:$0x5], $0x10, s22, s23, $0xb8;
	[tilespmem:$0x19140] =	vst v63  }
0x26: {  	_ =	swait.ge [sflag:s29], $0x7D0  }
0x27: {  	[sflag:s29] =	ssyncset.done $0x0  }
0x28: {  	[sflag:s29] =	ssyncadd.s32 $0xFFFFF830  }
0x29: {  	[tilespmem:s30], [sflag:$0x4] =	stream.indirect.gather [spmem:s2], $0x10, s26, s23, $0xb8;
	[tilespmem:$0x19140] =	vst v63  }
0x2a: {  	_ =	swait.ge [sflag:s31], $0x7D00  }
0x2b: {  	[sflag:s31] =	ssyncset.done $0x0  }
0x2c: {  	s12 =	rddreg [dreg:$0xa];
	[sflag:s31] =	ssyncadd.s32 $0xFFFF8300  }
0x2d: {  	[tilespmem:s22], [sflag:$0x1] =	stream.linear.gather [hbm4b:s12+s4], $0x7D0, $0x38;
	[tilespmem:$0x19140] =	vst v63  }
0x2e: {  	_ = 	snop  }
0x2f: {  	[tilespmem:s20], [sflag:$0x7] =	stream.linear.gather [hbm4b:s13+s4], $0x7D0, $0x38;
	[tilespmem:$0x19140] =	vst v63  }
0x30: {  	_ =	swait.ge [sflag:s1], $0x7D00  }
0x31: {  	[sflag:s1] =	ssyncset.done $0x0  }
0x32: {  	[sflag:s1] =	ssyncadd.s32 $0xFFFF8300  }
0x33: {  	_ =	swait.ge [sflag:s0], $0x7D0  }
0x34: {  	[sflag:s0] =	ssyncset.done $0x0  }
0x35: {  	[sflag:s0] =	ssyncadd.s32 $0xFFFFF830  }
0x36: {  	[spmem:s3] =	stream.indirect.scatter.add.f32 [tilespmem:s30], [sflag:$0x6], $0x10, s25, s23, $0xb8;
	[tilespmem:$0x19140] =	vst v63  }
0x37: {  	_ =	swait.ge [sflag:s5], $0x7D0  }
0x38: {  	[sflag:s5] =	ssyncset.done $0x0  }
0x39: {  	[sflag:s5] =	ssyncadd.s32 $0xFFFFF830  }
0x3a: {  	[tilespmem:s24], [sflag:$0x3] =	stream.indirect.gather [spmem:s2], $0x10, s20, s23, $0xb8;
	[tilespmem:$0x19140] =	vst v63  }
0x3b: {  	_ =	swait.ge [sflag:s6], $0x7D00  }
0x3c: {  	[sflag:s6] =	ssyncset.done $0x0  }
0x3d: {  	[sflag:s6] =	ssyncadd.s32 $0xFFFF8300  }
0x3e: {  	[tilespmem:s25], [sflag:$0x2] =	stream.linear.gather [hbm4b:s14+s4], $0x7D0, $0x38;
	[tilespmem:$0x19140] =	vst v63  }
0x3f: {  	_ = 	snop  }
0x40: {  	[tilespmem:s26], [sflag:$0x8] =	stream.linear.gather [hbm4b:s15+s4], $0x7D0, $0x38;
	[tilespmem:$0x19140] =	vst v63  }
0x41: {  	_ =	swait.ge [sflag:s28], $0x7D00  }
0x42: {  	[sflag:s28] =	ssyncset.done $0x0  }
0x43: {  	[sflag:s28] =	ssyncadd.s32 $0xFFFF8300  }
0x44: {  	_ =	swait.ge [sflag:s7], $0x7D0  }
0x45: {  	[sflag:s7] =	ssyncset.done $0x0  }
0x46: {  	[sflag:s7] =	ssyncadd.s32 $0xFFFFF830  }
0x47: {  	[spmem:s3] =	stream.indirect.scatter.add.f32 [tilespmem:s24], [sflag:$0x5], $0x10, s22, s23, $0xb8;
	[tilespmem:$0x19140] =	vst v63  }
0x48: {  	_ =	swait.ge [sflag:s29], $0x7D0  }
0x49: {  	[sflag:s29] =	ssyncset.done $0x0  }
0x4a: {  	[sflag:s29] =	ssyncadd.s32 $0xFFFFF830  }
0x4b: {  	[tilespmem:s30], [sflag:$0x4] =	stream.indirect.gather [spmem:s2], $0x10, s26, s23, $0xb8;
	[tilespmem:$0x19140] =	vst v63  }
0x4c: {  	_ =	swait.ge [sflag:s31], $0x7D00  }
0x4d: {  	[sflag:s31] =	ssyncset.done $0x0  }
0x4e: {  	[sflag:s31] =	ssyncadd.s32 $0xFFFF8300  }
0x4f: {  	[tilespmem:s22], [sflag:$0x1] =	stream.linear.gather [hbm4b:s16+s4], $0x7D0, $0x38;
	[tilespmem:$0x19140] =	vst v63  }
0x50: {  	_ = 	snop  }
0x51: {  	[tilespmem:s20], [sflag:$0x7] =	stream.linear.gather [hbm4b:s17+s4], $0x7D0, $0x38;
	[tilespmem:$0x19140] =	vst v63  }
0x52: {  	_ =	swait.ge [sflag:s1], $0x7D00  }
0x53: {  	[sflag:s1] =	ssyncset.done $0x0  }
0x54: {  	[sflag:s1] =	ssyncadd.s32 $0xFFFF8300  }
0x55: {  	_ =	swait.ge [sflag:s0], $0x7D0  }
0x56: {  	[sflag:s0] =	ssyncset.done $0x0  }
0x57: {  	[sflag:s0] =	ssyncadd.s32 $0xFFFFF830  }
0x58: {  	[spmem:s3] =	stream.indirect.scatter.add.f32 [tilespmem:s30], [sflag:$0x6], $0x10, s25, s23, $0xb8;
	[tilespmem:$0x19140] =	vst v63  }
0x59: {  	_ =	swait.ge [sflag:s5], $0x7D0  }
0x5a: {  	[sflag:s5] =	ssyncset.done $0x0  }
0x5b: {  	[sflag:s5] =	ssyncadd.s32 $0xFFFFF830  }
0x5c: {  	[tilespmem:s24], [sflag:$0x3] =	stream.indirect.gather [spmem:s2], $0x10, s20, s23, $0xb8;
	[tilespmem:$0x19140] =	vst v63  }
0x5d: {  	_ =	swait.ge [sflag:s6], $0x7D00  }
0x5e: {  	[sflag:s6] =	ssyncset.done $0x0  }
0x5f: {  	[sflag:s6] =	ssyncadd.s32 $0xFFFF8300  }
0x60: {  	_ =	swait.ge [sflag:s28], $0x7D00  }
0x61: {  	[sflag:s28] =	ssyncset.done $0x0  }
0x62: {  	[sflag:s28] =	ssyncadd.s32 $0xFFFF8300  }
0x63: {  	_ =	swait.ge [sflag:s7], $0x7D0  }
0x64: {  	[sflag:s7] =	ssyncset.done $0x0  }
0x65: {  	[sflag:s7] =	ssyncadd.s32 $0xFFFFF830  }
0x66: {  	[spmem:s3] =	stream.indirect.scatter.add.f32 [tilespmem:s24], [sflag:$0x5], $0x10, s22, s23, $0xb8;
	[tilespmem:$0x19140] =	vst v63  }
0x67: {  	_ =	swait.ge [sflag:s31], $0x7D00  }
0x68: {  	[sflag:s31] =	ssyncset.done $0x0  }
0x69: {  	[sflag:s31] =	ssyncadd.s32 $0xFFFF8300  }
0x6a: {  	[bflag:$0x0] =	sbarrier.arrive $0xFFFF  }
0x6b: {  	[tilespmem:s8], [sflag:$0x9] =	stream.linear.gather [spmem:s9], $0x2800, $0x38;
	[tilespmem:$0x19140] =	vst v63  }
0x6c: {  	s10 =	sadd.s32 $0x1, s10;
	_ =	swait.ge [sflag:s21], $0x2800  }
0x6d: {  	p1 =	sne.s32 s10, s19;
	[sflag:s21] =	ssyncset.done $0x0  }
.Ltmp1:
0x6e: {  	[sflag:s21] =	ssyncadd.s32 $0xFFFFD800;
	(pc) =	sbr.rel @!p1 .LBB2_5-.Ltmp1, $4  }
0x6f: {  	[hbm4b:s18+s4] =	stream.linear.scatter [tilespmem:s8], [sflag:$0x9], $0x2800, $0x38;
	[tilespmem:$0x19140] =	vst v63  }
0x70: {  	_ =	swait.ge [sflag:s21], $0x2800  }
0x71: {  	[sflag:s21] =	ssyncset.done $0x0  }
0x72: {  	[sflag:s21] =	ssyncadd.s32 $0xFFFFD800  }
.LBB2_1:
0x73: {  	s11 =	rddreg [dreg:$0x4]  }
0x74: {  	[tilespmem:s20], [sflag:$0x9] =	stream.linear.gather [hbm4b:s11+s4], $0x7D0, $0x38;
	[tilespmem:$0x19140] =	vst v63  }
0x75: {  	_ =	swait.ge [sflag:s21], $0x7D0  }
0x76: {  	[sflag:s21] =	ssyncset.done $0x0  }
0x77: {  	s12 =	rddreg [dreg:$0x5];
	[sflag:s21] =	ssyncadd.s32 $0xFFFFF830  }
0x78: {  	[tilespmem:s22], [sflag:$0x9] =	stream.linear.gather [hbm4b:s12+s4], $0x7D0, $0x38;
	[tilespmem:$0x19140] =	vst v63  }
0x79: {  	_ =	swait.ge [sflag:s21], $0x7D0  }
0x7a: {  	[sflag:s21] =	ssyncset.done $0x0  }
0x7b: {  	s12 =	rddreg [dreg:$0x6];
	[sflag:s21] =	ssyncadd.s32 $0xFFFFF830  }
0x7c: {  	[tilespmem:s8], [sflag:$0x9] =	stream.linear.gather [hbm4b:s12+s4], $0x2800, $0x38;
	[tilespmem:$0x19140] =	vst v63  }
0x7d: {  	_ =	swait.ge [sflag:s21], $0x2800  }
0x7e: {  	[sflag:s21] =	ssyncset.done $0x0  }
.Ltmp2:
0x7f: {  	s12 =	rddreg [dreg:$0x7];
	[sflag:s21] =	ssyncadd.s32 $0xFFFFD800;
	(pc) =	sbr.rel @p0 .LBB2_4-.Ltmp2, $4  }
0x80: {  	[spmem:s12] =	stream.linear.scatter [tilespmem:s8], [sflag:$0x9], $0x2800, $0x38;
	[tilespmem:$0x19140] =	vst v63  }
0x81: {  	_ =	swait.ge [sflag:s21], $0x2800  }
0x82: {  	[sflag:s21] =	ssyncset.done $0x0  }
0x83: {  	s11 =	simm.s32 $0x0;
	s12 =	simm.s32 $0x16940;
	[sflag:s21] =	ssyncadd.s32 $0xFFFFD800  }
.LBB2_2:
0x84: {  	p1 =	sne.s32 s11, $0x9FC0  }
.Ltmp3:
0x85: {  	_ = 	snop;
	(pc) =	sbr.rel @p1 .LBB2_2-.Ltmp3, $3  }
0x86: {  	_ =	sdelay $0x1  }
0x87: {  	s12 =	sshra.s32 s11, $0x2  }
0x88: {  	s11 =	sadd.s32 $0x40, s11;
	[tilespmem:s12+$0x6F40] =	vst v0  }
.Ltmp4:
0x89: {  	(pc) =	sbr.rel .LBB2_4-.Ltmp4, $2  }
0x8a: {  	_ =	sdelay $0x2  }
0x8b: {  	s12 =	simm.s32 $0x6F40  }
.LBB2_5:
0x8c: {  	_ =	sfence.sel $0x180000  }
0x8d: {  	[bflag:$0x0] =	sbarrier.arrive $0xFFFF  }
0x8e: {  	_ =	strace $0x9000004D  }
0x8f: {  	s0 =	stileid.u32;
	[bflag:$0x2] =	sbarrier.arrive $0xFFFF  }
0x90: {  	p0 =	sne.s32 s0, $0x0;
	s0 =	rddreg [dreg:$0x3]  }
0x91: {  	s0 =	sadd.s32 @!p0 $0x100000, s0  }
0x92: {  	[sflag:s0] =	ssyncadd.tile.s32 @!p0 $0x1;
	_ =	shalt  }
.Lfunc_end2:
_tile_overlayer_lowered:
.L_overlay_start_2:
0x93: {  	(tag) =	ssettag $0x2  }
0x94: {  	s0 =	rddreg [dreg:$0x0];
	s2 =	stileid.u32  }
0x95: {  	s1 =	rddreg [dreg:$0x1];
	p0 =	sne.s32 s2, $0x0  }
0x96: {  	s3 =	rddreg [dreg:$0x2];
	[bflag:$0x3] =	sbarrier.arrive $0xFFFF;
	s2 =	simm.s32 @!p0 $0x1C09  }
0x97: {  	[timem:s3], [sflag:s2] =	dma.local @!p0 [hbm:s0], s1  }
0x98: {  	s0 =	simm.s32 @!p0 $0x9  }
0x99: {  	_ =	swait.ge @!p0 [sflag:s0], s1  }
0x9a: {  	s1 =	ssub.s32 @!p0 $0x0, s1;
	[sflag:s0] =	ssyncset.done @!p0 $0x0  }
0x9b: {  	[sflag:s0] =	ssyncadd.s32 @!p0 s1  }
0x9c: {  	[bflag:$0x3] =	sbarrier.arrive $0xFFFF  }
0x9d: {  	_ =	shalt  }

// kernel: kernel.9.cloned.1.call-start
scs
__scs_entry_jumppad:
0x0: {  	(pc) =	sbr.rel $0x88, $3  }
0x1: {  	(tag) =	ssettag $0x0;
	lr =	simm.s32 $0x1  }
0x2: {  	[smem:$0x3F98] =	sst lr;
	_ =	strace $0xD0000000  }
0x3: {  	_ = 	snop  }
0x4: {  	_ = 	snop  }
0x5: {  	_ = 	snop  }
0x6: {  	_ = 	snop  }
0x7: {  	_ = 	snop  }
__scs_overlays_trampoline_lowered:
0x8: {  	[smem:$0x3FA7] =	sst s0  }
0x9: {  	[smem:$0x3FA8] =	sst s1  }
0xa: {  	[smem:$0x3FA9] =	sst s2  }
0xb: {  	[smem:$0x3FAA] =	sst s3  }
0xc: {  	[smem:$0x3FAB] =	sst s4  }
0xd: {  	[smem:$0x3FAC] =	sst s5  }
0xe: {  	[smem:$0x3FAD] =	sst s6  }
0xf: {  	[smem:$0x3FAE] =	sst s7  }
0x10: {  	[smem:$0x3FAF] =	sst s8  }
0x11: {  	[smem:$0x3FB0] =	sst s9;
	s0 =	simm.s32 @!p0 $0x0  }
0x12: {  	s1 =	sld [smem:$0x3F96];
	s0 =	simm.s32 @p0 $0x1  }
0x13: {  	[smem:$0x3FB1] =	sst s0;
	s0 =	simm.s32 @!p1 $0x0  }
0x14: {  	s2 =	sld [smem:$0x3F95];
	s0 =	simm.s32 @p1 $0x1  }
0x15: {  	[smem:$0x3FB2] =	sst s0;
	s0 =	simm.s32 @!p2 $0x0  }
0x16: {  	s3 =	sld [smem:$0x3FDB];
	s0 =	simm.s32 @p2 $0x1  }
0x17: {  	s4 =	simm.s32 $0x1BF5;
	[smem:$0x3FB4] =	sst s0  }
0x18: {  	s0 =	sld [smem:$0x3F97];
	_ =	swait.ge [sflag:s4], $0x0  }
0x19: {  	s7 =	sld [smem:$0x3F98]  }
0x1a: {  	s8 =	sadd.s32 $0xFFFFE003, lr  }
0x1b: {  	s9 =	sadd.s32 $0xFFFFFEF7, lr;
	s5 =	simm.s32 $0xFFFFFFFF;
	p2 =	slt.u32 s8, $0xFFFFF086  }
0x1c: {  	p1 =	slt.u32 s9, $0xF7A;
	s5 =	simm.s32 @!p2 $0x0  }
0x1d: {  	s5 =	simm.s32 @p1 $0x1;
	p0 =	seq.s32 s7, s2  }
0x1e: {  	s7 =	smul.u32 @!p0 $0xF7A, s2;
	p2 =	seq.s32 @!p0 s5, $0x0  }
0x1f: {  	s9 =	smul.u32 $0xF7A, s1;
	s8 =	simm.s32 @!p0 $0x1BF5;
	p2 =	por !p2, p0  }
0x20: {  	[sflag:s8] =	ssyncset.s32 @!p0 $0xFFFFF086;
	s6 =	sadd.s32 @!p0 s3, s7;
	s7 =	simm.s32 @!p0 $0x108  }
0x21: {  	s3 =	sadd.s32 s3, s9;
	s6 =	sadd.s32 @!p0 $0x88, s6;
	s7 =	simm.s32 @p2 $0x1082  }
0x22: {  	[simem:s7], [sflag:s8] =	dma.local @!p0 [hbm:s6], $0xF7A  }
0x23: {  	s9 =	sor.u32 $0xD0000000, s2;
	s6 =	simm.s32 $0x108;
	_ =	swait.ge @!p0 [sflag:s8], $0x0  }
0x24: {  	s3 =	sadd.s32 $0x88, s3;
	s6 =	simm.s32 @!p1 $0x1082;
	[sflag:s4] =	ssyncset.s32 $0xFFFFF086  }
0x25: {  	[simem:s6], [sflag:s4] =	dma.local [hbm:s3], $0xF7A  }
0x26: {  	[smem:$0x3F98] =	sst s1;
	(tag) =	ssettag s2;
	_ =	strace s9  }
0x27: {  	s1 =	sld [smem:$0x3FA8]  }
0x28: {  	s2 =	sld [smem:$0x3FA9]  }
0x29: {  	s4 =	sld [smem:$0x3FAB]  }
0x2a: {  	p0 =	seq.s32 s5, $0x0;
	s5 =	sld [smem:$0x3FAC]  }
0x2b: {  	s6 =	sld [smem:$0x3FAD]  }
0x2c: {  	s7 =	sld [smem:$0x3FAE]  }
0x2d: {  	s3 =	simm.s32 $0x108;
	s8 =	sld [smem:$0x3FAF]  }
0x2e: {  	s3 =	simm.s32 @!p0 $0x1082;
	s9 =	sld [smem:$0x3FB0]  }
0x2f: {  	lr =	sadd.s32 s0, s3;
	s0 =	sld [smem:$0x3FA7]  }
0x30: {  	s3 =	sld [smem:$0x3FAA]  }
0x31: {  	[smem:$0x3FB3] =	sst s10  }
0x32: {  	s10 =	sld [smem:$0x3FB1];
	_ =	sdelay $0x3  }
0x33: {  	p0 =	seq.s32 s10, $0x1;
	s10 =	sld [smem:$0x3FB3];
	_ =	sdelay $0x3  }
0x34: {  	[smem:$0x3FB3] =	sst s10  }
0x35: {  	s10 =	sld [smem:$0x3FB2];
	_ =	sdelay $0x3  }
0x36: {  	p1 =	seq.s32 s10, $0x1;
	s10 =	sld [smem:$0x3FB3];
	_ =	sdelay $0x3  }
0x37: {  	[smem:$0x3FB3] =	sst s10  }
0x38: {  	s10 =	sld [smem:$0x3FB4]  }
0x39: {  	_ = 	snop;
	(pc) =	sbr.ind lr, $3  }
0x3a: {  	_ = 	snop  }
0x3b: {  	_ = 	snop  }
0x3c: {  	p2 =	seq.s32 s10, $0x1;
	s10 =	sld [smem:$0x3FB3]  }
0x3d: {  	_ =	shalt  }
0x3e: {  	_ =	shalt  }
0x3f: {  	_ =	shalt  }
0x40: {  	_ =	shalt  }
0x41: {  	_ =	shalt  }
0x42: {  	_ =	shalt  }
0x43: {  	_ =	shalt  }
0x44: {  	_ =	shalt  }
0x45: {  	_ =	shalt  }
0x46: {  	_ =	shalt  }
0x47: {  	_ =	shalt  }
0x48: {  	_ =	shalt  }
0x49: {  	_ =	shalt  }
0x4a: {  	_ =	shalt  }
0x4b: {  	_ =	shalt  }
0x4c: {  	_ =	shalt  }
0x4d: {  	_ =	shalt  }
0x4e: {  	_ =	shalt  }
0x4f: {  	_ =	shalt  }
0x50: {  	_ =	shalt  }
0x51: {  	_ =	shalt  }
0x52: {  	_ =	shalt  }
0x53: {  	_ =	shalt  }
0x54: {  	_ =	shalt  }
0x55: {  	_ =	shalt  }
0x56: {  	_ =	shalt  }
0x57: {  	_ =	shalt  }
0x58: {  	_ =	shalt  }
0x59: {  	_ =	shalt  }
0x5a: {  	_ =	shalt  }
0x5b: {  	_ =	shalt  }
0x5c: {  	_ =	shalt  }
0x5d: {  	_ =	shalt  }
0x5e: {  	_ =	shalt  }
0x5f: {  	_ =	shalt  }
0x60: {  	_ =	shalt  }
0x61: {  	_ =	shalt  }
0x62: {  	_ =	shalt  }
0x63: {  	_ =	shalt  }
0x64: {  	_ =	shalt  }
0x65: {  	_ =	shalt  }
0x66: {  	_ =	shalt  }
0x67: {  	_ =	shalt  }
0x68: {  	_ =	shalt  }
0x69: {  	_ =	shalt  }
0x6a: {  	_ =	shalt  }
0x6b: {  	_ =	shalt  }
0x6c: {  	_ =	shalt  }
0x6d: {  	_ =	shalt  }
0x6e: {  	_ =	shalt  }
0x6f: {  	_ =	shalt  }
0x70: {  	_ =	shalt  }
0x71: {  	_ =	shalt  }
0x72: {  	_ =	shalt  }
0x73: {  	_ =	shalt  }
0x74: {  	_ =	shalt  }
0x75: {  	_ =	shalt  }
0x76: {  	_ =	shalt  }
0x77: {  	_ =	shalt  }
0x78: {  	_ =	shalt  }
0x79: {  	_ =	shalt  }
0x7a: {  	_ =	shalt  }
0x7b: {  	_ =	shalt  }
0x7c: {  	_ =	shalt  }
0x7d: {  	_ =	shalt  }
0x7e: {  	_ =	shalt  }
0x7f: {  	_ =	shalt  }
0x80: {  	_ =	shalt  }
0x81: {  	_ =	shalt  }
0x82: {  	_ =	shalt  }
0x83: {  	_ =	shalt  }
0x84: {  	_ =	shalt  }
0x85: {  	_ =	shalt  }
0x86: {  	_ =	shalt  }
0x87: {  	_ =	shalt  }
.Lfunc_end0:
.L_simem_size_0:
called_computation_lowered:
.L_overlay_start_0:
0x88: {  	s2 =	sld [smem:$0x3FD9]  }
0x89: {  	s3 =	sld [smem:$0x3FFE];
	_ =	sdelay $0x1  }
0x8a: {  	s1 =	srdreg.scid  }
0x8b: {  	s0 =	sand.u32 $0x1, s1  }
0x8c: {  	s16 =	sshll.u32 s0, $0xA;
	s2 =	sadd.s32 s3, s2  }
0x8d: {  	s2 =	sadd.s32 s2, s16  }
0x8e: {  	[smem:$0x3FBF] =	sst s2  }
0x8f: {  	_ = 	snop  }
0x90: {  	(tm) =	ssettm $0x1  }
0x91: {  	s17 =	sld [smem:$0x3FFB];
	_ =	sdelay $0x3  }
0x92: {  	_ =	strace s17  }
0x93: {  	s2 =	sld [smem:$0x3FFC];
	_ =	sdelay $0x3  }
0x94: {  	_ =	strace s2  }
0x95: {  	s2 =	sld [smem:$0x3FFD];
	_ =	sdelay $0x3  }
0x96: {  	_ =	strace s2  }
0x97: {  	_ =	strace $0x8FFFFFFF  }
0x98: {  	s18 =	sld [smem:$0x3FDB];
	_ =	sdelay $0x1  }
0x99: {  	s19 =	simm.s32 $_scs_section_size  }
0x9a: {  	s4 =	simm.s32 $_size__tile_overlayer_lowered;
	s5 =	simm.s32 $_tile_overlayer_lowered  }
0x9b: {  	s22 =	simm.s32 $0x1BFF;
	s21 =	sshll.u32 s5, $0x1;
	s2 =	sadd.s32 s19, s18  }
0x9c: {  	s6 =	simm.s32 $0x0;
	s20 =	sshll.u32 s4, $0x1;
	s4 =	sadd.s32 s21, s2  }
0x9d: {  	[timem:s6], [sflag:s22] =	dma.local [hbm:s4], s20  }
0x9e: {  	_ =	swait.ge [sflag:s22], s20  }
0x9f: {  	s3 =	ssub.s32 $0x0, s20;
	[sflag:s22] =	ssyncset.done $0x0  }
0xa0: {  	[sflag:s22] =	ssyncadd.s32 s3;
	_ =	sdelay $0x1  }
0xa1: {  	s23 =	simm.s32 $0x1B8B  }
0xa2: {  	_ =	swait.ge [sflag:s23], $0x1  }
0xa3: {  	[sflag:s23] =	ssyncset.done $0x0  }
0xa4: {  	s25 =	simm.s32 $0x1B8E;
	s24 =	sld [smem:$0x3FFE];
	[sflag:s23] =	ssyncadd.s32 $0xFFFFFFFF  }
0xa5: {  	s26 =	simm.s32 $execute0_lowered;
	[smem:$0x3FD2] =	sst s25  }
0xa6: {  	s4 =	sshll.u32 s26, $0x1;
	_ =	strace $0x80000046;
	[dreg:$0x1] =	wrdreg $0xFFFFFFFF  }
0xa7: {  	s28 =	simm.s32 $_size_execute0_lowered;
	s2 =	sadd.s32 s2, s4;
	[dreg:$0x0] =	wrdreg $0x0  }
0xa8: {  	s4 =	sshll.u32 s28, $0x1;
	[dreg:$0x2] =	wrdreg s2  }
0xa9: {  	[dreg:$0x3] =	wrdreg s4  }
0xaa: {  	[dreg:$0x4] =	wrdreg $0xC0  }
0xab: {  	_ =	task [dreg:s6], $0x5FFFF  }
0xac: {  	[dreg:$0x1] =	wrdreg $0xFFFFFFFF  }
0xad: {  	[dreg:$0x0] =	wrdreg $0x60  }
0xae: {  	[dreg:$0x2] =	wrdreg s24  }
0xaf: {  	[dreg:$0x3] =	wrdreg $0x0  }
0xb0: {  	[dreg:$0x4] =	wrdreg $0x9  }
0xb1: {  	_ =	task.clear_ibuf [dreg:s6], $0x5FFFF;
	_ =	strace $0x90000046  }
0xb2: {  	s29 =	simm.s32 $0x9;
	_ =	strace $0x80000048  }
0xb3: {  	_ =	swait.ge [sflag:s29], $0x1  }
0xb4: {  	[sflag:s29] =	ssyncadd.s32 $0xFFFFFFFF  }
0xb5: {  	_ =	strace $0x90000048  }
0xb6: {  	_ =	sfence  }
0xb7: {  	s30 =	sld [smem:$0x0];
	_ =	sdelay $0x2  }
0xb8: {  	s31 =	sshll.u32 s1, $0xD;
	s1 =	sshrl.u32 s1, $0x2  }
0xb9: {  	s3 =	sand.u32 $0x4000, s31;
	s1 =	sadd.s32 s1, s30  }
0xba: {  	s0 =	sor.u32 s3, s0;
	s1 =	sshll.u32 s1, $0x11  }
0xbb: {  	s0 =	sor.u32 s1, s0  }
0xbc: {  	s0 =	sadd.s32 $0x8F2B, s0  }
0xbd: {  	[sflag:s0] =	ssyncadd.remote.s32 $0x1  }
0xbe: {  	_ =	sfence.sel $0xFFFF  }
0xbf: {  	[dreg:$0x0] =	wrdreg $0xFFFFFFFF;
	(pc) =	sbr.abs _section_cstart, $3  }
0xc0: {  	[dreg:$0x1] =	wrdreg $0xFFFFFFFF  }
0xc1: {  	_ =	task.clear_ibuf [dreg:s6], $0x2FFFF;
	_ =	strace $0x9FFFFFFF  }
0xc2: {  	(tm) =	ssettm $0x7FFFFFFF  }
0xc3: {  	_ =	shalt  }
tec
execute0_lowered:
.L_overlay_start_1:
0x0: {  	(tag) =	ssettag $0x1  }
0x1: {  	s5 =	rddreg [dreg:$0x0]  }
0x2: {  	s0 =	srdreg.scid;
	s2 =	rddreg [dreg:$0x1]  }
0x3: {  	s3 =	simm.s32 $0x0;
	s12 =	simm.s32 $0x1220;
	s13 =	simm.s32 $0x1  }
0x4: {  	s14 =	simm.s32 $0x280;
	s15 =	simm.s32 $0x7D0;
	s16 =	simm.s32 $0xA50  }
0x5: {  	s17 =	simm.s32 $0x14A0;
	s4 =	sand.u32 $0x1, s0;
	s0 =	stileid.u32  }
0x6: {  	s18 =	simm.s32 $0x0;
	[smem:$0x7FF] =	sst s3;
	s7 =	smul.u32 $0x28000, s4  }
0x7: {  	s1 =	sshll.u32 s4, $0x4;
	s8 =	smul.u32 $0x2800, s0;
	s4 =	ssub.s32 $0x2, s4  }
0x8: {  	s28 =	smul.u32 $0xA00, s0;
	s1 =	sor.u32 s0, s1;
	s30 =	sshrl.u32 s4, $0x1  }
0x9: {  	s6 =	smul.u32 $0x2710, s1;
	s1 =	rddreg [dreg:$0x2];
	_ =	strace $0x80000047  }
0xa: {  	s7 =	sadd.s32 s8, s7;
	s11 =	ssub.s32 s4, s30;
	s31 =	sshrl.u32 s28, $0x2  }
0xb: {  	s29 =	sshrl.u32 s7, $0x3;
	s4 =	sadd.s32 s31, s2;
	s6 =	sshrl.u32 s6, $0x3  }
0xc: {  	s11 =	smax.u32 s11, $0x1;
	s10 =	sadd.s32 s29, s5;
	s9 =	sadd.s32 s6, s5  }
0xd: {  	s10 =	sadd.s32 $0x16800, s10;
	s5 =	sadd.s32 $0xCA40, s9;
	s6 =	sadd.s32 $0xCB3A, s9  }
0xe: {  	v0 =	vimm.f32 $0.0e+00;
	v1 =	vimm.f32 $1.000000000e+00;
	s7 =	sadd.s32 $0xCC34, s9;
	s8 =	sadd.s32 $0xCD2E, s9;
	s9 =	sadd.s32 $0xCE28, s9  }
.LBB2_1:
0xf: {  	[tilespmem:$0x1220] =	vst v0  }
0x10: {  	[tilespmem:$0x1230] =	vst v0  }
0x11: {  	[tilespmem:$0x1240] =	vst v0  }
0x12: {  	[tilespmem:$0x1250] =	vst v0  }
0x13: {  	[tilespmem:$0x1260] =	vst v0  }
0x14: {  	[tilespmem:$0x1270] =	vst v0  }
0x15: {  	[tilespmem:$0x1280] =	vst v0  }
0x16: {  	[tilespmem:$0x1290] =	vst v0  }
0x17: {  	[tilespmem:$0x12A0] =	vst v0  }
0x18: {  	[tilespmem:$0x12B0] =	vst v0  }
0x19: {  	[tilespmem:$0x12C0] =	vst v0  }
0x1a: {  	[tilespmem:$0x12D0] =	vst v0  }
0x1b: {  	[tilespmem:$0x12E0] =	vst v0  }
0x1c: {  	[tilespmem:$0x12F0] =	vst v0  }
0x1d: {  	[tilespmem:$0x1300] =	vst v0  }
0x1e: {  	[tilespmem:$0x1310] =	vst v0  }
0x1f: {  	[tilespmem:$0x1320] =	vst v0  }
0x20: {  	[tilespmem:$0x1330] =	vst v0  }
0x21: {  	[tilespmem:$0x1340] =	vst v0  }
0x22: {  	[tilespmem:$0x1350] =	vst v0  }
0x23: {  	[tilespmem:$0x1360] =	vst v0  }
0x24: {  	[tilespmem:$0x1370] =	vst v0  }
0x25: {  	[tilespmem:$0x1380] =	vst v0  }
0x26: {  	[tilespmem:$0x1390] =	vst v0  }
0x27: {  	[tilespmem:$0x13A0] =	vst v0  }
0x28: {  	[tilespmem:$0x13B0] =	vst v0  }
0x29: {  	[tilespmem:$0x13C0] =	vst v0  }
0x2a: {  	[tilespmem:$0x13D0] =	vst v0  }
0x2b: {  	[tilespmem:$0x13E0] =	vst v0  }
0x2c: {  	[tilespmem:$0x13F0] =	vst v0  }
0x2d: {  	[tilespmem:$0x1400] =	vst v0  }
0x2e: {  	[tilespmem:$0x1410] =	vst v0  }
0x2f: {  	[tilespmem:$0x1420] =	vst v0  }
0x30: {  	[tilespmem:$0x1430] =	vst v0  }
0x31: {  	[tilespmem:$0x1440] =	vst v0  }
0x32: {  	[tilespmem:$0x1450] =	vst v0  }
0x33: {  	[tilespmem:$0x1460] =	vst v0  }
0x34: {  	[tilespmem:$0x1470] =	vst v0  }
0x35: {  	[tilespmem:$0x1480] =	vst v0  }
0x36: {  	[tilespmem:$0x1490] =	vst v0;
	s19 =	simm.s32 $0x40;
	s20 =	simm.s32 $0x0  }
.LBB2_2:
0x37: {  	p0 =	sne.s32 s19, $0x1F00;
	[tilespmem:s20+$0xA50] =	vst v1;
	s20 =	smov.u32 s19;
	s19 =	sadd.s32 $0x40, s19  }
.Ltmp0:
0x38: {  	(pc) =	sbr.rel @p0 .LBB2_2-.Ltmp0, $2  }
0x39: {  	_ =	sdelay $0x2  }
0x3a: {  	s20 =	sshra.s32 s20, $0x2  }
0x3b: {  	[tilespmem:s20+$0xA50] =	vst v1  }
0x3c: {  	[spmem:s4] =	stream.linear.scatter [tilespmem:s12], [sflag:$0x1], $0x280, $0x38;
	[tilespmem:$0x3CA0] =	vst v63  }
0x3d: {  	_ =	swait.ge [sflag:s13], $0x280  }
0x3e: {  	[sflag:s13] =	ssyncset.done $0x0  }
0x3f: {  	[sflag:s13] =	ssyncadd.s32 $0xFFFFFD80  }
0x40: {  	s19 =	simm.s32 $0x0;
	[bflag:$0x0] =	sbarrier.arrive $0xFFFF  }
0x41: {  	[tilespmem:s14], [sflag:$0x1] =	stream.linear.gather [hbm4b:s5+s19], $0x7D0, $0x38;
	[tilespmem:$0x3CA0] =	vst v63  }
0x42: {  	_ =	swait.ge [sflag:s13], $0x7D0  }
0x43: {  	[sflag:s13] =	ssyncset.done $0x0  }
0x44: {  	[sflag:s13] =	ssyncadd.s32 $0xFFFFF830  }
0x45: {  	[spmem:s2] =	stream.indirect.scatter.add.f32 [tilespmem:s16], [sflag:$0x1], $0x1, s14, s15, $0xb8;
	[tilespmem:$0x3CA0] =	vst v63  }
0x46: {  	_ =	swait.ge [sflag:s13], $0x7D0  }
0x47: {  	[sflag:s13] =	ssyncset.done $0x0  }
0x48: {  	[sflag:s13] =	ssyncadd.s32 $0xFFFFF830  }
0x49: {  	[tilespmem:s14], [sflag:$0x1] =	stream.linear.gather [hbm4b:s6+s19], $0x7D0, $0x38;
	[tilespmem:$0x3CA0] =	vst v63  }
0x4a: {  	_ =	swait.ge [sflag:s13], $0x7D0  }
0x4b: {  	[sflag:s13] =	ssyncset.done $0x0  }
0x4c: {  	[sflag:s13] =	ssyncadd.s32 $0xFFFFF830  }
0x4d: {  	[spmem:s2] =	stream.indirect.scatter.add.f32 [tilespmem:s16], [sflag:$0x1], $0x1, s14, s15, $0xb8;
	[tilespmem:$0x3CA0] =	vst v63  }
0x4e: {  	_ =	swait.ge [sflag:s13], $0x7D0  }
0x4f: {  	[sflag:s13] =	ssyncset.done $0x0  }
0x50: {  	[sflag:s13] =	ssyncadd.s32 $0xFFFFF830  }
0x51: {  	[tilespmem:s14], [sflag:$0x1] =	stream.linear.gather [hbm4b:s7+s19], $0x7D0, $0x38;
	[tilespmem:$0x3CA0] =	vst v63  }
0x52: {  	_ =	swait.ge [sflag:s13], $0x7D0  }
0x53: {  	[sflag:s13] =	ssyncset.done $0x0  }
0x54: {  	[sflag:s13] =	ssyncadd.s32 $0xFFFFF830  }
0x55: {  	[spmem:s2] =	stream.indirect.scatter.add.f32 [tilespmem:s16], [sflag:$0x1], $0x1, s14, s15, $0xb8;
	[tilespmem:$0x3CA0] =	vst v63  }
0x56: {  	_ =	swait.ge [sflag:s13], $0x7D0  }
0x57: {  	[sflag:s13] =	ssyncset.done $0x0  }
0x58: {  	[sflag:s13] =	ssyncadd.s32 $0xFFFFF830  }
0x59: {  	[tilespmem:s14], [sflag:$0x1] =	stream.linear.gather [hbm4b:s8+s19], $0x7D0, $0x38;
	[tilespmem:$0x3CA0] =	vst v63  }
0x5a: {  	_ =	swait.ge [sflag:s13], $0x7D0  }
0x5b: {  	[sflag:s13] =	ssyncset.done $0x0  }
0x5c: {  	[sflag:s13] =	ssyncadd.s32 $0xFFFFF830  }
0x5d: {  	[spmem:s2] =	stream.indirect.scatter.add.f32 [tilespmem:s16], [sflag:$0x1], $0x1, s14, s15, $0xb8;
	[tilespmem:$0x3CA0] =	vst v63  }
0x5e: {  	_ =	swait.ge [sflag:s13], $0x7D0  }
0x5f: {  	[sflag:s13] =	ssyncset.done $0x0  }
0x60: {  	[sflag:s13] =	ssyncadd.s32 $0xFFFFF830  }
0x61: {  	[tilespmem:s14], [sflag:$0x1] =	stream.linear.gather [hbm4b:s9+s19], $0x7D0, $0x38;
	[tilespmem:$0x3CA0] =	vst v63  }
0x62: {  	_ =	swait.ge [sflag:s13], $0x7D0  }
0x63: {  	[sflag:s13] =	ssyncset.done $0x0  }
0x64: {  	[sflag:s13] =	ssyncadd.s32 $0xFFFFF830  }
0x65: {  	[spmem:s2] =	stream.indirect.scatter.add.f32 [tilespmem:s16], [sflag:$0x1], $0x1, s14, s15, $0xb8;
	[tilespmem:$0x3CA0] =	vst v63  }
0x66: {  	_ =	swait.ge [sflag:s13], $0x7D0  }
0x67: {  	[sflag:s13] =	ssyncset.done $0x0  }
0x68: {  	[sflag:s13] =	ssyncadd.s32 $0xFFFFF830  }
0x69: {  	[bflag:$0x0] =	sbarrier.arrive $0xFFFF  }
0x6a: {  	[tilespmem:s12], [sflag:$0x1] =	stream.linear.gather [spmem:s4], $0x280, $0x38;
	[tilespmem:$0x3CA0] =	vst v63  }
0x6b: {  	_ =	swait.ge [sflag:s13], $0x280  }
0x6c: {  	[sflag:s13] =	ssyncset.done $0x0  }
0x6d: {  	s31 =	simm.s32 $0x0;
	[sflag:s13] =	ssyncadd.s32 $0xFFFFFD80  }
0x6e: {  	v2 =	vld [tilespmem:s31+$0x1220];
	_ =	sdelay $0x4  }
0x6f: {  	v3 =	vbroadcast v2, $0x0  }
0x70: {  	s19 =	simm.s32 $0x1520;
	v4 =	vbroadcast v2, $0x1  }
0x71: {  	v5 =	vbroadcast v2, $0x2;
	[tilespmem:s19+$0xFFFFFF80] =	vst v3  }
0x72: {  	v56 =	vbroadcast v2, $0x4;
	[tilespmem:s19+$0xFFFFFF90] =	vst v4  }
0x73: {  	v57 =	vbroadcast v2, $0x5;
	[tilespmem:s19+$0xFFFFFFA0] =	vst v5  }
0x74: {  	v58 =	vbroadcast v2, $0x7;
	[tilespmem:s19+$0xFFFFFFC0] =	vst v56  }
0x75: {  	v59 =	vbroadcast v2, $0x8;
	[tilespmem:s19+$0xFFFFFFD0] =	vst v57  }
0x76: {  	v60 =	vbroadcast v2, $0xA;
	[tilespmem:s19+$0xFFFFFFF0] =	vst v58  }
0x77: {  	v3 =	vbroadcast v2, $0x3;
	[tilespmem:s19+$0x0] =	vst v59  }
0x78: {  	v61 =	vbroadcast v2, $0xB;
	[tilespmem:s19+$0x20] =	vst v60  }
0x79: {  	[tilespmem:s19+$0xFFFFFFB0] =	vst v3;
	v3 =	vbroadcast v2, $0x6  }
0x7a: {  	v62 =	vbroadcast v2, $0xD;
	[tilespmem:s19+$0x30] =	vst v61  }
0x7b: {  	[tilespmem:s19+$0xFFFFFFE0] =	vst v3;
	v3 =	vbroadcast v2, $0x9  }
0x7c: {  	v63 =	vbroadcast v2, $0xE;
	[tilespmem:s19+$0x50] =	vst v62  }
0x7d: {  	[tilespmem:s19+$0x10] =	vst v3;
	v3 =	vbroadcast v2, $0xC  }
0x7e: {  	[tilespmem:s19+$0x60] =	vst v63;
	v2 =	vbroadcast v2, $0xF  }
0x7f: {  	[tilespmem:s19+$0x40] =	vst v3  }
0x80: {  	s21 =	simm.s32 $0x10;
	s20 =	simm.s32 $0x80;
	[tilespmem:s19+$0x70] =	vst v2  }
.LBB2_4:
0x81: {  	p0 =	sne.s32 s20, $0x9C0;
	v2 =	vld [tilespmem:s21+$0x1220];
	_ =	sdelay $0x4  }
0x82: {  	v3 =	vbroadcast v2, $0x0;
	v4 =	vbroadcast v2, $0x1  }
0x83: {  	s19 =	sadd.s32 $0x100, s19;
	v5 =	vbroadcast v2, $0x2;
	v6 =	vbroadcast v2, $0x3  }
0x84: {  	v7 =	vbroadcast v2, $0x5;
	[tilespmem:s19+$0xFFFFFF80] =	vst v3;
	v3 =	vbroadcast v2, $0x4  }
0x85: {  	v8 =	vbroadcast v2, $0x7;
	[tilespmem:s19+$0xFFFFFF90] =	vst v4;
	v4 =	vbroadcast v2, $0x6  }
0x86: {  	v9 =	vbroadcast v2, $0x9;
	[tilespmem:s19+$0xFFFFFFA0] =	vst v5;
	v5 =	vbroadcast v2, $0x8  }
0x87: {  	v10 =	vbroadcast v2, $0xB;
	[tilespmem:s19+$0xFFFFFFB0] =	vst v6;
	v6 =	vbroadcast v2, $0xA  }
0x88: {  	v11 =	vbroadcast v2, $0xD;
	[tilespmem:s19+$0xFFFFFFC0] =	vst v3;
	v3 =	vbroadcast v2, $0xC  }
0x89: {  	[tilespmem:s19+$0xFFFFFFD0] =	vst v7;
	v7 =	vbroadcast v2, $0xE;
	v2 =	vbroadcast v2, $0xF  }
0x8a: {  	[tilespmem:s19+$0xFFFFFFE0] =	vst v4  }
0x8b: {  	[tilespmem:s19+$0xFFFFFFF0] =	vst v8  }
0x8c: {  	[tilespmem:s19+$0x0] =	vst v5  }
0x8d: {  	[tilespmem:s19+$0x10] =	vst v9  }
0x8e: {  	[tilespmem:s19+$0x20] =	vst v6  }
.Ltmp1:
0x8f: {  	[tilespmem:s19+$0x30] =	vst v10;
	(pc) =	sbr.rel @p0 .LBB2_4-.Ltmp1, $4  }
0x90: {  	[tilespmem:s19+$0x40] =	vst v3  }
0x91: {  	[tilespmem:s19+$0x50] =	vst v11  }
0x92: {  	[tilespmem:s19+$0x60] =	vst v7  }
0x93: {  	s21 =	sshra.s32 s20, $0x2;
	s20 =	sadd.s32 $0x40, s20;
	[tilespmem:s19+$0x70] =	vst v2  }
0x94: {  	v2 =	vld [tilespmem:s21+$0x1220];
	_ =	sdelay $0x4  }
0x95: {  	v3 =	vbroadcast v2, $0x0  }
0x96: {  	s19 =	sadd.s32 $0x100, s19;
	v4 =	vbroadcast v2, $0x1  }
0x97: {  	v5 =	vbroadcast v2, $0x2;
	[tilespmem:s19+$0xFFFFFF80] =	vst v3  }
0x98: {  	v56 =	vbroadcast v2, $0x4;
	[tilespmem:s19+$0xFFFFFF90] =	vst v4  }
0x99: {  	v57 =	vbroadcast v2, $0x5;
	[tilespmem:s19+$0xFFFFFFA0] =	vst v5  }
0x9a: {  	v58 =	vbroadcast v2, $0x7;
	[tilespmem:s19+$0xFFFFFFC0] =	vst v56  }
0x9b: {  	v59 =	vbroadcast v2, $0x8;
	[tilespmem:s19+$0xFFFFFFD0] =	vst v57  }
0x9c: {  	v60 =	vbroadcast v2, $0xA;
	[tilespmem:s19+$0xFFFFFFF0] =	vst v58  }
0x9d: {  	v3 =	vbroadcast v2, $0x3;
	[tilespmem:s19+$0x0] =	vst v59  }
0x9e: {  	v61 =	vbroadcast v2, $0xB;
	[tilespmem:s19+$0x20] =	vst v60  }
0x9f: {  	[tilespmem:s19+$0xFFFFFFB0] =	vst v3;
	v3 =	vbroadcast v2, $0x6  }
0xa0: {  	v62 =	vbroadcast v2, $0xD;
	[tilespmem:s19+$0x30] =	vst v61  }
0xa1: {  	[tilespmem:s19+$0xFFFFFFE0] =	vst v3;
	v3 =	vbroadcast v2, $0x9  }
0xa2: {  	v63 =	vbroadcast v2, $0xE;
	[tilespmem:s19+$0x50] =	vst v62  }
0xa3: {  	[tilespmem:s19+$0x10] =	vst v3;
	v3 =	vbroadcast v2, $0xC  }
0xa4: {  	s18 =	sadd.s32 $0x1, s18;
	[tilespmem:s19+$0x60] =	vst v63;
	v2 =	vbroadcast v2, $0xF  }
0xa5: {  	p0 =	sne.s32 s18, s11;
	[tilespmem:s19+$0x40] =	vst v3  }
.Ltmp2:
0xa6: {  	[tilespmem:s19+$0x70] =	vst v2;
	(pc) =	sbr.rel @p0 .LBB2_1-.Ltmp2, $4  }
0xa7: {  	[hbm4b:s10+s3] =	stream.linear.scatter [tilespmem:s17], [sflag:$0x1], $0x2800, $0x38;
	[tilespmem:$0x3CA0] =	vst v63  }
0xa8: {  	_ =	swait.ge [sflag:s13], $0x2800  }
0xa9: {  	[sflag:s13] =	ssyncset.done $0x0  }
0xaa: {  	[sflag:s13] =	ssyncadd.s32 $0xFFFFD800  }
0xab: {  	_ =	sfence.sel $0x180000  }
0xac: {  	[bflag:$0x0] =	sbarrier.arrive $0xFFFF  }
0xad: {  	p0 =	sne.s32 s0, $0x0;
	_ =	strace $0x90000047  }
0xae: {  	s0 =	sadd.s32 @!p0 $0x100000, s1;
	[bflag:$0x2] =	sbarrier.arrive $0xFFFF  }
0xaf: {  	[sflag:s0] =	ssyncadd.tile.s32 @!p0 $0x1;
	_ =	shalt  }
.Lfunc_end2:
_tile_overlayer_lowered:
.L_overlay_start_2:
0xb0: {  	(tag) =	ssettag $0x2  }
0xb1: {  	s0 =	rddreg [dreg:$0x0];
	s2 =	stileid.u32  }
0xb2: {  	s1 =	rddreg [dreg:$0x1];
	p0 =	sne.s32 s2, $0x0  }
0xb3: {  	s3 =	rddreg [dreg:$0x2];
	[bflag:$0x3] =	sbarrier.arrive $0xFFFF;
	s2 =	simm.s32 @!p0 $0x1C01  }
0xb4: {  	[timem:s3], [sflag:s2] =	dma.local @!p0 [hbm:s0], s1  }
0xb5: {  	s0 =	simm.s32 @!p0 $0x1  }
0xb6: {  	_ =	swait.ge @!p0 [sflag:s0], s1  }
0xb7: {  	s1 =	ssub.s32 @!p0 $0x0, s1;
	[sflag:s0] =	ssyncset.done @!p0 $0x0  }
0xb8: {  	[sflag:s0] =	ssyncadd.s32 @!p0 s1  }
0xb9: {  	[bflag:$0x3] =	sbarrier.arrive $0xFFFF  }
0xba: {  	_ =	shalt  }

</sc_bundles>
